<compile_context>
chip_gen: v7x
topology: tpu7x:2x2x1
jax: 0.10.2.dev20260603
libtpu: 0.0.44.dev20260713+nightly
codegen_flags: <defaults>
</compile_context>

<pallas_src>
import jax
import jax.numpy as jnp
from jax import lax
from jax.experimental import pallas as pl
from jax.experimental.pallas import tpu as pltpu
from jax.experimental.pallas import tpu_sc as plsc

NC = 2
NS = 16
NW = NC * NS
L = 16

N_VOX = 96 * 96 * 96
NROWS_IMG = N_VOX // 96
RPW = NROWS_IMG // NW
HALF = RPW // 2
VPR = 96 // L

NBINS = 32
ROWS = NBINS + 2
INV31 = 1.0 / (NBINS - 1)
NEGK = -0.5 / (0.01 * 0.01)

WS0 = ROWS * L
SM0 = 2 * ROWS * L
PART = 1152


def _hist_body(fx_hbm, mv_hbm, out_hbm, fx_v, mv_v, part_v, sem1, sem2):
    wid = lax.axis_index("s") * NC + lax.axis_index("c")
    base = wid * RPW
    c1a = pltpu.async_copy(fx_hbm.at[pl.ds(base, HALF)],
                           fx_v.at[pl.ds(0, HALF)], sem1)
    c1b = pltpu.async_copy(mv_hbm.at[pl.ds(base, HALF)],
                           mv_v.at[pl.ds(0, HALF)], sem1)
    c2a = pltpu.async_copy(fx_hbm.at[pl.ds(base + HALF, HALF)],
                           fx_v.at[pl.ds(HALF, HALF)], sem2)
    c2b = pltpu.async_copy(mv_hbm.at[pl.ds(base + HALF, HALF)],
                           mv_v.at[pl.ds(HALF, HALF)], sem2)

    zero16 = jnp.zeros((L,), jnp.float32)
    for r in range(PART // L):
        part_v[pl.ds(r * L, L)] = zero16

    lane = lax.iota(jnp.int32, L)

    def body(r, carry):
        sm, sm2 = carry
        for v in range(VPR):
            x = fx_v[r, pl.ds(v * L, L)]
            m = mv_v[r, pl.ds(v * L, L)]
            j = (x * (NBINS - 1.0)).astype(jnp.int32)
            c0 = j.astype(jnp.float32) * INV31
            d0 = x - c0
            d1 = d0 - INV31
            w0 = jnp.exp(d0 * d0 * NEGK)
            w1 = jnp.exp(d1 * d1 * NEGK)
            idx = j * L + lane
            plsc.addupdate_scatter(part_v, [idx], w0)
            plsc.addupdate_scatter(part_v, [idx + L], w1)
            plsc.addupdate_scatter(part_v, [idx + WS0], w0 * m)
            plsc.addupdate_scatter(part_v, [idx + (WS0 + L)], w1 * m)
            sm = sm + m
            sm2 = sm2 + m * m
        return sm, sm2

    c1a.wait()
    c1b.wait()
    carry = plsc.parallel_loop(0, HALF, step=1, unroll=1,
                               carry=(zero16, zero16))(body)
    c2a.wait()
    c2b.wait()
    sm, sm2 = plsc.parallel_loop(HALF, RPW, step=1, unroll=1,
                                 carry=carry)(body)
    part_v[pl.ds(SM0, L)] = sm
    part_v[pl.ds(SM0 + L, L)] = sm2

    pltpu.sync_copy(part_v, out_hbm.at[wid])


_hist = pl.kernel(
    _hist_body,
    out_type=jax.ShapeDtypeStruct((NW, PART), jnp.float32),
    mesh=plsc.VectorSubcoreMesh(
        core_axis_name="c", subcore_axis_name="s",
        num_cores=NC, num_subcores=NS),
    scratch_types=(
        pltpu.VMEM((RPW, 96), jnp.float32),
        pltpu.VMEM((RPW, 96), jnp.float32),
        pltpu.VMEM((PART,), jnp.float32),
        pltpu.SemaphoreType.DMA,
        pltpu.SemaphoreType.DMA,
    ),
    compiler_params=pltpu.CompilerParams(
        needs_layout_passes=False, use_tc_tiling_on_sc=True),
)


def kernel(fixed_image, moving_image, bin_centers):
    del bin_centers
    fx = fixed_image.reshape(NROWS_IMG, 96)
    mv = moving_image.reshape(NROWS_IMG, 96)
    p = _hist(fx, mv)
    tot = p.reshape(NW, PART // L, L).sum(axis=(0, 2))

    bc = tot[:NBINS]
    ws = tot[WS0 // L:WS0 // L + NBINS]
    sm = tot[SM0 // L]
    sm2 = tot[SM0 // L + 1]

    n = float(N_VOX)
    mean_int = ws / (bc + 1e-8)
    total_mean = sm / n
    bgv = jnp.sum(bc * (mean_int - total_mean) ** 2) / (jnp.sum(bc) + 1e-8)
    tv = (sm2 - sm * sm / n) / (n - 1.0)
    eta_sq = bgv / (tv + 1e-8)
    return 1.0 - eta_sq

# --- scband reference (transcript-rebuilt; emitter-appended) ---
"""Pipeline reference for scband-corr-ratio-20856361189973 (READ-ONLY COPY).

The authoritative reference and input builder live on the scoring server;
editing this copy changes nothing except your own understanding.
"""

import jax, jax.numpy as jnp
import numpy as np


def setup_inputs(seed: int = 0) -> dict:
    key = jax.random.key(seed)
    k1, k2 = jax.random.split(key)
    fixed_image = jax.random.uniform(k1, (1, 1, 96, 96, 96), dtype=jnp.float32)
    moving_image = jax.random.uniform(k2, (1, 1, 96, 96, 96), dtype=jnp.float32)
    # non-learnable buffer: bin centers (torch: linspace(0,1,bins).view(1,1,bins,1))
    bin_centers = jnp.linspace(0.0, 1.0, 32, dtype=jnp.float32)
    return {"fixed_image": fixed_image, "moving_image": moving_image, "bin_centers": bin_centers}


def reference(fixed_image, moving_image, bin_centers):
    B, C, H, W, D = fixed_image.shape
    fixed_flat = fixed_image.reshape(B, C, -1)
    moving_flat = moving_image.reshape(B, C, -1)
    bins = bin_centers.reshape(1, 1, -1, 1)  # [1,1,bins,1]
    # Parzen window soft-binning
    fixed_expanded = fixed_flat[:, :, None, :]  # [B,C,1,HWD]
    diff = fixed_expanded - bins  # [B,C,bins,HWD]
    sigma = 0.01  # hardcoded in original forward
    weights = jnp.exp(-0.5 * diff ** 2 / sigma ** 2)
    moving_expanded = moving_flat[:, :, None, :]  # [B,C,1,HWD]
    weighted_sums = jnp.sum(weights * moving_expanded, axis=3)  # [B,C,bins]
    bin_counts = jnp.sum(weights, axis=3)  # [B,C,bins]
    mean_intensities = weighted_sums / (bin_counts + 1e-08)
    total_mean = jnp.mean(moving_flat, axis=2, keepdims=True)  # [B,C,1]
    between_group_variance = jnp.sum(bin_counts * (mean_intensities - total_mean) ** 2, axis=2) / (
        jnp.sum(bin_counts, axis=2) + 1e-08)
    # torch.var defaults to unbiased (ddof=1)
    total_variance = jnp.var(moving_flat, axis=2, ddof=1)
    eta_square = between_group_variance / (total_variance + 1e-08)
    return 1 - jnp.mean(eta_square)

if __name__ == "__main__":
    import jax
    _d = setup_inputs()
    print(jax.jit(kernel)(*tuple(_d.values())))

</pallas_src>

<mosaic_0001>
#map = affine_map<(d0, d1) -> (0, 0)>
module attributes {stable_mosaic.version = 14 : i64} {
  func.func @_hist_body(%arg0: i32, %arg1: i32, %arg2: memref<9216x96xf32, #tpu.memory_space<hbm>>, %arg3: memref<9216x96xf32, #tpu.memory_space<hbm>>, %arg4: memref<32x1152xf32, #tpu.memory_space<hbm>>, %arg5: memref<288x96xf32, #tpu.memory_space<vmem>>, %arg6: memref<288x96xf32, #tpu.memory_space<vmem>>, %arg7: memref<1152xf32, #tpu.memory_space<vmem>>, %arg8: memref<!tpu.dma_semaphore, #tpu.memory_space<semaphore_mem>>, %arg9: memref<!tpu.dma_semaphore, #tpu.memory_space<semaphore_mem>>) attributes {dimension_semantics = [#tpu.dimension_semantics<core_parallel>, #tpu.dimension_semantics<subcore_parallel>], iteration_bounds = array<i64: 2, 16>, scalar_prefetch = 0 : i64, scratch_operands = 5 : i64, tpu.core_type = #tpu.core_type<sc_vector_subcore>, window_params = [{transform_indices = #map}, {transform_indices = #map}, {transform_indices = #map}]} {
    %mul3A = arith.constant 2 : i32
    %mul3A_0 = arith.muli %arg1, %mul3A : i32
    %add3A = arith.addi %mul3A_0, %arg0 : i32
    %mul3A_1 = arith.constant 288 : i32
    %mul3A_2 = arith.muli %add3A, %mul3A_1 : i32
    %dma_start3A = arith.constant 0 : i32
    %dma_start3A_3 = arith.constant 0 : i32
    %dma_start3A_4 = tpu.memref_slice %arg5[%dma_start3A, %dma_start3A_3] : memref<288x96xf32, #tpu.memory_space<vmem>> -> memref<144x96xf32, #tpu.memory_space<vmem>>
    %dma_start3A_5 = arith.constant 0 : i32
    %dma_start3A_6 = tpu.memref_slice %arg2[%mul3A_2, %dma_start3A_5] : memref<9216x96xf32, #tpu.memory_space<hbm>> -> memref<144x96xf32, #tpu.memory_space<hbm>>
    %dma_start3A_7 = arith.constant 0 : i32
    %dma_start3A_8 = arith.constant 0 : i32
    %dma_start3A_9 = tpu.memref_slice %arg5[%dma_start3A_7, %dma_start3A_8] : memref<288x96xf32, #tpu.memory_space<vmem>> -> memref<144x96xf32, #tpu.memory_space<vmem>>
    %dma_start3A_10 = arith.constant 0 : i32
    %dma_start3A_11 = tpu.memref_slice %arg2[%mul3A_2, %dma_start3A_10] : memref<9216x96xf32, #tpu.memory_space<hbm>> -> memref<144x96xf32, #tpu.memory_space<hbm>>
    tpu.enqueue_dma source(%dma_start3A_11 : memref<144x96xf32, #tpu.memory_space<hbm>>) target(%dma_start3A_9 : memref<144x96xf32, #tpu.memory_space<vmem>>) target_semaphore(%arg8 : memref<!tpu.dma_semaphore, #tpu.memory_space<semaphore_mem>>)
    %dma_start3A_12 = arith.constant 0 : i32
    %dma_start3A_13 = arith.constant 0 : i32
    %dma_start3A_14 = tpu.memref_slice %arg6[%dma_start3A_12, %dma_start3A_13] : memref<288x96xf32, #tpu.memory_space<vmem>> -> memref<144x96xf32, #tpu.memory_space<vmem>>
    %dma_start3A_15 = arith.constant 0 : i32
    %dma_start3A_16 = tpu.memref_slice %arg3[%mul3A_2, %dma_start3A_15] : memref<9216x96xf32, #tpu.memory_space<hbm>> -> memref<144x96xf32, #tpu.memory_space<hbm>>
    %dma_start3A_17 = arith.constant 0 : i32
    %dma_start3A_18 = arith.constant 0 : i32
    %dma_start3A_19 = tpu.memref_slice %arg6[%dma_start3A_17, %dma_start3A_18] : memref<288x96xf32, #tpu.memory_space<vmem>> -> memref<144x96xf32, #tpu.memory_space<vmem>>
    %dma_start3A_20 = arith.constant 0 : i32
    %dma_start3A_21 = tpu.memref_slice %arg3[%mul3A_2, %dma_start3A_20] : memref<9216x96xf32, #tpu.memory_space<hbm>> -> memref<144x96xf32, #tpu.memory_space<hbm>>
    tpu.enqueue_dma source(%dma_start3A_21 : memref<144x96xf32, #tpu.memory_space<hbm>>) target(%dma_start3A_19 : memref<144x96xf32, #tpu.memory_space<vmem>>) target_semaphore(%arg8 : memref<!tpu.dma_semaphore, #tpu.memory_space<semaphore_mem>>)
    %add3A_22 = arith.constant 144 : i32
    %add3A_23 = arith.addi %mul3A_2, %add3A_22 : i32
    %dma_start3A_24 = arith.constant 144 : i32
    %dma_start3A_25 = arith.constant 0 : i32
    %dma_start3A_26 = tpu.memref_slice %arg5[%dma_start3A_24, %dma_start3A_25] : memref<288x96xf32, #tpu.memory_space<vmem>> -> memref<144x96xf32, #tpu.memory_space<vmem>>
    %dma_start3A_27 = arith.constant 0 : i32
    %dma_start3A_28 = tpu.memref_slice %arg2[%add3A_23, %dma_start3A_27] : memref<9216x96xf32, #tpu.memory_space<hbm>> -> memref<144x96xf32, #tpu.memory_space<hbm>>
    %dma_start3A_29 = arith.constant 144 : i32
    %dma_start3A_30 = arith.constant 0 : i32
    %dma_start3A_31 = tpu.memref_slice %arg5[%dma_start3A_29, %dma_start3A_30] : memref<288x96xf32, #tpu.memory_space<vmem>> -> memref<144x96xf32, #tpu.memory_space<vmem>>
    %dma_start3A_32 = arith.constant 0 : i32
    %dma_start3A_33 = tpu.memref_slice %arg2[%add3A_23, %dma_start3A_32] : memref<9216x96xf32, #tpu.memory_space<hbm>> -> memref<144x96xf32, #tpu.memory_space<hbm>>
    tpu.enqueue_dma source(%dma_start3A_33 : memref<144x96xf32, #tpu.memory_space<hbm>>) target(%dma_start3A_31 : memref<144x96xf32, #tpu.memory_space<vmem>>) target_semaphore(%arg9 : memref<!tpu.dma_semaphore, #tpu.memory_space<semaphore_mem>>)
    %add3A_34 = arith.constant 144 : i32
    %add3A_35 = arith.addi %mul3A_2, %add3A_34 : i32
    %dma_start3A_36 = arith.constant 144 : i32
    %dma_start3A_37 = arith.constant 0 : i32
    %dma_start3A_38 = tpu.memref_slice %arg6[%dma_start3A_36, %dma_start3A_37] : memref<288x96xf32, #tpu.memory_space<vmem>> -> memref<144x96xf32, #tpu.memory_space<vmem>>
    %dma_start3A_39 = arith.constant 0 : i32
    %dma_start3A_40 = tpu.memref_slice %arg3[%add3A_35, %dma_start3A_39] : memref<9216x96xf32, #tpu.memory_space<hbm>> -> memref<144x96xf32, #tpu.memory_space<hbm>>
    %dma_start3A_41 = arith.constant 144 : i32
    %dma_start3A_42 = arith.constant 0 : i32
    %dma_start3A_43 = tpu.memref_slice %arg6[%dma_start3A_41, %dma_start3A_42] : memref<288x96xf32, #tpu.memory_space<vmem>> -> memref<144x96xf32, #tpu.memory_space<vmem>>
    %dma_start3A_44 = arith.constant 0 : i32
    %dma_start3A_45 = tpu.memref_slice %arg3[%add3A_35, %dma_start3A_44] : memref<9216x96xf32, #tpu.memory_space<hbm>> -> memref<144x96xf32, #tpu.memory_space<hbm>>
    tpu.enqueue_dma source(%dma_start3A_45 : memref<144x96xf32, #tpu.memory_space<hbm>>) target(%dma_start3A_43 : memref<144x96xf32, #tpu.memory_space<vmem>>) target_semaphore(%arg9 : memref<!tpu.dma_semaphore, #tpu.memory_space<semaphore_mem>>)
    %broadcast_in_dim3A = arith.constant 0.000000e+00 : f32
    %broadcast_in_dim3A_46 = vector.broadcast %broadcast_in_dim3A : f32 to vector<16xf32>
    %swap3A = arith.constant 0 : index
    %swap3A_47 = tpu.vector_load %arg7[%swap3A] {strides = array<i32>} : memref<1152xf32, #tpu.memory_space<vmem>>, vector<16xf32>,
    tpu.vector_store %arg7[%swap3A], %broadcast_in_dim3A_46 {strides = array<i32>} : memref<1152xf32, #tpu.memory_space<vmem>>, vector<16xf32>,
    %swap3A_48 = arith.constant 16 : index
    %swap3A_49 = tpu.vector_load %arg7[%swap3A_48] {strides = array<i32>} : memref<1152xf32, #tpu.memory_space<vmem>>, vector<16xf32>,
    tpu.vector_store %arg7[%swap3A_48], %broadcast_in_dim3A_46 {strides = array<i32>} : memref<1152xf32, #tpu.memory_space<vmem>>, vector<16xf32>,
    %swap3A_50 = arith.constant 32 : index
    %swap3A_51 = tpu.vector_load %arg7[%swap3A_50] {strides = array<i32>} : memref<1152xf32, #tpu.memory_space<vmem>>, vector<16xf32>,
    tpu.vector_store %arg7[%swap3A_50], %broadcast_in_dim3A_46 {strides = array<i32>} : memref<1152xf32, #tpu.memory_space<vmem>>, vector<16xf32>,
    %swap3A_52 = arith.constant 48 : index
    %swap3A_53 = tpu.vector_load %arg7[%swap3A_52] {strides = array<i32>} : memref<1152xf32, #tpu.memory_space<vmem>>, vector<16xf32>,
    tpu.vector_store %arg7[%swap3A_52], %broadcast_in_dim3A_46 {strides = array<i32>} : memref<1152xf32, #tpu.memory_space<vmem>>, vector<16xf32>,
    %swap3A_54 = arith.constant 64 : index
    %swap3A_55 = tpu.vector_load %arg7[%swap3A_54] {strides = array<i32>} : memref<1152xf32, #tpu.memory_space<vmem>>, vector<16xf32>,
    tpu.vector_store %arg7[%swap3A_54], %broadcast_in_dim3A_46 {strides = array<i32>} : memref<1152xf32, #tpu.memory_space<vmem>>, vector<16xf32>,
    %swap3A_56 = arith.constant 80 : index
    %swap3A_57 = tpu.vector_load %arg7[%swap3A_56] {strides = array<i32>} : memref<1152xf32, #tpu.memory_space<vmem>>, vector<16xf32>,
    tpu.vector_store %arg7[%swap3A_56], %broadcast_in_dim3A_46 {strides = array<i32>} : memref<1152xf32, #tpu.memory_space<vmem>>, vector<16xf32>,
    %swap3A_58 = arith.constant 96 : index
    %swap3A_59 = tpu.vector_load %arg7[%swap3A_58] {strides = array<i32>} : memref<1152xf32, #tpu.memory_space<vmem>>, vector<16xf32>,
    tpu.vector_store %arg7[%swap3A_58], %broadcast_in_dim3A_46 {strides = array<i32>} : memref<1152xf32, #tpu.memory_space<vmem>>, vector<16xf32>,
    %swap3A_60 = arith.constant 112 : index
    %swap3A_61 = tpu.vector_load %arg7[%swap3A_60] {strides = array<i32>} : memref<1152xf32, #tpu.memory_space<vmem>>, vector<16xf32>,
    tpu.vector_store %arg7[%swap3A_60], %broadcast_in_dim3A_46 {strides = array<i32>} : memref<1152xf32, #tpu.memory_space<vmem>>, vector<16xf32>,
    %swap3A_62 = arith.constant 128 : index
    %swap3A_63 = tpu.vector_load %arg7[%swap3A_62] {strides = array<i32>} : memref<1152xf32, #tpu.memory_space<vmem>>, vector<16xf32>,
    tpu.vector_store %arg7[%swap3A_62], %broadcast_in_dim3A_46 {strides = array<i32>} : memref<1152xf32, #tpu.memory_space<vmem>>, vector<16xf32>,
    %swap3A_64 = arith.constant 144 : index
    %swap3A_65 = tpu.vector_load %arg7[%swap3A_64] {strides = array<i32>} : memref<1152xf32, #tpu.memory_space<vmem>>, vector<16xf32>,
    tpu.vector_store %arg7[%swap3A_64], %broadcast_in_dim3A_46 {strides = array<i32>} : memref<1152xf32, #tpu.memory_space<vmem>>, vector<16xf32>,
    %swap3A_66 = arith.constant 160 : index
    %swap3A_67 = tpu.vector_load %arg7[%swap3A_66] {strides = array<i32>} : memref<1152xf32, #tpu.memory_space<vmem>>, vector<16xf32>,
    tpu.vector_store %arg7[%swap3A_66], %broadcast_in_dim3A_46 {strides = array<i32>} : memref<1152xf32, #tpu.memory_space<vmem>>, vector<16xf32>,
    %swap3A_68 = arith.constant 176 : index
    %swap3A_69 = tpu.vector_load %arg7[%swap3A_68] {strides = array<i32>} : memref<1152xf32, #tpu.memory_space<vmem>>, vector<16xf32>,
    tpu.vector_store %arg7[%swap3A_68], %broadcast_in_dim3A_46 {strides = array<i32>} : memref<1152xf32, #tpu.memory_space<vmem>>, vector<16xf32>,
    %swap3A_70 = arith.constant 192 : index
    %swap3A_71 = tpu.vector_load %arg7[%swap3A_70] {strides = array<i32>} : memref<1152xf32, #tpu.memory_space<vmem>>, vector<16xf32>,
    tpu.vector_store %arg7[%swap3A_70], %broadcast_in_dim3A_46 {strides = array<i32>} : memref<1152xf32, #tpu.memory_space<vmem>>, vector<16xf32>,
    %swap3A_72 = arith.constant 208 : index
    %swap3A_73 = tpu.vector_load %arg7[%swap3A_72] {strides = array<i32>} : memref<1152xf32, #tpu.memory_space<vmem>>, vector<16xf32>,
    tpu.vector_store %arg7[%swap3A_72], %broadcast_in_dim3A_46 {strides = array<i32>} : memref<1152xf32, #tpu.memory_space<vmem>>, vector<16xf32>,
    %swap3A_74 = arith.constant 224 : index
    %swap3A_75 = tpu.vector_load %arg7[%swap3A_74] {strides = array<i32>} : memref<1152xf32, #tpu.memory_space<vmem>>, vector<16xf32>,
    tpu.vector_store %arg7[%swap3A_74], %broadcast_in_dim3A_46 {strides = array<i32>} : memref<1152xf32, #tpu.memory_space<vmem>>, vector<16xf32>,
    %swap3A_76 = arith.constant 240 : index
    %swap3A_77 = tpu.vector_load %arg7[%swap3A_76] {strides = array<i32>} : memref<1152xf32, #tpu.memory_space<vmem>>, vector<16xf32>,
    tpu.vector_store %arg7[%swap3A_76], %broadcast_in_dim3A_46 {strides = array<i32>} : memref<1152xf32, #tpu.memory_space<vmem>>, vector<16xf32>,
    %swap3A_78 = arith.constant 256 : index
    %swap3A_79 = tpu.vector_load %arg7[%swap3A_78] {strides = array<i32>} : memref<1152xf32, #tpu.memory_space<vmem>>, vector<16xf32>,
    tpu.vector_store %arg7[%swap3A_78], %broadcast_in_dim3A_46 {strides = array<i32>} : memref<1152xf32, #tpu.memory_space<vmem>>, vector<16xf32>,
    %swap3A_80 = arith.constant 272 : index
    %swap3A_81 = tpu.vector_load %arg7[%swap3A_80] {strides = array<i32>} : memref<1152xf32, #tpu.memory_space<vmem>>, vector<16xf32>,
    tpu.vector_store %arg7[%swap3A_80], %broadcast_in_dim3A_46 {strides = array<i32>} : memref<1152xf32, #tpu.memory_space<vmem>>, vector<16xf32>,
    %swap3A_82 = arith.constant 288 : index
    %swap3A_83 = tpu.vector_load %arg7[%swap3A_82] {strides = array<i32>} : memref<1152xf32, #tpu.memory_space<vmem>>, vector<16xf32>,
    tpu.vector_store %arg7[%swap3A_82], %broadcast_in_dim3A_46 {strides = array<i32>} : memref<1152xf32, #tpu.memory_space<vmem>>, vector<16xf32>,
    %swap3A_84 = arith.constant 304 : index
    %swap3A_85 = tpu.vector_load %arg7[%swap3A_84] {strides = array<i32>} : memref<1152xf32, #tpu.memory_space<vmem>>, vector<16xf32>,
    tpu.vector_store %arg7[%swap3A_84], %broadcast_in_dim3A_46 {strides = array<i32>} : memref<1152xf32, #tpu.memory_space<vmem>>, vector<16xf32>,
    %swap3A_86 = arith.constant 320 : index
    %swap3A_87 = tpu.vector_load %arg7[%swap3A_86] {strides = array<i32>} : memref<1152xf32, #tpu.memory_space<vmem>>, vector<16xf32>,
    tpu.vector_store %arg7[%swap3A_86], %broadcast_in_dim3A_46 {strides = array<i32>} : memref<1152xf32, #tpu.memory_space<vmem>>, vector<16xf32>,
    %swap3A_88 = arith.constant 336 : index
    %swap3A_89 = tpu.vector_load %arg7[%swap3A_88] {strides = array<i32>} : memref<1152xf32, #tpu.memory_space<vmem>>, vector<16xf32>,
    tpu.vector_store %arg7[%swap3A_88], %broadcast_in_dim3A_46 {strides = array<i32>} : memref<1152xf32, #tpu.memory_space<vmem>>, vector<16xf32>,
    %swap3A_90 = arith.constant 352 : index
    %swap3A_91 = tpu.vector_load %arg7[%swap3A_90] {strides = array<i32>} : memref<1152xf32, #tpu.memory_space<vmem>>, vector<16xf32>,
    tpu.vector_store %arg7[%swap3A_90], %broadcast_in_dim3A_46 {strides = array<i32>} : memref<1152xf32, #tpu.memory_space<vmem>>, vector<16xf32>,
    %swap3A_92 = arith.constant 368 : index
    %swap3A_93 = tpu.vector_load %arg7[%swap3A_92] {strides = array<i32>} : memref<1152xf32, #tpu.memory_space<vmem>>, vector<16xf32>,
    tpu.vector_store %arg7[%swap3A_92], %broadcast_in_dim3A_46 {strides = array<i32>} : memref<1152xf32, #tpu.memory_space<vmem>>, vector<16xf32>,
    %swap3A_94 = arith.constant 384 : index
    %swap3A_95 = tpu.vector_load %arg7[%swap3A_94] {strides = array<i32>} : memref<1152xf32, #tpu.memory_space<vmem>>, vector<16xf32>,
    tpu.vector_store %arg7[%swap3A_94], %broadcast_in_dim3A_46 {strides = array<i32>} : memref<1152xf32, #tpu.memory_space<vmem>>, vector<16xf32>,
    %swap3A_96 = arith.constant 400 : index
    %swap3A_97 = tpu.vector_load %arg7[%swap3A_96] {strides = array<i32>} : memref<1152xf32, #tpu.memory_space<vmem>>, vector<16xf32>,
    tpu.vector_store %arg7[%swap3A_96], %broadcast_in_dim3A_46 {strides = array<i32>} : memref<1152xf32, #tpu.memory_space<vmem>>, vector<16xf32>,
    %swap3A_98 = arith.constant 416 : index
    %swap3A_99 = tpu.vector_load %arg7[%swap3A_98] {strides = array<i32>} : memref<1152xf32, #tpu.memory_space<vmem>>, vector<16xf32>,
    tpu.vector_store %arg7[%swap3A_98], %broadcast_in_dim3A_46 {strides = array<i32>} : memref<1152xf32, #tpu.memory_space<vmem>>, vector<16xf32>,
    %swap3A_100 = arith.constant 432 : index
    %swap3A_101 = tpu.vector_load %arg7[%swap3A_100] {strides = array<i32>} : memref<1152xf32, #tpu.memory_space<vmem>>, vector<16xf32>,
    tpu.vector_store %arg7[%swap3A_100], %broadcast_in_dim3A_46 {strides = array<i32>} : memref<1152xf32, #tpu.memory_space<vmem>>, vector<16xf32>,
    %swap3A_102 = arith.constant 448 : index
    %swap3A_103 = tpu.vector_load %arg7[%swap3A_102] {strides = array<i32>} : memref<1152xf32, #tpu.memory_space<vmem>>, vector<16xf32>,
    tpu.vector_store %arg7[%swap3A_102], %broadcast_in_dim3A_46 {strides = array<i32>} : memref<1152xf32, #tpu.memory_space<vmem>>, vector<16xf32>,
    %swap3A_104 = arith.constant 464 : index
    %swap3A_105 = tpu.vector_load %arg7[%swap3A_104] {strides = array<i32>} : memref<1152xf32, #tpu.memory_space<vmem>>, vector<16xf32>,
    tpu.vector_store %arg7[%swap3A_104], %broadcast_in_dim3A_46 {strides = array<i32>} : memref<1152xf32, #tpu.memory_space<vmem>>, vector<16xf32>,
    %swap3A_106 = arith.constant 480 : index
    %swap3A_107 = tpu.vector_load %arg7[%swap3A_106] {strides = array<i32>} : memref<1152xf32, #tpu.memory_space<vmem>>, vector<16xf32>,
    tpu.vector_store %arg7[%swap3A_106], %broadcast_in_dim3A_46 {strides = array<i32>} : memref<1152xf32, #tpu.memory_space<vmem>>, vector<16xf32>,
    %swap3A_108 = arith.constant 496 : index
    %swap3A_109 = tpu.vector_load %arg7[%swap3A_108] {strides = array<i32>} : memref<1152xf32, #tpu.memory_space<vmem>>, vector<16xf32>,
    tpu.vector_store %arg7[%swap3A_108], %broadcast_in_dim3A_46 {strides = array<i32>} : memref<1152xf32, #tpu.memory_space<vmem>>, vector<16xf32>,
    %swap3A_110 = arith.constant 512 : index
    %swap3A_111 = tpu.vector_load %arg7[%swap3A_110] {strides = array<i32>} : memref<1152xf32, #tpu.memory_space<vmem>>, vector<16xf32>,
    tpu.vector_store %arg7[%swap3A_110], %broadcast_in_dim3A_46 {strides = array<i32>} : memref<1152xf32, #tpu.memory_space<vmem>>, vector<16xf32>,
    %swap3A_112 = arith.constant 528 : index
    %swap3A_113 = tpu.vector_load %arg7[%swap3A_112] {strides = array<i32>} : memref<1152xf32, #tpu.memory_space<vmem>>, vector<16xf32>,
    tpu.vector_store %arg7[%swap3A_112], %broadcast_in_dim3A_46 {strides = array<i32>} : memref<1152xf32, #tpu.memory_space<vmem>>, vector<16xf32>,
    %swap3A_114 = arith.constant 544 : index
    %swap3A_115 = tpu.vector_load %arg7[%swap3A_114] {strides = array<i32>} : memref<1152xf32, #tpu.memory_space<vmem>>, vector<16xf32>,
    tpu.vector_store %arg7[%swap3A_114], %broadcast_in_dim3A_46 {strides = array<i32>} : memref<1152xf32, #tpu.memory_space<vmem>>, vector<16xf32>,
    %swap3A_116 = arith.constant 560 : index
    %swap3A_117 = tpu.vector_load %arg7[%swap3A_116] {strides = array<i32>} : memref<1152xf32, #tpu.memory_space<vmem>>, vector<16xf32>,
    tpu.vector_store %arg7[%swap3A_116], %broadcast_in_dim3A_46 {strides = array<i32>} : memref<1152xf32, #tpu.memory_space<vmem>>, vector<16xf32>,
    %swap3A_118 = arith.constant 576 : index
    %swap3A_119 = tpu.vector_load %arg7[%swap3A_118] {strides = array<i32>} : memref<1152xf32, #tpu.memory_space<vmem>>, vector<16xf32>,
    tpu.vector_store %arg7[%swap3A_118], %broadcast_in_dim3A_46 {strides = array<i32>} : memref<1152xf32, #tpu.memory_space<vmem>>, vector<16xf32>,
    %swap3A_120 = arith.constant 592 : index
    %swap3A_121 = tpu.vector_load %arg7[%swap3A_120] {strides = array<i32>} : memref<1152xf32, #tpu.memory_space<vmem>>, vector<16xf32>,
    tpu.vector_store %arg7[%swap3A_120], %broadcast_in_dim3A_46 {strides = array<i32>} : memref<1152xf32, #tpu.memory_space<vmem>>, vector<16xf32>,
    %swap3A_122 = arith.constant 608 : index
    %swap3A_123 = tpu.vector_load %arg7[%swap3A_122] {strides = array<i32>} : memref<1152xf32, #tpu.memory_space<vmem>>, vector<16xf32>,
    tpu.vector_store %arg7[%swap3A_122], %broadcast_in_dim3A_46 {strides = array<i32>} : memref<1152xf32, #tpu.memory_space<vmem>>, vector<16xf32>,
    %swap3A_124 = arith.constant 624 : index
    %swap3A_125 = tpu.vector_load %arg7[%swap3A_124] {strides = array<i32>} : memref<1152xf32, #tpu.memory_space<vmem>>, vector<16xf32>,
    tpu.vector_store %arg7[%swap3A_124], %broadcast_in_dim3A_46 {strides = array<i32>} : memref<1152xf32, #tpu.memory_space<vmem>>, vector<16xf32>,
    %swap3A_126 = arith.constant 640 : index
    %swap3A_127 = tpu.vector_load %arg7[%swap3A_126] {strides = array<i32>} : memref<1152xf32, #tpu.memory_space<vmem>>, vector<16xf32>,
    tpu.vector_store %arg7[%swap3A_126], %broadcast_in_dim3A_46 {strides = array<i32>} : memref<1152xf32, #tpu.memory_space<vmem>>, vector<16xf32>,
    %swap3A_128 = arith.constant 656 : index
    %swap3A_129 = tpu.vector_load %arg7[%swap3A_128] {strides = array<i32>} : memref<1152xf32, #tpu.memory_space<vmem>>, vector<16xf32>,
    tpu.vector_store %arg7[%swap3A_128], %broadcast_in_dim3A_46 {strides = array<i32>} : memref<1152xf32, #tpu.memory_space<vmem>>, vector<16xf32>,
    %swap3A_130 = arith.constant 672 : index
    %swap3A_131 = tpu.vector_load %arg7[%swap3A_130] {strides = array<i32>} : memref<1152xf32, #tpu.memory_space<vmem>>, vector<16xf32>,
    tpu.vector_store %arg7[%swap3A_130], %broadcast_in_dim3A_46 {strides = array<i32>} : memref<1152xf32, #tpu.memory_space<vmem>>, vector<16xf32>,
    %swap3A_132 = arith.constant 688 : index
    %swap3A_133 = tpu.vector_load %arg7[%swap3A_132] {strides = array<i32>} : memref<1152xf32, #tpu.memory_space<vmem>>, vector<16xf32>,
    tpu.vector_store %arg7[%swap3A_132], %broadcast_in_dim3A_46 {strides = array<i32>} : memref<1152xf32, #tpu.memory_space<vmem>>, vector<16xf32>,
    %swap3A_134 = arith.constant 704 : index
    %swap3A_135 = tpu.vector_load %arg7[%swap3A_134] {strides = array<i32>} : memref<1152xf32, #tpu.memory_space<vmem>>, vector<16xf32>,
    tpu.vector_store %arg7[%swap3A_134], %broadcast_in_dim3A_46 {strides = array<i32>} : memref<1152xf32, #tpu.memory_space<vmem>>, vector<16xf32>,
    %swap3A_136 = arith.constant 720 : index
    %swap3A_137 = tpu.vector_load %arg7[%swap3A_136] {strides = array<i32>} : memref<1152xf32, #tpu.memory_space<vmem>>, vector<16xf32>,
    tpu.vector_store %arg7[%swap3A_136], %broadcast_in_dim3A_46 {strides = array<i32>} : memref<1152xf32, #tpu.memory_space<vmem>>, vector<16xf32>,
    %swap3A_138 = arith.constant 736 : index
    %swap3A_139 = tpu.vector_load %arg7[%swap3A_138] {strides = array<i32>} : memref<1152xf32, #tpu.memory_space<vmem>>, vector<16xf32>,
    tpu.vector_store %arg7[%swap3A_138], %broadcast_in_dim3A_46 {strides = array<i32>} : memref<1152xf32, #tpu.memory_space<vmem>>, vector<16xf32>,
    %swap3A_140 = arith.constant 752 : index
    %swap3A_141 = tpu.vector_load %arg7[%swap3A_140] {strides = array<i32>} : memref<1152xf32, #tpu.memory_space<vmem>>, vector<16xf32>,
    tpu.vector_store %arg7[%swap3A_140], %broadcast_in_dim3A_46 {strides = array<i32>} : memref<1152xf32, #tpu.memory_space<vmem>>, vector<16xf32>,
    %swap3A_142 = arith.constant 768 : index
    %swap3A_143 = tpu.vector_load %arg7[%swap3A_142] {strides = array<i32>} : memref<1152xf32, #tpu.memory_space<vmem>>, vector<16xf32>,
    tpu.vector_store %arg7[%swap3A_142], %broadcast_in_dim3A_46 {strides = array<i32>} : memref<1152xf32, #tpu.memory_space<vmem>>, vector<16xf32>,
    %swap3A_144 = arith.constant 784 : index
    %swap3A_145 = tpu.vector_load %arg7[%swap3A_144] {strides = array<i32>} : memref<1152xf32, #tpu.memory_space<vmem>>, vector<16xf32>,
    tpu.vector_store %arg7[%swap3A_144], %broadcast_in_dim3A_46 {strides = array<i32>} : memref<1152xf32, #tpu.memory_space<vmem>>, vector<16xf32>,
    %swap3A_146 = arith.constant 800 : index
    %swap3A_147 = tpu.vector_load %arg7[%swap3A_146] {strides = array<i32>} : memref<1152xf32, #tpu.memory_space<vmem>>, vector<16xf32>,
    tpu.vector_store %arg7[%swap3A_146], %broadcast_in_dim3A_46 {strides = array<i32>} : memref<1152xf32, #tpu.memory_space<vmem>>, vector<16xf32>,
    %swap3A_148 = arith.constant 816 : index
    %swap3A_149 = tpu.vector_load %arg7[%swap3A_148] {strides = array<i32>} : memref<1152xf32, #tpu.memory_space<vmem>>, vector<16xf32>,
    tpu.vector_store %arg7[%swap3A_148], %broadcast_in_dim3A_46 {strides = array<i32>} : memref<1152xf32, #tpu.memory_space<vmem>>, vector<16xf32>,
    %swap3A_150 = arith.constant 832 : index
    %swap3A_151 = tpu.vector_load %arg7[%swap3A_150] {strides = array<i32>} : memref<1152xf32, #tpu.memory_space<vmem>>, vector<16xf32>,
    tpu.vector_store %arg7[%swap3A_150], %broadcast_in_dim3A_46 {strides = array<i32>} : memref<1152xf32, #tpu.memory_space<vmem>>, vector<16xf32>,
    %swap3A_152 = arith.constant 848 : index
    %swap3A_153 = tpu.vector_load %arg7[%swap3A_152] {strides = array<i32>} : memref<1152xf32, #tpu.memory_space<vmem>>, vector<16xf32>,
    tpu.vector_store %arg7[%swap3A_152], %broadcast_in_dim3A_46 {strides = array<i32>} : memref<1152xf32, #tpu.memory_space<vmem>>, vector<16xf32>,
    %swap3A_154 = arith.constant 864 : index
    %swap3A_155 = tpu.vector_load %arg7[%swap3A_154] {strides = array<i32>} : memref<1152xf32, #tpu.memory_space<vmem>>, vector<16xf32>,
    tpu.vector_store %arg7[%swap3A_154], %broadcast_in_dim3A_46 {strides = array<i32>} : memref<1152xf32, #tpu.memory_space<vmem>>, vector<16xf32>,
    %swap3A_156 = arith.constant 880 : index
    %swap3A_157 = tpu.vector_load %arg7[%swap3A_156] {strides = array<i32>} : memref<1152xf32, #tpu.memory_space<vmem>>, vector<16xf32>,
    tpu.vector_store %arg7[%swap3A_156], %broadcast_in_dim3A_46 {strides = array<i32>} : memref<1152xf32, #tpu.memory_space<vmem>>, vector<16xf32>,
    %swap3A_158 = arith.constant 896 : index
    %swap3A_159 = tpu.vector_load %arg7[%swap3A_158] {strides = array<i32>} : memref<1152xf32, #tpu.memory_space<vmem>>, vector<16xf32>,
    tpu.vector_store %arg7[%swap3A_158], %broadcast_in_dim3A_46 {strides = array<i32>} : memref<1152xf32, #tpu.memory_space<vmem>>, vector<16xf32>,
    %swap3A_160 = arith.constant 912 : index
    %swap3A_161 = tpu.vector_load %arg7[%swap3A_160] {strides = array<i32>} : memref<1152xf32, #tpu.memory_space<vmem>>, vector<16xf32>,
    tpu.vector_store %arg7[%swap3A_160], %broadcast_in_dim3A_46 {strides = array<i32>} : memref<1152xf32, #tpu.memory_space<vmem>>, vector<16xf32>,
    %swap3A_162 = arith.constant 928 : index
    %swap3A_163 = tpu.vector_load %arg7[%swap3A_162] {strides = array<i32>} : memref<1152xf32, #tpu.memory_space<vmem>>, vector<16xf32>,
    tpu.vector_store %arg7[%swap3A_162], %broadcast_in_dim3A_46 {strides = array<i32>} : memref<1152xf32, #tpu.memory_space<vmem>>, vector<16xf32>,
    %swap3A_164 = arith.constant 944 : index
    %swap3A_165 = tpu.vector_load %arg7[%swap3A_164] {strides = array<i32>} : memref<1152xf32, #tpu.memory_space<vmem>>, vector<16xf32>,
    tpu.vector_store %arg7[%swap3A_164], %broadcast_in_dim3A_46 {strides = array<i32>} : memref<1152xf32, #tpu.memory_space<vmem>>, vector<16xf32>,
    %swap3A_166 = arith.constant 960 : index
    %swap3A_167 = tpu.vector_load %arg7[%swap3A_166] {strides = array<i32>} : memref<1152xf32, #tpu.memory_space<vmem>>, vector<16xf32>,
    tpu.vector_store %arg7[%swap3A_166], %broadcast_in_dim3A_46 {strides = array<i32>} : memref<1152xf32, #tpu.memory_space<vmem>>, vector<16xf32>,
    %swap3A_168 = arith.constant 976 : index
    %swap3A_169 = tpu.vector_load %arg7[%swap3A_168] {strides = array<i32>} : memref<1152xf32, #tpu.memory_space<vmem>>, vector<16xf32>,
    tpu.vector_store %arg7[%swap3A_168], %broadcast_in_dim3A_46 {strides = array<i32>} : memref<1152xf32, #tpu.memory_space<vmem>>, vector<16xf32>,
    %swap3A_170 = arith.constant 992 : index
    %swap3A_171 = tpu.vector_load %arg7[%swap3A_170] {strides = array<i32>} : memref<1152xf32, #tpu.memory_space<vmem>>, vector<16xf32>,
    tpu.vector_store %arg7[%swap3A_170], %broadcast_in_dim3A_46 {strides = array<i32>} : memref<1152xf32, #tpu.memory_space<vmem>>, vector<16xf32>,
    %swap3A_172 = arith.constant 1008 : index
    %swap3A_173 = tpu.vector_load %arg7[%swap3A_172] {strides = array<i32>} : memref<1152xf32, #tpu.memory_space<vmem>>, vector<16xf32>,
    tpu.vector_store %arg7[%swap3A_172], %broadcast_in_dim3A_46 {strides = array<i32>} : memref<1152xf32, #tpu.memory_space<vmem>>, vector<16xf32>,
    %swap3A_174 = arith.constant 1024 : index
    %swap3A_175 = tpu.vector_load %arg7[%swap3A_174] {strides = array<i32>} : memref<1152xf32, #tpu.memory_space<vmem>>, vector<16xf32>,
    tpu.vector_store %arg7[%swap3A_174], %broadcast_in_dim3A_46 {strides = array<i32>} : memref<1152xf32, #tpu.memory_space<vmem>>, vector<16xf32>,
    %swap3A_176 = arith.constant 1040 : index
    %swap3A_177 = tpu.vector_load %arg7[%swap3A_176] {strides = array<i32>} : memref<1152xf32, #tpu.memory_space<vmem>>, vector<16xf32>,
    tpu.vector_store %arg7[%swap3A_176], %broadcast_in_dim3A_46 {strides = array<i32>} : memref<1152xf32, #tpu.memory_space<vmem>>, vector<16xf32>,
    %swap3A_178 = arith.constant 1056 : index
    %swap3A_179 = tpu.vector_load %arg7[%swap3A_178] {strides = array<i32>} : memref<1152xf32, #tpu.memory_space<vmem>>, vector<16xf32>,
    tpu.vector_store %arg7[%swap3A_178], %broadcast_in_dim3A_46 {strides = array<i32>} : memref<1152xf32, #tpu.memory_space<vmem>>, vector<16xf32>,
    %swap3A_180 = arith.constant 1072 : index
    %swap3A_181 = tpu.vector_load %arg7[%swap3A_180] {strides = array<i32>} : memref<1152xf32, #tpu.memory_space<vmem>>, vector<16xf32>,
    tpu.vector_store %arg7[%swap3A_180], %broadcast_in_dim3A_46 {strides = array<i32>} : memref<1152xf32, #tpu.memory_space<vmem>>, vector<16xf32>,
    %swap3A_182 = arith.constant 1088 : index
    %swap3A_183 = tpu.vector_load %arg7[%swap3A_182] {strides = array<i32>} : memref<1152xf32, #tpu.memory_space<vmem>>, vector<16xf32>,
    tpu.vector_store %arg7[%swap3A_182], %broadcast_in_dim3A_46 {strides = array<i32>} : memref<1152xf32, #tpu.memory_space<vmem>>, vector<16xf32>,
    %swap3A_184 = arith.constant 1104 : index
    %swap3A_185 = tpu.vector_load %arg7[%swap3A_184] {strides = array<i32>} : memref<1152xf32, #tpu.memory_space<vmem>>, vector<16xf32>,
    tpu.vector_store %arg7[%swap3A_184], %broadcast_in_dim3A_46 {strides = array<i32>} : memref<1152xf32, #tpu.memory_space<vmem>>, vector<16xf32>,
    %swap3A_186 = arith.constant 1120 : index
    %swap3A_187 = tpu.vector_load %arg7[%swap3A_186] {strides = array<i32>} : memref<1152xf32, #tpu.memory_space<vmem>>, vector<16xf32>,
    tpu.vector_store %arg7[%swap3A_186], %broadcast_in_dim3A_46 {strides = array<i32>} : memref<1152xf32, #tpu.memory_space<vmem>>, vector<16xf32>,
    %swap3A_188 = arith.constant 1136 : index
    %swap3A_189 = tpu.vector_load %arg7[%swap3A_188] {strides = array<i32>} : memref<1152xf32, #tpu.memory_space<vmem>>, vector<16xf32>,
    tpu.vector_store %arg7[%swap3A_188], %broadcast_in_dim3A_46 {strides = array<i32>} : memref<1152xf32, #tpu.memory_space<vmem>>, vector<16xf32>,
    %iota3A = tpu.iota {dimensions = array<i32: 0>} : vector<16xi32>
    %dma_wait3A = arith.constant 0 : i32
    %dma_wait3A_190 = arith.constant 0 : i32
    %dma_wait3A_191 = tpu.memref_slice %arg5[%dma_wait3A, %dma_wait3A_190] : memref<288x96xf32, #tpu.memory_space<vmem>> -> memref<144x96xf32, #tpu.memory_space<vmem>>
    %dma_wait3A_192 = arith.constant 0 : i32
    %dma_wait3A_193 = tpu.memref_slice %arg2[%mul3A_2, %dma_wait3A_192] : memref<9216x96xf32, #tpu.memory_space<hbm>> -> memref<144x96xf32, #tpu.memory_space<hbm>>
    %dma_wait3A_194 = arith.constant 0 : i32
    %dma_wait3A_195 = arith.constant 0 : i32
    %dma_wait3A_196 = tpu.memref_slice %arg5[%dma_wait3A_194, %dma_wait3A_195] : memref<288x96xf32, #tpu.memory_space<vmem>> -> memref<144x96xf32, #tpu.memory_space<vmem>>
    %dma_wait3A_197 = arith.constant 0 : i32
    %dma_wait3A_198 = tpu.memref_slice %arg2[%mul3A_2, %dma_wait3A_197] : memref<9216x96xf32, #tpu.memory_space<hbm>> -> memref<144x96xf32, #tpu.memory_space<hbm>>
    tpu.wait_dma2 semaphore(%arg8 : memref<!tpu.dma_semaphore, #tpu.memory_space<semaphore_mem>>) src(%dma_wait3A_198 : memref<144x96xf32, #tpu.memory_space<hbm>>) dst(%dma_wait3A_196 : memref<144x96xf32, #tpu.memory_space<vmem>>)
    %dma_wait3A_199 = arith.constant 0 : i32
    %dma_wait3A_200 = arith.constant 0 : i32
    %dma_wait3A_201 = tpu.memref_slice %arg6[%dma_wait3A_199, %dma_wait3A_200] : memref<288x96xf32, #tpu.memory_space<vmem>> -> memref<144x96xf32, #tpu.memory_space<vmem>>
    %dma_wait3A_202 = arith.constant 0 : i32
    %dma_wait3A_203 = tpu.memref_slice %arg3[%mul3A_2, %dma_wait3A_202] : memref<9216x96xf32, #tpu.memory_space<hbm>> -> memref<144x96xf32, #tpu.memory_space<hbm>>
    %dma_wait3A_204 = arith.constant 0 : i32
    %dma_wait3A_205 = arith.constant 0 : i32
    %dma_wait3A_206 = tpu.memref_slice %arg6[%dma_wait3A_204, %dma_wait3A_205] : memref<288x96xf32, #tpu.memory_space<vmem>> -> memref<144x96xf32, #tpu.memory_space<vmem>>
    %dma_wait3A_207 = arith.constant 0 : i32
    %dma_wait3A_208 = tpu.memref_slice %arg3[%mul3A_2, %dma_wait3A_207] : memref<9216x96xf32, #tpu.memory_space<hbm>> -> memref<144x96xf32, #tpu.memory_space<hbm>>
    tpu.wait_dma2 semaphore(%arg8 : memref<!tpu.dma_semaphore, #tpu.memory_space<semaphore_mem>>) src(%dma_wait3A_208 : memref<144x96xf32, #tpu.memory_space<hbm>>) dst(%dma_wait3A_206 : memref<144x96xf32, #tpu.memory_space<vmem>>)
    %parallel_loop3A = arith.constant 0 : i32
    %parallel_loop3A_209 = arith.constant 144 : i32
    %parallel_loop3A_210 = arith.constant 1 : i32
    %parallel_loop3A_211:2 = scf.for %parallel_loop3A_240 = %parallel_loop3A to %parallel_loop3A_209 step %parallel_loop3A_210 iter_args(%parallel_loop3A_241 = %broadcast_in_dim3A_46, %parallel_loop3A_242 = %broadcast_in_dim3A_46) -> (vector<16xf32>, vector<16xf32>)  : i32 {
      %parallel_loop3A_243 = arith.index_cast %parallel_loop3A_240 : i32 to index
      %parallel_loop3A_244 = arith.constant 0 : index
      %parallel_loop3A_245 = tpu.vector_load %arg5[%parallel_loop3A_243, %parallel_loop3A_244] {strides = array<i32>} : memref<288x96xf32, #tpu.memory_space<vmem>>, vector<16xf32>,
      %parallel_loop3A_246 = arith.index_cast %parallel_loop3A_240 : i32 to index
      %parallel_loop3A_247 = arith.constant 0 : index
      %parallel_loop3A_248 = tpu.vector_load %arg6[%parallel_loop3A_246, %parallel_loop3A_247] {strides = array<i32>} : memref<288x96xf32, #tpu.memory_space<vmem>>, vector<16xf32>,
      %parallel_loop3A_249 = arith.constant 3.100000e+01 : f32
      %parallel_loop3A_250 = vector.broadcast %parallel_loop3A_249 : f32 to vector<16xf32>
      %parallel_loop3A_251 = arith.mulf %parallel_loop3A_245, %parallel_loop3A_250 : vector<16xf32>
      %parallel_loop3A_252 = arith.fptosi %parallel_loop3A_251 : vector<16xf32> to vector<16xi32>
      %parallel_loop3A_253 = arith.sitofp %parallel_loop3A_252 : vector<16xi32> to vector<16xf32>
      %parallel_loop3A_254 = arith.constant 0.0322580636 : f32
      %parallel_loop3A_255 = vector.broadcast %parallel_loop3A_254 : f32 to vector<16xf32>
      %parallel_loop3A_256 = arith.mulf %parallel_loop3A_253, %parallel_loop3A_255 : vector<16xf32>
      %parallel_loop3A_257 = arith.subf %parallel_loop3A_245, %parallel_loop3A_256 : vector<16xf32>
      %parallel_loop3A_258 = arith.constant 0.0322580636 : f32
      %parallel_loop3A_259 = vector.broadcast %parallel_loop3A_258 : f32 to vector<16xf32>
      %parallel_loop3A_260 = arith.subf %parallel_loop3A_257, %parallel_loop3A_259 : vector<16xf32>
      %parallel_loop3A_261 = arith.mulf %parallel_loop3A_257, %parallel_loop3A_257 : vector<16xf32>
      %parallel_loop3A_262 = arith.constant -5.000000e+03 : f32
      %parallel_loop3A_263 = vector.broadcast %parallel_loop3A_262 : f32 to vector<16xf32>
      %parallel_loop3A_264 = arith.mulf %parallel_loop3A_261, %parallel_loop3A_263 : vector<16xf32>
      %parallel_loop3A_265 = math.exp %parallel_loop3A_264 : vector<16xf32>
      %parallel_loop3A_266 = arith.mulf %parallel_loop3A_260, %parallel_loop3A_260 : vector<16xf32>
      %parallel_loop3A_267 = arith.constant -5.000000e+03 : f32
      %parallel_loop3A_268 = vector.broadcast %parallel_loop3A_267 : f32 to vector<16xf32>
      %parallel_loop3A_269 = arith.mulf %parallel_loop3A_266, %parallel_loop3A_268 : vector<16xf32>
      %parallel_loop3A_270 = math.exp %parallel_loop3A_269 : vector<16xf32>
      %parallel_loop3A_271 = arith.constant 16 : i32
      %parallel_loop3A_272 = vector.broadcast %parallel_loop3A_271 : i32 to vector<16xi32>
      %parallel_loop3A_273 = arith.muli %parallel_loop3A_252, %parallel_loop3A_272 : vector<16xi32>
      %parallel_loop3A_274 = arith.addi %parallel_loop3A_273, %iota3A : vector<16xi32>
      tpu.vector_store_idx %arg7[%parallel_loop3A_274], %parallel_loop3A_265 {add = true} : memref<1152xf32, #tpu.memory_space<vmem>>[vector<16xi32>], vector<16xf32>,
      %parallel_loop3A_275 = arith.constant 16 : i32
      %parallel_loop3A_276 = vector.broadcast %parallel_loop3A_275 : i32 to vector<16xi32>
      %parallel_loop3A_277 = arith.addi %parallel_loop3A_274, %parallel_loop3A_276 : vector<16xi32>
      tpu.vector_store_idx %arg7[%parallel_loop3A_277], %parallel_loop3A_270 {add = true} : memref<1152xf32, #tpu.memory_space<vmem>>[vector<16xi32>], vector<16xf32>,
      %parallel_loop3A_278 = arith.constant 544 : i32
      %parallel_loop3A_279 = vector.broadcast %parallel_loop3A_278 : i32 to vector<16xi32>
      %parallel_loop3A_280 = arith.addi %parallel_loop3A_274, %parallel_loop3A_279 : vector<16xi32>
      %parallel_loop3A_281 = arith.mulf %parallel_loop3A_265, %parallel_loop3A_248 : vector<16xf32>
      tpu.vector_store_idx %arg7[%parallel_loop3A_280], %parallel_loop3A_281 {add = true} : memref<1152xf32, #tpu.memory_space<vmem>>[vector<16xi32>], vector<16xf32>,
      %parallel_loop3A_282 = arith.constant 560 : i32
      %parallel_loop3A_283 = vector.broadcast %parallel_loop3A_282 : i32 to vector<16xi32>
      %parallel_loop3A_284 = arith.addi %parallel_loop3A_274, %parallel_loop3A_283 : vector<16xi32>
      %parallel_loop3A_285 = arith.mulf %parallel_loop3A_270, %parallel_loop3A_248 : vector<16xf32>
      tpu.vector_store_idx %arg7[%parallel_loop3A_284], %parallel_loop3A_285 {add = true} : memref<1152xf32, #tpu.memory_space<vmem>>[vector<16xi32>], vector<16xf32>,
      %parallel_loop3A_286 = arith.addf %parallel_loop3A_241, %parallel_loop3A_248 : vector<16xf32>
      %parallel_loop3A_287 = arith.mulf %parallel_loop3A_248, %parallel_loop3A_248 : vector<16xf32>
      %parallel_loop3A_288 = arith.addf %parallel_loop3A_242, %parallel_loop3A_287 : vector<16xf32>
      %parallel_loop3A_289 = arith.index_cast %parallel_loop3A_240 : i32 to index
      %parallel_loop3A_290 = arith.constant 16 : index
      %parallel_loop3A_291 = tpu.vector_load %arg5[%parallel_loop3A_289, %parallel_loop3A_290] {strides = array<i32>} : memref<288x96xf32, #tpu.memory_space<vmem>>, vector<16xf32>,
      %parallel_loop3A_292 = arith.index_cast %parallel_loop3A_240 : i32 to index
      %parallel_loop3A_293 = arith.constant 16 : index
      %parallel_loop3A_294 = tpu.vector_load %arg6[%parallel_loop3A_292, %parallel_loop3A_293] {strides = array<i32>} : memref<288x96xf32, #tpu.memory_space<vmem>>, vector<16xf32>,
      %parallel_loop3A_295 = arith.constant 3.100000e+01 : f32
      %parallel_loop3A_296 = vector.broadcast %parallel_loop3A_295 : f32 to vector<16xf32>
      %parallel_loop3A_297 = arith.mulf %parallel_loop3A_291, %parallel_loop3A_296 : vector<16xf32>
      %parallel_loop3A_298 = arith.fptosi %parallel_loop3A_297 : vector<16xf32> to vector<16xi32>
      %parallel_loop3A_299 = arith.sitofp %parallel_loop3A_298 : vector<16xi32> to vector<16xf32>
      %parallel_loop3A_300 = arith.constant 0.0322580636 : f32
      %parallel_loop3A_301 = vector.broadcast %parallel_loop3A_300 : f32 to vector<16xf32>
      %parallel_loop3A_302 = arith.mulf %parallel_loop3A_299, %parallel_loop3A_301 : vector<16xf32>
      %parallel_loop3A_303 = arith.subf %parallel_loop3A_291, %parallel_loop3A_302 : vector<16xf32>
      %parallel_loop3A_304 = arith.constant 0.0322580636 : f32
      %parallel_loop3A_305 = vector.broadcast %parallel_loop3A_304 : f32 to vector<16xf32>
      %parallel_loop3A_306 = arith.subf %parallel_loop3A_303, %parallel_loop3A_305 : vector<16xf32>
      %parallel_loop3A_307 = arith.mulf %parallel_loop3A_303, %parallel_loop3A_303 : vector<16xf32>
      %parallel_loop3A_308 = arith.constant -5.000000e+03 : f32
      %parallel_loop3A_309 = vector.broadcast %parallel_loop3A_308 : f32 to vector<16xf32>
      %parallel_loop3A_310 = arith.mulf %parallel_loop3A_307, %parallel_loop3A_309 : vector<16xf32>
      %parallel_loop3A_311 = math.exp %parallel_loop3A_310 : vector<16xf32>
      %parallel_loop3A_312 = arith.mulf %parallel_loop3A_306, %parallel_loop3A_306 : vector<16xf32>
      %parallel_loop3A_313 = arith.constant -5.000000e+03 : f32
      %parallel_loop3A_314 = vector.broadcast %parallel_loop3A_313 : f32 to vector<16xf32>
      %parallel_loop3A_315 = arith.mulf %parallel_loop3A_312, %parallel_loop3A_314 : vector<16xf32>
      %parallel_loop3A_316 = math.exp %parallel_loop3A_315 : vector<16xf32>
      %parallel_loop3A_317 = arith.constant 16 : i32
      %parallel_loop3A_318 = vector.broadcast %parallel_loop3A_317 : i32 to vector<16xi32>
      %parallel_loop3A_319 = arith.muli %parallel_loop3A_298, %parallel_loop3A_318 : vector<16xi32>
      %parallel_loop3A_320 = arith.addi %parallel_loop3A_319, %iota3A : vector<16xi32>
      tpu.vector_store_idx %arg7[%parallel_loop3A_320], %parallel_loop3A_311 {add = true} : memref<1152xf32, #tpu.memory_space<vmem>>[vector<16xi32>], vector<16xf32>,
      %parallel_loop3A_321 = arith.constant 16 : i32
      %parallel_loop3A_322 = vector.broadcast %parallel_loop3A_321 : i32 to vector<16xi32>
      %parallel_loop3A_323 = arith.addi %parallel_loop3A_320, %parallel_loop3A_322 : vector<16xi32>
      tpu.vector_store_idx %arg7[%parallel_loop3A_323], %parallel_loop3A_316 {add = true} : memref<1152xf32, #tpu.memory_space<vmem>>[vector<16xi32>], vector<16xf32>,
      %parallel_loop3A_324 = arith.constant 544 : i32
      %parallel_loop3A_325 = vector.broadcast %parallel_loop3A_324 : i32 to vector<16xi32>
      %parallel_loop3A_326 = arith.addi %parallel_loop3A_320, %parallel_loop3A_325 : vector<16xi32>
      %parallel_loop3A_327 = arith.mulf %parallel_loop3A_311, %parallel_loop3A_294 : vector<16xf32>
      tpu.vector_store_idx %arg7[%parallel_loop3A_326], %parallel_loop3A_327 {add = true} : memref<1152xf32, #tpu.memory_space<vmem>>[vector<16xi32>], vector<16xf32>,
      %parallel_loop3A_328 = arith.constant 560 : i32
      %parallel_loop3A_329 = vector.broadcast %parallel_loop3A_328 : i32 to vector<16xi32>
      %parallel_loop3A_330 = arith.addi %parallel_loop3A_320, %parallel_loop3A_329 : vector<16xi32>
      %parallel_loop3A_331 = arith.mulf %parallel_loop3A_316, %parallel_loop3A_294 : vector<16xf32>
      tpu.vector_store_idx %arg7[%parallel_loop3A_330], %parallel_loop3A_331 {add = true} : memref<1152xf32, #tpu.memory_space<vmem>>[vector<16xi32>], vector<16xf32>,
      %parallel_loop3A_332 = arith.addf %parallel_loop3A_286, %parallel_loop3A_294 : vector<16xf32>
      %parallel_loop3A_333 = arith.mulf %parallel_loop3A_294, %parallel_loop3A_294 : vector<16xf32>
      %parallel_loop3A_334 = arith.addf %parallel_loop3A_288, %parallel_loop3A_333 : vector<16xf32>
      %parallel_loop3A_335 = arith.index_cast %parallel_loop3A_240 : i32 to index
      %parallel_loop3A_336 = arith.constant 32 : index
      %parallel_loop3A_337 = tpu.vector_load %arg5[%parallel_loop3A_335, %parallel_loop3A_336] {strides = array<i32>} : memref<288x96xf32, #tpu.memory_space<vmem>>, vector<16xf32>,
      %parallel_loop3A_338 = arith.index_cast %parallel_loop3A_240 : i32 to index
      %parallel_loop3A_339 = arith.constant 32 : index
      %parallel_loop3A_340 = tpu.vector_load %arg6[%parallel_loop3A_338, %parallel_loop3A_339] {strides = array<i32>} : memref<288x96xf32, #tpu.memory_space<vmem>>, vector<16xf32>,
      %parallel_loop3A_341 = arith.constant 3.100000e+01 : f32
      %parallel_loop3A_342 = vector.broadcast %parallel_loop3A_341 : f32 to vector<16xf32>
      %parallel_loop3A_343 = arith.mulf %parallel_loop3A_337, %parallel_loop3A_342 : vector<16xf32>
      %parallel_loop3A_344 = arith.fptosi %parallel_loop3A_343 : vector<16xf32> to vector<16xi32>
      %parallel_loop3A_345 = arith.sitofp %parallel_loop3A_344 : vector<16xi32> to vector<16xf32>
      %parallel_loop3A_346 = arith.constant 0.0322580636 : f32
      %parallel_loop3A_347 = vector.broadcast %parallel_loop3A_346 : f32 to vector<16xf32>
      %parallel_loop3A_348 = arith.mulf %parallel_loop3A_345, %parallel_loop3A_347 : vector<16xf32>
      %parallel_loop3A_349 = arith.subf %parallel_loop3A_337, %parallel_loop3A_348 : vector<16xf32>
      %parallel_loop3A_350 = arith.constant 0.0322580636 : f32
      %parallel_loop3A_351 = vector.broadcast %parallel_loop3A_350 : f32 to vector<16xf32>
      %parallel_loop3A_352 = arith.subf %parallel_loop3A_349, %parallel_loop3A_351 : vector<16xf32>
      %parallel_loop3A_353 = arith.mulf %parallel_loop3A_349, %parallel_loop3A_349 : vector<16xf32>
      %parallel_loop3A_354 = arith.constant -5.000000e+03 : f32
      %parallel_loop3A_355 = vector.broadcast %parallel_loop3A_354 : f32 to vector<16xf32>
      %parallel_loop3A_356 = arith.mulf %parallel_loop3A_353, %parallel_loop3A_355 : vector<16xf32>
      %parallel_loop3A_357 = math.exp %parallel_loop3A_356 : vector<16xf32>
      %parallel_loop3A_358 = arith.mulf %parallel_loop3A_352, %parallel_loop3A_352 : vector<16xf32>
      %parallel_loop3A_359 = arith.constant -5.000000e+03 : f32
      %parallel_loop3A_360 = vector.broadcast %parallel_loop3A_359 : f32 to vector<16xf32>
      %parallel_loop3A_361 = arith.mulf %parallel_loop3A_358, %parallel_loop3A_360 : vector<16xf32>
      %parallel_loop3A_362 = math.exp %parallel_loop3A_361 : vector<16xf32>
      %parallel_loop3A_363 = arith.constant 16 : i32
      %parallel_loop3A_364 = vector.broadcast %parallel_loop3A_363 : i32 to vector<16xi32>
      %parallel_loop3A_365 = arith.muli %parallel_loop3A_344, %parallel_loop3A_364 : vector<16xi32>
      %parallel_loop3A_366 = arith.addi %parallel_loop3A_365, %iota3A : vector<16xi32>
      tpu.vector_store_idx %arg7[%parallel_loop3A_366], %parallel_loop3A_357 {add = true} : memref<1152xf32, #tpu.memory_space<vmem>>[vector<16xi32>], vector<16xf32>,
      %parallel_loop3A_367 = arith.constant 16 : i32
      %parallel_loop3A_368 = vector.broadcast %parallel_loop3A_367 : i32 to vector<16xi32>
      %parallel_loop3A_369 = arith.addi %parallel_loop3A_366, %parallel_loop3A_368 : vector<16xi32>
      tpu.vector_store_idx %arg7[%parallel_loop3A_369], %parallel_loop3A_362 {add = true} : memref<1152xf32, #tpu.memory_space<vmem>>[vector<16xi32>], vector<16xf32>,
      %parallel_loop3A_370 = arith.constant 544 : i32
      %parallel_loop3A_371 = vector.broadcast %parallel_loop3A_370 : i32 to vector<16xi32>
      %parallel_loop3A_372 = arith.addi %parallel_loop3A_366, %parallel_loop3A_371 : vector<16xi32>
      %parallel_loop3A_373 = arith.mulf %parallel_loop3A_357, %parallel_loop3A_340 : vector<16xf32>
      tpu.vector_store_idx %arg7[%parallel_loop3A_372], %parallel_loop3A_373 {add = true} : memref<1152xf32, #tpu.memory_space<vmem>>[vector<16xi32>], vector<16xf32>,
      %parallel_loop3A_374 = arith.constant 560 : i32
      %parallel_loop3A_375 = vector.broadcast %parallel_loop3A_374 : i32 to vector<16xi32>
      %parallel_loop3A_376 = arith.addi %parallel_loop3A_366, %parallel_loop3A_375 : vector<16xi32>
      %parallel_loop3A_377 = arith.mulf %parallel_loop3A_362, %parallel_loop3A_340 : vector<16xf32>
      tpu.vector_store_idx %arg7[%parallel_loop3A_376], %parallel_loop3A_377 {add = true} : memref<1152xf32, #tpu.memory_space<vmem>>[vector<16xi32>], vector<16xf32>,
      %parallel_loop3A_378 = arith.addf %parallel_loop3A_332, %parallel_loop3A_340 : vector<16xf32>
      %parallel_loop3A_379 = arith.mulf %parallel_loop3A_340, %parallel_loop3A_340 : vector<16xf32>
      %parallel_loop3A_380 = arith.addf %parallel_loop3A_334, %parallel_loop3A_379 : vector<16xf32>
      %parallel_loop3A_381 = arith.index_cast %parallel_loop3A_240 : i32 to index
      %parallel_loop3A_382 = arith.constant 48 : index
      %parallel_loop3A_383 = tpu.vector_load %arg5[%parallel_loop3A_381, %parallel_loop3A_382] {strides = array<i32>} : memref<288x96xf32, #tpu.memory_space<vmem>>, vector<16xf32>,
      %parallel_loop3A_384 = arith.index_cast %parallel_loop3A_240 : i32 to index
      %parallel_loop3A_385 = arith.constant 48 : index
      %parallel_loop3A_386 = tpu.vector_load %arg6[%parallel_loop3A_384, %parallel_loop3A_385] {strides = array<i32>} : memref<288x96xf32, #tpu.memory_space<vmem>>, vector<16xf32>,
      %parallel_loop3A_387 = arith.constant 3.100000e+01 : f32
      %parallel_loop3A_388 = vector.broadcast %parallel_loop3A_387 : f32 to vector<16xf32>
      %parallel_loop3A_389 = arith.mulf %parallel_loop3A_383, %parallel_loop3A_388 : vector<16xf32>
      %parallel_loop3A_390 = arith.fptosi %parallel_loop3A_389 : vector<16xf32> to vector<16xi32>
      %parallel_loop3A_391 = arith.sitofp %parallel_loop3A_390 : vector<16xi32> to vector<16xf32>
      %parallel_loop3A_392 = arith.constant 0.0322580636 : f32
      %parallel_loop3A_393 = vector.broadcast %parallel_loop3A_392 : f32 to vector<16xf32>
      %parallel_loop3A_394 = arith.mulf %parallel_loop3A_391, %parallel_loop3A_393 : vector<16xf32>
      %parallel_loop3A_395 = arith.subf %parallel_loop3A_383, %parallel_loop3A_394 : vector<16xf32>
      %parallel_loop3A_396 = arith.constant 0.0322580636 : f32
      %parallel_loop3A_397 = vector.broadcast %parallel_loop3A_396 : f32 to vector<16xf32>
      %parallel_loop3A_398 = arith.subf %parallel_loop3A_395, %parallel_loop3A_397 : vector<16xf32>
      %parallel_loop3A_399 = arith.mulf %parallel_loop3A_395, %parallel_loop3A_395 : vector<16xf32>
      %parallel_loop3A_400 = arith.constant -5.000000e+03 : f32
      %parallel_loop3A_401 = vector.broadcast %parallel_loop3A_400 : f32 to vector<16xf32>
      %parallel_loop3A_402 = arith.mulf %parallel_loop3A_399, %parallel_loop3A_401 : vector<16xf32>
      %parallel_loop3A_403 = math.exp %parallel_loop3A_402 : vector<16xf32>
      %parallel_loop3A_404 = arith.mulf %parallel_loop3A_398, %parallel_loop3A_398 : vector<16xf32>
      %parallel_loop3A_405 = arith.constant -5.000000e+03 : f32
      %parallel_loop3A_406 = vector.broadcast %parallel_loop3A_405 : f32 to vector<16xf32>
      %parallel_loop3A_407 = arith.mulf %parallel_loop3A_404, %parallel_loop3A_406 : vector<16xf32>
      %parallel_loop3A_408 = math.exp %parallel_loop3A_407 : vector<16xf32>
      %parallel_loop3A_409 = arith.constant 16 : i32
      %parallel_loop3A_410 = vector.broadcast %parallel_loop3A_409 : i32 to vector<16xi32>
      %parallel_loop3A_411 = arith.muli %parallel_loop3A_390, %parallel_loop3A_410 : vector<16xi32>
      %parallel_loop3A_412 = arith.addi %parallel_loop3A_411, %iota3A : vector<16xi32>
      tpu.vector_store_idx %arg7[%parallel_loop3A_412], %parallel_loop3A_403 {add = true} : memref<1152xf32, #tpu.memory_space<vmem>>[vector<16xi32>], vector<16xf32>,
      %parallel_loop3A_413 = arith.constant 16 : i32
      %parallel_loop3A_414 = vector.broadcast %parallel_loop3A_413 : i32 to vector<16xi32>
      %parallel_loop3A_415 = arith.addi %parallel_loop3A_412, %parallel_loop3A_414 : vector<16xi32>
      tpu.vector_store_idx %arg7[%parallel_loop3A_415], %parallel_loop3A_408 {add = true} : memref<1152xf32, #tpu.memory_space<vmem>>[vector<16xi32>], vector<16xf32>,
      %parallel_loop3A_416 = arith.constant 544 : i32
      %parallel_loop3A_417 = vector.broadcast %parallel_loop3A_416 : i32 to vector<16xi32>
      %parallel_loop3A_418 = arith.addi %parallel_loop3A_412, %parallel_loop3A_417 : vector<16xi32>
      %parallel_loop3A_419 = arith.mulf %parallel_loop3A_403, %parallel_loop3A_386 : vector<16xf32>
      tpu.vector_store_idx %arg7[%parallel_loop3A_418], %parallel_loop3A_419 {add = true} : memref<1152xf32, #tpu.memory_space<vmem>>[vector<16xi32>], vector<16xf32>,
      %parallel_loop3A_420 = arith.constant 560 : i32
      %parallel_loop3A_421 = vector.broadcast %parallel_loop3A_420 : i32 to vector<16xi32>
      %parallel_loop3A_422 = arith.addi %parallel_loop3A_412, %parallel_loop3A_421 : vector<16xi32>
      %parallel_loop3A_423 = arith.mulf %parallel_loop3A_408, %parallel_loop3A_386 : vector<16xf32>
      tpu.vector_store_idx %arg7[%parallel_loop3A_422], %parallel_loop3A_423 {add = true} : memref<1152xf32, #tpu.memory_space<vmem>>[vector<16xi32>], vector<16xf32>,
      %parallel_loop3A_424 = arith.addf %parallel_loop3A_378, %parallel_loop3A_386 : vector<16xf32>
      %parallel_loop3A_425 = arith.mulf %parallel_loop3A_386, %parallel_loop3A_386 : vector<16xf32>
      %parallel_loop3A_426 = arith.addf %parallel_loop3A_380, %parallel_loop3A_425 : vector<16xf32>
      %parallel_loop3A_427 = arith.index_cast %parallel_loop3A_240 : i32 to index
      %parallel_loop3A_428 = arith.constant 64 : index
      %parallel_loop3A_429 = tpu.vector_load %arg5[%parallel_loop3A_427, %parallel_loop3A_428] {strides = array<i32>} : memref<288x96xf32, #tpu.memory_space<vmem>>, vector<16xf32>,
      %parallel_loop3A_430 = arith.index_cast %parallel_loop3A_240 : i32 to index
      %parallel_loop3A_431 = arith.constant 64 : index
      %parallel_loop3A_432 = tpu.vector_load %arg6[%parallel_loop3A_430, %parallel_loop3A_431] {strides = array<i32>} : memref<288x96xf32, #tpu.memory_space<vmem>>, vector<16xf32>,
      %parallel_loop3A_433 = arith.constant 3.100000e+01 : f32
      %parallel_loop3A_434 = vector.broadcast %parallel_loop3A_433 : f32 to vector<16xf32>
      %parallel_loop3A_435 = arith.mulf %parallel_loop3A_429, %parallel_loop3A_434 : vector<16xf32>
      %parallel_loop3A_436 = arith.fptosi %parallel_loop3A_435 : vector<16xf32> to vector<16xi32>
      %parallel_loop3A_437 = arith.sitofp %parallel_loop3A_436 : vector<16xi32> to vector<16xf32>
      %parallel_loop3A_438 = arith.constant 0.0322580636 : f32
      %parallel_loop3A_439 = vector.broadcast %parallel_loop3A_438 : f32 to vector<16xf32>
      %parallel_loop3A_440 = arith.mulf %parallel_loop3A_437, %parallel_loop3A_439 : vector<16xf32>
      %parallel_loop3A_441 = arith.subf %parallel_loop3A_429, %parallel_loop3A_440 : vector<16xf32>
      %parallel_loop3A_442 = arith.constant 0.0322580636 : f32
      %parallel_loop3A_443 = vector.broadcast %parallel_loop3A_442 : f32 to vector<16xf32>
      %parallel_loop3A_444 = arith.subf %parallel_loop3A_441, %parallel_loop3A_443 : vector<16xf32>
      %parallel_loop3A_445 = arith.mulf %parallel_loop3A_441, %parallel_loop3A_441 : vector<16xf32>
      %parallel_loop3A_446 = arith.constant -5.000000e+03 : f32
      %parallel_loop3A_447 = vector.broadcast %parallel_loop3A_446 : f32 to vector<16xf32>
      %parallel_loop3A_448 = arith.mulf %parallel_loop3A_445, %parallel_loop3A_447 : vector<16xf32>
      %parallel_loop3A_449 = math.exp %parallel_loop3A_448 : vector<16xf32>
      %parallel_loop3A_450 = arith.mulf %parallel_loop3A_444, %parallel_loop3A_444 : vector<16xf32>
      %parallel_loop3A_451 = arith.constant -5.000000e+03 : f32
      %parallel_loop3A_452 = vector.broadcast %parallel_loop3A_451 : f32 to vector<16xf32>
      %parallel_loop3A_453 = arith.mulf %parallel_loop3A_450, %parallel_loop3A_452 : vector<16xf32>
      %parallel_loop3A_454 = math.exp %parallel_loop3A_453 : vector<16xf32>
      %parallel_loop3A_455 = arith.constant 16 : i32
      %parallel_loop3A_456 = vector.broadcast %parallel_loop3A_455 : i32 to vector<16xi32>
      %parallel_loop3A_457 = arith.muli %parallel_loop3A_436, %parallel_loop3A_456 : vector<16xi32>
      %parallel_loop3A_458 = arith.addi %parallel_loop3A_457, %iota3A : vector<16xi32>
      tpu.vector_store_idx %arg7[%parallel_loop3A_458], %parallel_loop3A_449 {add = true} : memref<1152xf32, #tpu.memory_space<vmem>>[vector<16xi32>], vector<16xf32>,
      %parallel_loop3A_459 = arith.constant 16 : i32
      %parallel_loop3A_460 = vector.broadcast %parallel_loop3A_459 : i32 to vector<16xi32>
      %parallel_loop3A_461 = arith.addi %parallel_loop3A_458, %parallel_loop3A_460 : vector<16xi32>
      tpu.vector_store_idx %arg7[%parallel_loop3A_461], %parallel_loop3A_454 {add = true} : memref<1152xf32, #tpu.memory_space<vmem>>[vector<16xi32>], vector<16xf32>,
      %parallel_loop3A_462 = arith.constant 544 : i32
      %parallel_loop3A_463 = vector.broadcast %parallel_loop3A_462 : i32 to vector<16xi32>
      %parallel_loop3A_464 = arith.addi %parallel_loop3A_458, %parallel_loop3A_463 : vector<16xi32>
      %parallel_loop3A_465 = arith.mulf %parallel_loop3A_449, %parallel_loop3A_432 : vector<16xf32>
      tpu.vector_store_idx %arg7[%parallel_loop3A_464], %parallel_loop3A_465 {add = true} : memref<1152xf32, #tpu.memory_space<vmem>>[vector<16xi32>], vector<16xf32>,
      %parallel_loop3A_466 = arith.constant 560 : i32
      %parallel_loop3A_467 = vector.broadcast %parallel_loop3A_466 : i32 to vector<16xi32>
      %parallel_loop3A_468 = arith.addi %parallel_loop3A_458, %parallel_loop3A_467 : vector<16xi32>
      %parallel_loop3A_469 = arith.mulf %parallel_loop3A_454, %parallel_loop3A_432 : vector<16xf32>
      tpu.vector_store_idx %arg7[%parallel_loop3A_468], %parallel_loop3A_469 {add = true} : memref<1152xf32, #tpu.memory_space<vmem>>[vector<16xi32>], vector<16xf32>,
      %parallel_loop3A_470 = arith.addf %parallel_loop3A_424, %parallel_loop3A_432 : vector<16xf32>
      %parallel_loop3A_471 = arith.mulf %parallel_loop3A_432, %parallel_loop3A_432 : vector<16xf32>
      %parallel_loop3A_472 = arith.addf %parallel_loop3A_426, %parallel_loop3A_471 : vector<16xf32>
      %parallel_loop3A_473 = arith.index_cast %parallel_loop3A_240 : i32 to index
      %parallel_loop3A_474 = arith.constant 80 : index
      %parallel_loop3A_475 = tpu.vector_load %arg5[%parallel_loop3A_473, %parallel_loop3A_474] {strides = array<i32>} : memref<288x96xf32, #tpu.memory_space<vmem>>, vector<16xf32>,
      %parallel_loop3A_476 = arith.index_cast %parallel_loop3A_240 : i32 to index
      %parallel_loop3A_477 = arith.constant 80 : index
      %parallel_loop3A_478 = tpu.vector_load %arg6[%parallel_loop3A_476, %parallel_loop3A_477] {strides = array<i32>} : memref<288x96xf32, #tpu.memory_space<vmem>>, vector<16xf32>,
      %parallel_loop3A_479 = arith.constant 3.100000e+01 : f32
      %parallel_loop3A_480 = vector.broadcast %parallel_loop3A_479 : f32 to vector<16xf32>
      %parallel_loop3A_481 = arith.mulf %parallel_loop3A_475, %parallel_loop3A_480 : vector<16xf32>
      %parallel_loop3A_482 = arith.fptosi %parallel_loop3A_481 : vector<16xf32> to vector<16xi32>
      %parallel_loop3A_483 = arith.sitofp %parallel_loop3A_482 : vector<16xi32> to vector<16xf32>
      %parallel_loop3A_484 = arith.constant 0.0322580636 : f32
      %parallel_loop3A_485 = vector.broadcast %parallel_loop3A_484 : f32 to vector<16xf32>
      %parallel_loop3A_486 = arith.mulf %parallel_loop3A_483, %parallel_loop3A_485 : vector<16xf32>
      %parallel_loop3A_487 = arith.subf %parallel_loop3A_475, %parallel_loop3A_486 : vector<16xf32>
      %parallel_loop3A_488 = arith.constant 0.0322580636 : f32
      %parallel_loop3A_489 = vector.broadcast %parallel_loop3A_488 : f32 to vector<16xf32>
      %parallel_loop3A_490 = arith.subf %parallel_loop3A_487, %parallel_loop3A_489 : vector<16xf32>
      %parallel_loop3A_491 = arith.mulf %parallel_loop3A_487, %parallel_loop3A_487 : vector<16xf32>
      %parallel_loop3A_492 = arith.constant -5.000000e+03 : f32
      %parallel_loop3A_493 = vector.broadcast %parallel_loop3A_492 : f32 to vector<16xf32>
      %parallel_loop3A_494 = arith.mulf %parallel_loop3A_491, %parallel_loop3A_493 : vector<16xf32>
      %parallel_loop3A_495 = math.exp %parallel_loop3A_494 : vector<16xf32>
      %parallel_loop3A_496 = arith.mulf %parallel_loop3A_490, %parallel_loop3A_490 : vector<16xf32>
      %parallel_loop3A_497 = arith.constant -5.000000e+03 : f32
      %parallel_loop3A_498 = vector.broadcast %parallel_loop3A_497 : f32 to vector<16xf32>
      %parallel_loop3A_499 = arith.mulf %parallel_loop3A_496, %parallel_loop3A_498 : vector<16xf32>
      %parallel_loop3A_500 = math.exp %parallel_loop3A_499 : vector<16xf32>
      %parallel_loop3A_501 = arith.constant 16 : i32
      %parallel_loop3A_502 = vector.broadcast %parallel_loop3A_501 : i32 to vector<16xi32>
      %parallel_loop3A_503 = arith.muli %parallel_loop3A_482, %parallel_loop3A_502 : vector<16xi32>
      %parallel_loop3A_504 = arith.addi %parallel_loop3A_503, %iota3A : vector<16xi32>
      tpu.vector_store_idx %arg7[%parallel_loop3A_504], %parallel_loop3A_495 {add = true} : memref<1152xf32, #tpu.memory_space<vmem>>[vector<16xi32>], vector<16xf32>,
      %parallel_loop3A_505 = arith.constant 16 : i32
      %parallel_loop3A_506 = vector.broadcast %parallel_loop3A_505 : i32 to vector<16xi32>
      %parallel_loop3A_507 = arith.addi %parallel_loop3A_504, %parallel_loop3A_506 : vector<16xi32>
      tpu.vector_store_idx %arg7[%parallel_loop3A_507], %parallel_loop3A_500 {add = true} : memref<1152xf32, #tpu.memory_space<vmem>>[vector<16xi32>], vector<16xf32>,
      %parallel_loop3A_508 = arith.constant 544 : i32
      %parallel_loop3A_509 = vector.broadcast %parallel_loop3A_508 : i32 to vector<16xi32>
      %parallel_loop3A_510 = arith.addi %parallel_loop3A_504, %parallel_loop3A_509 : vector<16xi32>
      %parallel_loop3A_511 = arith.mulf %parallel_loop3A_495, %parallel_loop3A_478 : vector<16xf32>
      tpu.vector_store_idx %arg7[%parallel_loop3A_510], %parallel_loop3A_511 {add = true} : memref<1152xf32, #tpu.memory_space<vmem>>[vector<16xi32>], vector<16xf32>,
      %parallel_loop3A_512 = arith.constant 560 : i32
      %parallel_loop3A_513 = vector.broadcast %parallel_loop3A_512 : i32 to vector<16xi32>
      %parallel_loop3A_514 = arith.addi %parallel_loop3A_504, %parallel_loop3A_513 : vector<16xi32>
      %parallel_loop3A_515 = arith.mulf %parallel_loop3A_500, %parallel_loop3A_478 : vector<16xf32>
      tpu.vector_store_idx %arg7[%parallel_loop3A_514], %parallel_loop3A_515 {add = true} : memref<1152xf32, #tpu.memory_space<vmem>>[vector<16xi32>], vector<16xf32>,
      %parallel_loop3A_516 = arith.addf %parallel_loop3A_470, %parallel_loop3A_478 : vector<16xf32>
      %parallel_loop3A_517 = arith.mulf %parallel_loop3A_478, %parallel_loop3A_478 : vector<16xf32>
      %parallel_loop3A_518 = arith.addf %parallel_loop3A_472, %parallel_loop3A_517 : vector<16xf32>
      scf.yield %parallel_loop3A_516, %parallel_loop3A_518 : vector<16xf32>, vector<16xf32>
    } {sc.loop_unroll_factor = 1 : i64, sc.parallel_access}
    %dma_wait3A_212 = arith.constant 144 : i32
    %dma_wait3A_213 = arith.constant 0 : i32
    %dma_wait3A_214 = tpu.memref_slice %arg5[%dma_wait3A_212, %dma_wait3A_213] : memref<288x96xf32, #tpu.memory_space<vmem>> -> memref<144x96xf32, #tpu.memory_space<vmem>>
    %dma_wait3A_215 = arith.constant 0 : i32
    %dma_wait3A_216 = tpu.memref_slice %arg2[%add3A_23, %dma_wait3A_215] : memref<9216x96xf32, #tpu.memory_space<hbm>> -> memref<144x96xf32, #tpu.memory_space<hbm>>
    %dma_wait3A_217 = arith.constant 144 : i32
    %dma_wait3A_218 = arith.constant 0 : i32
    %dma_wait3A_219 = tpu.memref_slice %arg5[%dma_wait3A_217, %dma_wait3A_218] : memref<288x96xf32, #tpu.memory_space<vmem>> -> memref<144x96xf32, #tpu.memory_space<vmem>>
    %dma_wait3A_220 = arith.constant 0 : i32
    %dma_wait3A_221 = tpu.memref_slice %arg2[%add3A_23, %dma_wait3A_220] : memref<9216x96xf32, #tpu.memory_space<hbm>> -> memref<144x96xf32, #tpu.memory_space<hbm>>
    tpu.wait_dma2 semaphore(%arg9 : memref<!tpu.dma_semaphore, #tpu.memory_space<semaphore_mem>>) src(%dma_wait3A_221 : memref<144x96xf32, #tpu.memory_space<hbm>>) dst(%dma_wait3A_219 : memref<144x96xf32, #tpu.memory_space<vmem>>)
    %dma_wait3A_222 = arith.constant 144 : i32
    %dma_wait3A_223 = arith.constant 0 : i32
    %dma_wait3A_224 = tpu.memref_slice %arg6[%dma_wait3A_222, %dma_wait3A_223] : memref<288x96xf32, #tpu.memory_space<vmem>> -> memref<144x96xf32, #tpu.memory_space<vmem>>
    %dma_wait3A_225 = arith.constant 0 : i32
    %dma_wait3A_226 = tpu.memref_slice %arg3[%add3A_35, %dma_wait3A_225] : memref<9216x96xf32, #tpu.memory_space<hbm>> -> memref<144x96xf32, #tpu.memory_space<hbm>>
    %dma_wait3A_227 = arith.constant 144 : i32
    %dma_wait3A_228 = arith.constant 0 : i32
    %dma_wait3A_229 = tpu.memref_slice %arg6[%dma_wait3A_227, %dma_wait3A_228] : memref<288x96xf32, #tpu.memory_space<vmem>> -> memref<144x96xf32, #tpu.memory_space<vmem>>
    %dma_wait3A_230 = arith.constant 0 : i32
    %dma_wait3A_231 = tpu.memref_slice %arg3[%add3A_35, %dma_wait3A_230] : memref<9216x96xf32, #tpu.memory_space<hbm>> -> memref<144x96xf32, #tpu.memory_space<hbm>>
    tpu.wait_dma2 semaphore(%arg9 : memref<!tpu.dma_semaphore, #tpu.memory_space<semaphore_mem>>) src(%dma_wait3A_231 : memref<144x96xf32, #tpu.memory_space<hbm>>) dst(%dma_wait3A_229 : memref<144x96xf32, #tpu.memory_space<vmem>>)
    %parallel_loop3A_232 = arith.constant 144 : i32
    %parallel_loop3A_233 = arith.constant 288 : i32
    %parallel_loop3A_234 = arith.constant 1 : i32
    %parallel_loop3A_235:2 = scf.for %parallel_loop3A_240 = %parallel_loop3A_232 to %parallel_loop3A_233 step %parallel_loop3A_234 iter_args(%parallel_loop3A_241 = %parallel_loop3A_211#0, %parallel_loop3A_242 = %parallel_loop3A_211#1) -> (vector<16xf32>, vector<16xf32>)  : i32 {
      %parallel_loop3A_243 = arith.index_cast %parallel_loop3A_240 : i32 to index
      %parallel_loop3A_244 = arith.constant 0 : index
      %parallel_loop3A_245 = tpu.vector_load %arg5[%parallel_loop3A_243, %parallel_loop3A_244] {strides = array<i32>} : memref<288x96xf32, #tpu.memory_space<vmem>>, vector<16xf32>,
      %parallel_loop3A_246 = arith.index_cast %parallel_loop3A_240 : i32 to index
      %parallel_loop3A_247 = arith.constant 0 : index
      %parallel_loop3A_248 = tpu.vector_load %arg6[%parallel_loop3A_246, %parallel_loop3A_247] {strides = array<i32>} : memref<288x96xf32, #tpu.memory_space<vmem>>, vector<16xf32>,
      %parallel_loop3A_249 = arith.constant 3.100000e+01 : f32
      %parallel_loop3A_250 = vector.broadcast %parallel_loop3A_249 : f32 to vector<16xf32>
      %parallel_loop3A_251 = arith.mulf %parallel_loop3A_245, %parallel_loop3A_250 : vector<16xf32>
      %parallel_loop3A_252 = arith.fptosi %parallel_loop3A_251 : vector<16xf32> to vector<16xi32>
      %parallel_loop3A_253 = arith.sitofp %parallel_loop3A_252 : vector<16xi32> to vector<16xf32>
      %parallel_loop3A_254 = arith.constant 0.0322580636 : f32
      %parallel_loop3A_255 = vector.broadcast %parallel_loop3A_254 : f32 to vector<16xf32>
      %parallel_loop3A_256 = arith.mulf %parallel_loop3A_253, %parallel_loop3A_255 : vector<16xf32>
      %parallel_loop3A_257 = arith.subf %parallel_loop3A_245, %parallel_loop3A_256 : vector<16xf32>
      %parallel_loop3A_258 = arith.constant 0.0322580636 : f32
      %parallel_loop3A_259 = vector.broadcast %parallel_loop3A_258 : f32 to vector<16xf32>
      %parallel_loop3A_260 = arith.subf %parallel_loop3A_257, %parallel_loop3A_259 : vector<16xf32>
      %parallel_loop3A_261 = arith.mulf %parallel_loop3A_257, %parallel_loop3A_257 : vector<16xf32>
      %parallel_loop3A_262 = arith.constant -5.000000e+03 : f32
      %parallel_loop3A_263 = vector.broadcast %parallel_loop3A_262 : f32 to vector<16xf32>
      %parallel_loop3A_264 = arith.mulf %parallel_loop3A_261, %parallel_loop3A_263 : vector<16xf32>
      %parallel_loop3A_265 = math.exp %parallel_loop3A_264 : vector<16xf32>
      %parallel_loop3A_266 = arith.mulf %parallel_loop3A_260, %parallel_loop3A_260 : vector<16xf32>
      %parallel_loop3A_267 = arith.constant -5.000000e+03 : f32
      %parallel_loop3A_268 = vector.broadcast %parallel_loop3A_267 : f32 to vector<16xf32>
      %parallel_loop3A_269 = arith.mulf %parallel_loop3A_266, %parallel_loop3A_268 : vector<16xf32>
      %parallel_loop3A_270 = math.exp %parallel_loop3A_269 : vector<16xf32>
      %parallel_loop3A_271 = arith.constant 16 : i32
      %parallel_loop3A_272 = vector.broadcast %parallel_loop3A_271 : i32 to vector<16xi32>
      %parallel_loop3A_273 = arith.muli %parallel_loop3A_252, %parallel_loop3A_272 : vector<16xi32>
      %parallel_loop3A_274 = arith.addi %parallel_loop3A_273, %iota3A : vector<16xi32>
      tpu.vector_store_idx %arg7[%parallel_loop3A_274], %parallel_loop3A_265 {add = true} : memref<1152xf32, #tpu.memory_space<vmem>>[vector<16xi32>], vector<16xf32>,
      %parallel_loop3A_275 = arith.constant 16 : i32
      %parallel_loop3A_276 = vector.broadcast %parallel_loop3A_275 : i32 to vector<16xi32>
      %parallel_loop3A_277 = arith.addi %parallel_loop3A_274, %parallel_loop3A_276 : vector<16xi32>
      tpu.vector_store_idx %arg7[%parallel_loop3A_277], %parallel_loop3A_270 {add = true} : memref<1152xf32, #tpu.memory_space<vmem>>[vector<16xi32>], vector<16xf32>,
      %parallel_loop3A_278 = arith.constant 544 : i32
      %parallel_loop3A_279 = vector.broadcast %parallel_loop3A_278 : i32 to vector<16xi32>
      %parallel_loop3A_280 = arith.addi %parallel_loop3A_274, %parallel_loop3A_279 : vector<16xi32>
      %parallel_loop3A_281 = arith.mulf %parallel_loop3A_265, %parallel_loop3A_248 : vector<16xf32>
      tpu.vector_store_idx %arg7[%parallel_loop3A_280], %parallel_loop3A_281 {add = true} : memref<1152xf32, #tpu.memory_space<vmem>>[vector<16xi32>], vector<16xf32>,
      %parallel_loop3A_282 = arith.constant 560 : i32
      %parallel_loop3A_283 = vector.broadcast %parallel_loop3A_282 : i32 to vector<16xi32>
      %parallel_loop3A_284 = arith.addi %parallel_loop3A_274, %parallel_loop3A_283 : vector<16xi32>
      %parallel_loop3A_285 = arith.mulf %parallel_loop3A_270, %parallel_loop3A_248 : vector<16xf32>
      tpu.vector_store_idx %arg7[%parallel_loop3A_284], %parallel_loop3A_285 {add = true} : memref<1152xf32, #tpu.memory_space<vmem>>[vector<16xi32>], vector<16xf32>,
      %parallel_loop3A_286 = arith.addf %parallel_loop3A_241, %parallel_loop3A_248 : vector<16xf32>
      %parallel_loop3A_287 = arith.mulf %parallel_loop3A_248, %parallel_loop3A_248 : vector<16xf32>
      %parallel_loop3A_288 = arith.addf %parallel_loop3A_242, %parallel_loop3A_287 : vector<16xf32>
      %parallel_loop3A_289 = arith.index_cast %parallel_loop3A_240 : i32 to index
      %parallel_loop3A_290 = arith.constant 16 : index
      %parallel_loop3A_291 = tpu.vector_load %arg5[%parallel_loop3A_289, %parallel_loop3A_290] {strides = array<i32>} : memref<288x96xf32, #tpu.memory_space<vmem>>, vector<16xf32>,
      %parallel_loop3A_292 = arith.index_cast %parallel_loop3A_240 : i32 to index
      %parallel_loop3A_293 = arith.constant 16 : index
      %parallel_loop3A_294 = tpu.vector_load %arg6[%parallel_loop3A_292, %parallel_loop3A_293] {strides = array<i32>} : memref<288x96xf32, #tpu.memory_space<vmem>>, vector<16xf32>,
      %parallel_loop3A_295 = arith.constant 3.100000e+01 : f32
      %parallel_loop3A_296 = vector.broadcast %parallel_loop3A_295 : f32 to vector<16xf32>
      %parallel_loop3A_297 = arith.mulf %parallel_loop3A_291, %parallel_loop3A_296 : vector<16xf32>
      %parallel_loop3A_298 = arith.fptosi %parallel_loop3A_297 : vector<16xf32> to vector<16xi32>
      %parallel_loop3A_299 = arith.sitofp %parallel_loop3A_298 : vector<16xi32> to vector<16xf32>
      %parallel_loop3A_300 = arith.constant 0.0322580636 : f32
      %parallel_loop3A_301 = vector.broadcast %parallel_loop3A_300 : f32 to vector<16xf32>
      %parallel_loop3A_302 = arith.mulf %parallel_loop3A_299, %parallel_loop3A_301 : vector<16xf32>
      %parallel_loop3A_303 = arith.subf %parallel_loop3A_291, %parallel_loop3A_302 : vector<16xf32>
      %parallel_loop3A_304 = arith.constant 0.0322580636 : f32
      %parallel_loop3A_305 = vector.broadcast %parallel_loop3A_304 : f32 to vector<16xf32>
      %parallel_loop3A_306 = arith.subf %parallel_loop3A_303, %parallel_loop3A_305 : vector<16xf32>
      %parallel_loop3A_307 = arith.mulf %parallel_loop3A_303, %parallel_loop3A_303 : vector<16xf32>
      %parallel_loop3A_308 = arith.constant -5.000000e+03 : f32
      %parallel_loop3A_309 = vector.broadcast %parallel_loop3A_308 : f32 to vector<16xf32>
      %parallel_loop3A_310 = arith.mulf %parallel_loop3A_307, %parallel_loop3A_309 : vector<16xf32>
      %parallel_loop3A_311 = math.exp %parallel_loop3A_310 : vector<16xf32>
      %parallel_loop3A_312 = arith.mulf %parallel_loop3A_306, %parallel_loop3A_306 : vector<16xf32>
      %parallel_loop3A_313 = arith.constant -5.000000e+03 : f32
      %parallel_loop3A_314 = vector.broadcast %parallel_loop3A_313 : f32 to vector<16xf32>
      %parallel_loop3A_315 = arith.mulf %parallel_loop3A_312, %parallel_loop3A_314 : vector<16xf32>
      %parallel_loop3A_316 = math.exp %parallel_loop3A_315 : vector<16xf32>
      %parallel_loop3A_317 = arith.constant 16 : i32
      %parallel_loop3A_318 = vector.broadcast %parallel_loop3A_317 : i32 to vector<16xi32>
      %parallel_loop3A_319 = arith.muli %parallel_loop3A_298, %parallel_loop3A_318 : vector<16xi32>
      %parallel_loop3A_320 = arith.addi %parallel_loop3A_319, %iota3A : vector<16xi32>
      tpu.vector_store_idx %arg7[%parallel_loop3A_320], %parallel_loop3A_311 {add = true} : memref<1152xf32, #tpu.memory_space<vmem>>[vector<16xi32>], vector<16xf32>,
      %parallel_loop3A_321 = arith.constant 16 : i32
      %parallel_loop3A_322 = vector.broadcast %parallel_loop3A_321 : i32 to vector<16xi32>
      %parallel_loop3A_323 = arith.addi %parallel_loop3A_320, %parallel_loop3A_322 : vector<16xi32>
      tpu.vector_store_idx %arg7[%parallel_loop3A_323], %parallel_loop3A_316 {add = true} : memref<1152xf32, #tpu.memory_space<vmem>>[vector<16xi32>], vector<16xf32>,
      %parallel_loop3A_324 = arith.constant 544 : i32
      %parallel_loop3A_325 = vector.broadcast %parallel_loop3A_324 : i32 to vector<16xi32>
      %parallel_loop3A_326 = arith.addi %parallel_loop3A_320, %parallel_loop3A_325 : vector<16xi32>
      %parallel_loop3A_327 = arith.mulf %parallel_loop3A_311, %parallel_loop3A_294 : vector<16xf32>
      tpu.vector_store_idx %arg7[%parallel_loop3A_326], %parallel_loop3A_327 {add = true} : memref<1152xf32, #tpu.memory_space<vmem>>[vector<16xi32>], vector<16xf32>,
      %parallel_loop3A_328 = arith.constant 560 : i32
      %parallel_loop3A_329 = vector.broadcast %parallel_loop3A_328 : i32 to vector<16xi32>
      %parallel_loop3A_330 = arith.addi %parallel_loop3A_320, %parallel_loop3A_329 : vector<16xi32>
      %parallel_loop3A_331 = arith.mulf %parallel_loop3A_316, %parallel_loop3A_294 : vector<16xf32>
      tpu.vector_store_idx %arg7[%parallel_loop3A_330], %parallel_loop3A_331 {add = true} : memref<1152xf32, #tpu.memory_space<vmem>>[vector<16xi32>], vector<16xf32>,
      %parallel_loop3A_332 = arith.addf %parallel_loop3A_286, %parallel_loop3A_294 : vector<16xf32>
      %parallel_loop3A_333 = arith.mulf %parallel_loop3A_294, %parallel_loop3A_294 : vector<16xf32>
      %parallel_loop3A_334 = arith.addf %parallel_loop3A_288, %parallel_loop3A_333 : vector<16xf32>
      %parallel_loop3A_335 = arith.index_cast %parallel_loop3A_240 : i32 to index
      %parallel_loop3A_336 = arith.constant 32 : index
      %parallel_loop3A_337 = tpu.vector_load %arg5[%parallel_loop3A_335, %parallel_loop3A_336] {strides = array<i32>} : memref<288x96xf32, #tpu.memory_space<vmem>>, vector<16xf32>,
      %parallel_loop3A_338 = arith.index_cast %parallel_loop3A_240 : i32 to index
      %parallel_loop3A_339 = arith.constant 32 : index
      %parallel_loop3A_340 = tpu.vector_load %arg6[%parallel_loop3A_338, %parallel_loop3A_339] {strides = array<i32>} : memref<288x96xf32, #tpu.memory_space<vmem>>, vector<16xf32>,
      %parallel_loop3A_341 = arith.constant 3.100000e+01 : f32
      %parallel_loop3A_342 = vector.broadcast %parallel_loop3A_341 : f32 to vector<16xf32>
      %parallel_loop3A_343 = arith.mulf %parallel_loop3A_337, %parallel_loop3A_342 : vector<16xf32>
      %parallel_loop3A_344 = arith.fptosi %parallel_loop3A_343 : vector<16xf32> to vector<16xi32>
      %parallel_loop3A_345 = arith.sitofp %parallel_loop3A_344 : vector<16xi32> to vector<16xf32>
      %parallel_loop3A_346 = arith.constant 0.0322580636 : f32
      %parallel_loop3A_347 = vector.broadcast %parallel_loop3A_346 : f32 to vector<16xf32>
      %parallel_loop3A_348 = arith.mulf %parallel_loop3A_345, %parallel_loop3A_347 : vector<16xf32>
      %parallel_loop3A_349 = arith.subf %parallel_loop3A_337, %parallel_loop3A_348 : vector<16xf32>
      %parallel_loop3A_350 = arith.constant 0.0322580636 : f32
      %parallel_loop3A_351 = vector.broadcast %parallel_loop3A_350 : f32 to vector<16xf32>
      %parallel_loop3A_352 = arith.subf %parallel_loop3A_349, %parallel_loop3A_351 : vector<16xf32>
      %parallel_loop3A_353 = arith.mulf %parallel_loop3A_349, %parallel_loop3A_349 : vector<16xf32>
      %parallel_loop3A_354 = arith.constant -5.000000e+03 : f32
      %parallel_loop3A_355 = vector.broadcast %parallel_loop3A_354 : f32 to vector<16xf32>
      %parallel_loop3A_356 = arith.mulf %parallel_loop3A_353, %parallel_loop3A_355 : vector<16xf32>
      %parallel_loop3A_357 = math.exp %parallel_loop3A_356 : vector<16xf32>
      %parallel_loop3A_358 = arith.mulf %parallel_loop3A_352, %parallel_loop3A_352 : vector<16xf32>
      %parallel_loop3A_359 = arith.constant -5.000000e+03 : f32
      %parallel_loop3A_360 = vector.broadcast %parallel_loop3A_359 : f32 to vector<16xf32>
      %parallel_loop3A_361 = arith.mulf %parallel_loop3A_358, %parallel_loop3A_360 : vector<16xf32>
      %parallel_loop3A_362 = math.exp %parallel_loop3A_361 : vector<16xf32>
      %parallel_loop3A_363 = arith.constant 16 : i32
      %parallel_loop3A_364 = vector.broadcast %parallel_loop3A_363 : i32 to vector<16xi32>
      %parallel_loop3A_365 = arith.muli %parallel_loop3A_344, %parallel_loop3A_364 : vector<16xi32>
      %parallel_loop3A_366 = arith.addi %parallel_loop3A_365, %iota3A : vector<16xi32>
      tpu.vector_store_idx %arg7[%parallel_loop3A_366], %parallel_loop3A_357 {add = true} : memref<1152xf32, #tpu.memory_space<vmem>>[vector<16xi32>], vector<16xf32>,
      %parallel_loop3A_367 = arith.constant 16 : i32
      %parallel_loop3A_368 = vector.broadcast %parallel_loop3A_367 : i32 to vector<16xi32>
      %parallel_loop3A_369 = arith.addi %parallel_loop3A_366, %parallel_loop3A_368 : vector<16xi32>
      tpu.vector_store_idx %arg7[%parallel_loop3A_369], %parallel_loop3A_362 {add = true} : memref<1152xf32, #tpu.memory_space<vmem>>[vector<16xi32>], vector<16xf32>,
      %parallel_loop3A_370 = arith.constant 544 : i32
      %parallel_loop3A_371 = vector.broadcast %parallel_loop3A_370 : i32 to vector<16xi32>
      %parallel_loop3A_372 = arith.addi %parallel_loop3A_366, %parallel_loop3A_371 : vector<16xi32>
      %parallel_loop3A_373 = arith.mulf %parallel_loop3A_357, %parallel_loop3A_340 : vector<16xf32>
      tpu.vector_store_idx %arg7[%parallel_loop3A_372], %parallel_loop3A_373 {add = true} : memref<1152xf32, #tpu.memory_space<vmem>>[vector<16xi32>], vector<16xf32>,
      %parallel_loop3A_374 = arith.constant 560 : i32
      %parallel_loop3A_375 = vector.broadcast %parallel_loop3A_374 : i32 to vector<16xi32>
      %parallel_loop3A_376 = arith.addi %parallel_loop3A_366, %parallel_loop3A_375 : vector<16xi32>
      %parallel_loop3A_377 = arith.mulf %parallel_loop3A_362, %parallel_loop3A_340 : vector<16xf32>
      tpu.vector_store_idx %arg7[%parallel_loop3A_376], %parallel_loop3A_377 {add = true} : memref<1152xf32, #tpu.memory_space<vmem>>[vector<16xi32>], vector<16xf32>,
      %parallel_loop3A_378 = arith.addf %parallel_loop3A_332, %parallel_loop3A_340 : vector<16xf32>
      %parallel_loop3A_379 = arith.mulf %parallel_loop3A_340, %parallel_loop3A_340 : vector<16xf32>
      %parallel_loop3A_380 = arith.addf %parallel_loop3A_334, %parallel_loop3A_379 : vector<16xf32>
      %parallel_loop3A_381 = arith.index_cast %parallel_loop3A_240 : i32 to index
      %parallel_loop3A_382 = arith.constant 48 : index
      %parallel_loop3A_383 = tpu.vector_load %arg5[%parallel_loop3A_381, %parallel_loop3A_382] {strides = array<i32>} : memref<288x96xf32, #tpu.memory_space<vmem>>, vector<16xf32>,
      %parallel_loop3A_384 = arith.index_cast %parallel_loop3A_240 : i32 to index
      %parallel_loop3A_385 = arith.constant 48 : index
      %parallel_loop3A_386 = tpu.vector_load %arg6[%parallel_loop3A_384, %parallel_loop3A_385] {strides = array<i32>} : memref<288x96xf32, #tpu.memory_space<vmem>>, vector<16xf32>,
      %parallel_loop3A_387 = arith.constant 3.100000e+01 : f32
      %parallel_loop3A_388 = vector.broadcast %parallel_loop3A_387 : f32 to vector<16xf32>
      %parallel_loop3A_389 = arith.mulf %parallel_loop3A_383, %parallel_loop3A_388 : vector<16xf32>
      %parallel_loop3A_390 = arith.fptosi %parallel_loop3A_389 : vector<16xf32> to vector<16xi32>
      %parallel_loop3A_391 = arith.sitofp %parallel_loop3A_390 : vector<16xi32> to vector<16xf32>
      %parallel_loop3A_392 = arith.constant 0.0322580636 : f32
      %parallel_loop3A_393 = vector.broadcast %parallel_loop3A_392 : f32 to vector<16xf32>
      %parallel_loop3A_394 = arith.mulf %parallel_loop3A_391, %parallel_loop3A_393 : vector<16xf32>
      %parallel_loop3A_395 = arith.subf %parallel_loop3A_383, %parallel_loop3A_394 : vector<16xf32>
      %parallel_loop3A_396 = arith.constant 0.0322580636 : f32
      %parallel_loop3A_397 = vector.broadcast %parallel_loop3A_396 : f32 to vector<16xf32>
      %parallel_loop3A_398 = arith.subf %parallel_loop3A_395, %parallel_loop3A_397 : vector<16xf32>
      %parallel_loop3A_399 = arith.mulf %parallel_loop3A_395, %parallel_loop3A_395 : vector<16xf32>
      %parallel_loop3A_400 = arith.constant -5.000000e+03 : f32
      %parallel_loop3A_401 = vector.broadcast %parallel_loop3A_400 : f32 to vector<16xf32>
      %parallel_loop3A_402 = arith.mulf %parallel_loop3A_399, %parallel_loop3A_401 : vector<16xf32>
      %parallel_loop3A_403 = math.exp %parallel_loop3A_402 : vector<16xf32>
      %parallel_loop3A_404 = arith.mulf %parallel_loop3A_398, %parallel_loop3A_398 : vector<16xf32>
      %parallel_loop3A_405 = arith.constant -5.000000e+03 : f32
      %parallel_loop3A_406 = vector.broadcast %parallel_loop3A_405 : f32 to vector<16xf32>
      %parallel_loop3A_407 = arith.mulf %parallel_loop3A_404, %parallel_loop3A_406 : vector<16xf32>
      %parallel_loop3A_408 = math.exp %parallel_loop3A_407 : vector<16xf32>
      %parallel_loop3A_409 = arith.constant 16 : i32
      %parallel_loop3A_410 = vector.broadcast %parallel_loop3A_409 : i32 to vector<16xi32>
      %parallel_loop3A_411 = arith.muli %parallel_loop3A_390, %parallel_loop3A_410 : vector<16xi32>
      %parallel_loop3A_412 = arith.addi %parallel_loop3A_411, %iota3A : vector<16xi32>
      tpu.vector_store_idx %arg7[%parallel_loop3A_412], %parallel_loop3A_403 {add = true} : memref<1152xf32, #tpu.memory_space<vmem>>[vector<16xi32>], vector<16xf32>,
      %parallel_loop3A_413 = arith.constant 16 : i32
      %parallel_loop3A_414 = vector.broadcast %parallel_loop3A_413 : i32 to vector<16xi32>
      %parallel_loop3A_415 = arith.addi %parallel_loop3A_412, %parallel_loop3A_414 : vector<16xi32>
      tpu.vector_store_idx %arg7[%parallel_loop3A_415], %parallel_loop3A_408 {add = true} : memref<1152xf32, #tpu.memory_space<vmem>>[vector<16xi32>], vector<16xf32>,
      %parallel_loop3A_416 = arith.constant 544 : i32
      %parallel_loop3A_417 = vector.broadcast %parallel_loop3A_416 : i32 to vector<16xi32>
      %parallel_loop3A_418 = arith.addi %parallel_loop3A_412, %parallel_loop3A_417 : vector<16xi32>
      %parallel_loop3A_419 = arith.mulf %parallel_loop3A_403, %parallel_loop3A_386 : vector<16xf32>
      tpu.vector_store_idx %arg7[%parallel_loop3A_418], %parallel_loop3A_419 {add = true} : memref<1152xf32, #tpu.memory_space<vmem>>[vector<16xi32>], vector<16xf32>,
      %parallel_loop3A_420 = arith.constant 560 : i32
      %parallel_loop3A_421 = vector.broadcast %parallel_loop3A_420 : i32 to vector<16xi32>
      %parallel_loop3A_422 = arith.addi %parallel_loop3A_412, %parallel_loop3A_421 : vector<16xi32>
      %parallel_loop3A_423 = arith.mulf %parallel_loop3A_408, %parallel_loop3A_386 : vector<16xf32>
      tpu.vector_store_idx %arg7[%parallel_loop3A_422], %parallel_loop3A_423 {add = true} : memref<1152xf32, #tpu.memory_space<vmem>>[vector<16xi32>], vector<16xf32>,
      %parallel_loop3A_424 = arith.addf %parallel_loop3A_378, %parallel_loop3A_386 : vector<16xf32>
      %parallel_loop3A_425 = arith.mulf %parallel_loop3A_386, %parallel_loop3A_386 : vector<16xf32>
      %parallel_loop3A_426 = arith.addf %parallel_loop3A_380, %parallel_loop3A_425 : vector<16xf32>
      %parallel_loop3A_427 = arith.index_cast %parallel_loop3A_240 : i32 to index
      %parallel_loop3A_428 = arith.constant 64 : index
      %parallel_loop3A_429 = tpu.vector_load %arg5[%parallel_loop3A_427, %parallel_loop3A_428] {strides = array<i32>} : memref<288x96xf32, #tpu.memory_space<vmem>>, vector<16xf32>,
      %parallel_loop3A_430 = arith.index_cast %parallel_loop3A_240 : i32 to index
      %parallel_loop3A_431 = arith.constant 64 : index
      %parallel_loop3A_432 = tpu.vector_load %arg6[%parallel_loop3A_430, %parallel_loop3A_431] {strides = array<i32>} : memref<288x96xf32, #tpu.memory_space<vmem>>, vector<16xf32>,
      %parallel_loop3A_433 = arith.constant 3.100000e+01 : f32
      %parallel_loop3A_434 = vector.broadcast %parallel_loop3A_433 : f32 to vector<16xf32>
      %parallel_loop3A_435 = arith.mulf %parallel_loop3A_429, %parallel_loop3A_434 : vector<16xf32>
      %parallel_loop3A_436 = arith.fptosi %parallel_loop3A_435 : vector<16xf32> to vector<16xi32>
      %parallel_loop3A_437 = arith.sitofp %parallel_loop3A_436 : vector<16xi32> to vector<16xf32>
      %parallel_loop3A_438 = arith.constant 0.0322580636 : f32
      %parallel_loop3A_439 = vector.broadcast %parallel_loop3A_438 : f32 to vector<16xf32>
      %parallel_loop3A_440 = arith.mulf %parallel_loop3A_437, %parallel_loop3A_439 : vector<16xf32>
      %parallel_loop3A_441 = arith.subf %parallel_loop3A_429, %parallel_loop3A_440 : vector<16xf32>
      %parallel_loop3A_442 = arith.constant 0.0322580636 : f32
      %parallel_loop3A_443 = vector.broadcast %parallel_loop3A_442 : f32 to vector<16xf32>
      %parallel_loop3A_444 = arith.subf %parallel_loop3A_441, %parallel_loop3A_443 : vector<16xf32>
      %parallel_loop3A_445 = arith.mulf %parallel_loop3A_441, %parallel_loop3A_441 : vector<16xf32>
      %parallel_loop3A_446 = arith.constant -5.000000e+03 : f32
      %parallel_loop3A_447 = vector.broadcast %parallel_loop3A_446 : f32 to vector<16xf32>
      %parallel_loop3A_448 = arith.mulf %parallel_loop3A_445, %parallel_loop3A_447 : vector<16xf32>
      %parallel_loop3A_449 = math.exp %parallel_loop3A_448 : vector<16xf32>
      %parallel_loop3A_450 = arith.mulf %parallel_loop3A_444, %parallel_loop3A_444 : vector<16xf32>
      %parallel_loop3A_451 = arith.constant -5.000000e+03 : f32
      %parallel_loop3A_452 = vector.broadcast %parallel_loop3A_451 : f32 to vector<16xf32>
      %parallel_loop3A_453 = arith.mulf %parallel_loop3A_450, %parallel_loop3A_452 : vector<16xf32>
      %parallel_loop3A_454 = math.exp %parallel_loop3A_453 : vector<16xf32>
      %parallel_loop3A_455 = arith.constant 16 : i32
      %parallel_loop3A_456 = vector.broadcast %parallel_loop3A_455 : i32 to vector<16xi32>
      %parallel_loop3A_457 = arith.muli %parallel_loop3A_436, %parallel_loop3A_456 : vector<16xi32>
      %parallel_loop3A_458 = arith.addi %parallel_loop3A_457, %iota3A : vector<16xi32>
      tpu.vector_store_idx %arg7[%parallel_loop3A_458], %parallel_loop3A_449 {add = true} : memref<1152xf32, #tpu.memory_space<vmem>>[vector<16xi32>], vector<16xf32>,
      %parallel_loop3A_459 = arith.constant 16 : i32
      %parallel_loop3A_460 = vector.broadcast %parallel_loop3A_459 : i32 to vector<16xi32>
      %parallel_loop3A_461 = arith.addi %parallel_loop3A_458, %parallel_loop3A_460 : vector<16xi32>
      tpu.vector_store_idx %arg7[%parallel_loop3A_461], %parallel_loop3A_454 {add = true} : memref<1152xf32, #tpu.memory_space<vmem>>[vector<16xi32>], vector<16xf32>,
      %parallel_loop3A_462 = arith.constant 544 : i32
      %parallel_loop3A_463 = vector.broadcast %parallel_loop3A_462 : i32 to vector<16xi32>
      %parallel_loop3A_464 = arith.addi %parallel_loop3A_458, %parallel_loop3A_463 : vector<16xi32>
      %parallel_loop3A_465 = arith.mulf %parallel_loop3A_449, %parallel_loop3A_432 : vector<16xf32>
      tpu.vector_store_idx %arg7[%parallel_loop3A_464], %parallel_loop3A_465 {add = true} : memref<1152xf32, #tpu.memory_space<vmem>>[vector<16xi32>], vector<16xf32>,
      %parallel_loop3A_466 = arith.constant 560 : i32
      %parallel_loop3A_467 = vector.broadcast %parallel_loop3A_466 : i32 to vector<16xi32>
      %parallel_loop3A_468 = arith.addi %parallel_loop3A_458, %parallel_loop3A_467 : vector<16xi32>
      %parallel_loop3A_469 = arith.mulf %parallel_loop3A_454, %parallel_loop3A_432 : vector<16xf32>
      tpu.vector_store_idx %arg7[%parallel_loop3A_468], %parallel_loop3A_469 {add = true} : memref<1152xf32, #tpu.memory_space<vmem>>[vector<16xi32>], vector<16xf32>,
      %parallel_loop3A_470 = arith.addf %parallel_loop3A_424, %parallel_loop3A_432 : vector<16xf32>
      %parallel_loop3A_471 = arith.mulf %parallel_loop3A_432, %parallel_loop3A_432 : vector<16xf32>
      %parallel_loop3A_472 = arith.addf %parallel_loop3A_426, %parallel_loop3A_471 : vector<16xf32>
      %parallel_loop3A_473 = arith.index_cast %parallel_loop3A_240 : i32 to index
      %parallel_loop3A_474 = arith.constant 80 : index
      %parallel_loop3A_475 = tpu.vector_load %arg5[%parallel_loop3A_473, %parallel_loop3A_474] {strides = array<i32>} : memref<288x96xf32, #tpu.memory_space<vmem>>, vector<16xf32>,
      %parallel_loop3A_476 = arith.index_cast %parallel_loop3A_240 : i32 to index
      %parallel_loop3A_477 = arith.constant 80 : index
      %parallel_loop3A_478 = tpu.vector_load %arg6[%parallel_loop3A_476, %parallel_loop3A_477] {strides = array<i32>} : memref<288x96xf32, #tpu.memory_space<vmem>>, vector<16xf32>,
      %parallel_loop3A_479 = arith.constant 3.100000e+01 : f32
      %parallel_loop3A_480 = vector.broadcast %parallel_loop3A_479 : f32 to vector<16xf32>
      %parallel_loop3A_481 = arith.mulf %parallel_loop3A_475, %parallel_loop3A_480 : vector<16xf32>
      %parallel_loop3A_482 = arith.fptosi %parallel_loop3A_481 : vector<16xf32> to vector<16xi32>
      %parallel_loop3A_483 = arith.sitofp %parallel_loop3A_482 : vector<16xi32> to vector<16xf32>
      %parallel_loop3A_484 = arith.constant 0.0322580636 : f32
      %parallel_loop3A_485 = vector.broadcast %parallel_loop3A_484 : f32 to vector<16xf32>
      %parallel_loop3A_486 = arith.mulf %parallel_loop3A_483, %parallel_loop3A_485 : vector<16xf32>
      %parallel_loop3A_487 = arith.subf %parallel_loop3A_475, %parallel_loop3A_486 : vector<16xf32>
      %parallel_loop3A_488 = arith.constant 0.0322580636 : f32
      %parallel_loop3A_489 = vector.broadcast %parallel_loop3A_488 : f32 to vector<16xf32>
      %parallel_loop3A_490 = arith.subf %parallel_loop3A_487, %parallel_loop3A_489 : vector<16xf32>
      %parallel_loop3A_491 = arith.mulf %parallel_loop3A_487, %parallel_loop3A_487 : vector<16xf32>
      %parallel_loop3A_492 = arith.constant -5.000000e+03 : f32
      %parallel_loop3A_493 = vector.broadcast %parallel_loop3A_492 : f32 to vector<16xf32>
      %parallel_loop3A_494 = arith.mulf %parallel_loop3A_491, %parallel_loop3A_493 : vector<16xf32>
      %parallel_loop3A_495 = math.exp %parallel_loop3A_494 : vector<16xf32>
      %parallel_loop3A_496 = arith.mulf %parallel_loop3A_490, %parallel_loop3A_490 : vector<16xf32>
      %parallel_loop3A_497 = arith.constant -5.000000e+03 : f32
      %parallel_loop3A_498 = vector.broadcast %parallel_loop3A_497 : f32 to vector<16xf32>
      %parallel_loop3A_499 = arith.mulf %parallel_loop3A_496, %parallel_loop3A_498 : vector<16xf32>
      %parallel_loop3A_500 = math.exp %parallel_loop3A_499 : vector<16xf32>
      %parallel_loop3A_501 = arith.constant 16 : i32
      %parallel_loop3A_502 = vector.broadcast %parallel_loop3A_501 : i32 to vector<16xi32>
      %parallel_loop3A_503 = arith.muli %parallel_loop3A_482, %parallel_loop3A_502 : vector<16xi32>
      %parallel_loop3A_504 = arith.addi %parallel_loop3A_503, %iota3A : vector<16xi32>
      tpu.vector_store_idx %arg7[%parallel_loop3A_504], %parallel_loop3A_495 {add = true} : memref<1152xf32, #tpu.memory_space<vmem>>[vector<16xi32>], vector<16xf32>,
      %parallel_loop3A_505 = arith.constant 16 : i32
      %parallel_loop3A_506 = vector.broadcast %parallel_loop3A_505 : i32 to vector<16xi32>
      %parallel_loop3A_507 = arith.addi %parallel_loop3A_504, %parallel_loop3A_506 : vector<16xi32>
      tpu.vector_store_idx %arg7[%parallel_loop3A_507], %parallel_loop3A_500 {add = true} : memref<1152xf32, #tpu.memory_space<vmem>>[vector<16xi32>], vector<16xf32>,
      %parallel_loop3A_508 = arith.constant 544 : i32
      %parallel_loop3A_509 = vector.broadcast %parallel_loop3A_508 : i32 to vector<16xi32>
      %parallel_loop3A_510 = arith.addi %parallel_loop3A_504, %parallel_loop3A_509 : vector<16xi32>
      %parallel_loop3A_511 = arith.mulf %parallel_loop3A_495, %parallel_loop3A_478 : vector<16xf32>
      tpu.vector_store_idx %arg7[%parallel_loop3A_510], %parallel_loop3A_511 {add = true} : memref<1152xf32, #tpu.memory_space<vmem>>[vector<16xi32>], vector<16xf32>,
      %parallel_loop3A_512 = arith.constant 560 : i32
      %parallel_loop3A_513 = vector.broadcast %parallel_loop3A_512 : i32 to vector<16xi32>
      %parallel_loop3A_514 = arith.addi %parallel_loop3A_504, %parallel_loop3A_513 : vector<16xi32>
      %parallel_loop3A_515 = arith.mulf %parallel_loop3A_500, %parallel_loop3A_478 : vector<16xf32>
      tpu.vector_store_idx %arg7[%parallel_loop3A_514], %parallel_loop3A_515 {add = true} : memref<1152xf32, #tpu.memory_space<vmem>>[vector<16xi32>], vector<16xf32>,
      %parallel_loop3A_516 = arith.addf %parallel_loop3A_470, %parallel_loop3A_478 : vector<16xf32>
      %parallel_loop3A_517 = arith.mulf %parallel_loop3A_478, %parallel_loop3A_478 : vector<16xf32>
      %parallel_loop3A_518 = arith.addf %parallel_loop3A_472, %parallel_loop3A_517 : vector<16xf32>
      scf.yield %parallel_loop3A_516, %parallel_loop3A_518 : vector<16xf32>, vector<16xf32>
    } {sc.loop_unroll_factor = 1 : i64, sc.parallel_access}
    %swap3A_236 = arith.constant 1088 : index
    %swap3A_237 = tpu.vector_load %arg7[%swap3A_236] {strides = array<i32>} : memref<1152xf32, #tpu.memory_space<vmem>>, vector<16xf32>,
    tpu.vector_store %arg7[%swap3A_236], %parallel_loop3A_235#0 {strides = array<i32>} : memref<1152xf32, #tpu.memory_space<vmem>>, vector<16xf32>,
    %swap3A_238 = arith.constant 1104 : index
    %swap3A_239 = tpu.vector_load %arg7[%swap3A_238] {strides = array<i32>} : memref<1152xf32, #tpu.memory_space<vmem>>, vector<16xf32>,
    tpu.vector_store %arg7[%swap3A_238], %parallel_loop3A_235#1 {strides = array<i32>} : memref<1152xf32, #tpu.memory_space<vmem>>, vector<16xf32>,
    "tpu.region"() ({
      %run_scoped3A = tpu.sem_alloc : memref<!tpu.dma_semaphore, #tpu.memory_space<semaphore_mem>>
      %dma_start3A_240 = arith.constant 0 : i32
      %dma_start3A_241 = tpu.memref_slice %arg4[%add3A, %dma_start3A_240] : memref<32x1152xf32, #tpu.memory_space<hbm>> -> memref<1x1152xf32, #tpu.memory_space<hbm>>
      %dma_start3A_242 = tpu.memref_squeeze %dma_start3A_241 : memref<1x1152xf32, #tpu.memory_space<hbm>> -> memref<1152xf32, #tpu.memory_space<hbm>>
      %dma_start3A_243 = arith.constant 0 : i32
      %dma_start3A_244 = tpu.memref_slice %arg4[%add3A, %dma_start3A_243] : memref<32x1152xf32, #tpu.memory_space<hbm>> -> memref<1x1152xf32, #tpu.memory_space<hbm>>
      %dma_start3A_245 = tpu.memref_squeeze %dma_start3A_244 : memref<1x1152xf32, #tpu.memory_space<hbm>> -> memref<1152xf32, #tpu.memory_space<hbm>>
      tpu.enqueue_dma source(%arg7 : memref<1152xf32, #tpu.memory_space<vmem>>) target(%dma_start3A_245 : memref<1152xf32, #tpu.memory_space<hbm>>) target_semaphore(%run_scoped3A : memref<!tpu.dma_semaphore, #tpu.memory_space<semaphore_mem>>)
      %dma_wait3A_246 = arith.constant 0 : i32
      %dma_wait3A_247 = tpu.memref_slice %arg4[%add3A, %dma_wait3A_246] : memref<32x1152xf32, #tpu.memory_space<hbm>> -> memref<1x1152xf32, #tpu.memory_space<hbm>>
      %dma_wait3A_248 = tpu.memref_squeeze %dma_wait3A_247 : memref<1x1152xf32, #tpu.memory_space<hbm>> -> memref<1152xf32, #tpu.memory_space<hbm>>
      %dma_wait3A_249 = arith.constant 0 : i32
      %dma_wait3A_250 = tpu.memref_slice %arg4[%add3A, %dma_wait3A_249] : memref<32x1152xf32, #tpu.memory_space<hbm>> -> memref<1x1152xf32, #tpu.memory_space<hbm>>
      %dma_wait3A_251 = tpu.memref_squeeze %dma_wait3A_250 : memref<1x1152xf32, #tpu.memory_space<hbm>> -> memref<1152xf32, #tpu.memory_space<hbm>>
      tpu.wait_dma2 semaphore(%run_scoped3A : memref<!tpu.dma_semaphore, #tpu.memory_space<semaphore_mem>>) src(%arg7 : memref<1152xf32, #tpu.memory_space<vmem>>) dst(%dma_wait3A_251 : memref<1152xf32, #tpu.memory_space<hbm>>)
      tpu.yield
    }) : () -> ()
    return
  }
}

</mosaic_0001>

<sc_bundles>
// kernel: kernel.3.cloned.1.call-start
scs
__scs_entry_jumppad:
0x0: {  	(pc) =	sbr.rel $0x88, $3  }
0x1: {  	(tag) =	ssettag $0x0;
	lr =	simm.s32 $0x1  }
0x2: {  	[smem:$0x3F9F] =	sst lr;
	_ =	strace $0xD0000000  }
0x3: {  	_ = 	snop  }
0x4: {  	_ = 	snop  }
0x5: {  	_ = 	snop  }
0x6: {  	_ = 	snop  }
0x7: {  	_ = 	snop  }
__scs_overlays_trampoline_lowered:
0x8: {  	[smem:$0x3FAE] =	sst s0  }
0x9: {  	[smem:$0x3FAF] =	sst s1  }
0xa: {  	[smem:$0x3FB0] =	sst s2  }
0xb: {  	[smem:$0x3FB1] =	sst s3  }
0xc: {  	[smem:$0x3FB2] =	sst s4  }
0xd: {  	[smem:$0x3FB3] =	sst s5  }
0xe: {  	[smem:$0x3FB4] =	sst s6  }
0xf: {  	[smem:$0x3FB5] =	sst s7  }
0x10: {  	[smem:$0x3FB6] =	sst s8  }
0x11: {  	[smem:$0x3FB7] =	sst s9;
	s0 =	simm.s32 @!p0 $0x0  }
0x12: {  	s1 =	sld [smem:$0x3F9D];
	s0 =	simm.s32 @p0 $0x1  }
0x13: {  	[smem:$0x3FB8] =	sst s0;
	s0 =	simm.s32 @!p1 $0x0  }
0x14: {  	s2 =	sld [smem:$0x3F9C];
	s0 =	simm.s32 @p1 $0x1  }
0x15: {  	[smem:$0x3FB9] =	sst s0;
	s0 =	simm.s32 @!p2 $0x0  }
0x16: {  	s3 =	sld [smem:$0x3FDB];
	s0 =	simm.s32 @p2 $0x1  }
0x17: {  	s4 =	simm.s32 $0x1BF5;
	[smem:$0x3FBB] =	sst s0  }
0x18: {  	s0 =	sld [smem:$0x3F9E];
	_ =	swait.ge [sflag:s4], $0x0  }
0x19: {  	s7 =	sld [smem:$0x3F9F]  }
0x1a: {  	s8 =	sadd.s32 $0xFFFFE003, lr  }
0x1b: {  	s9 =	sadd.s32 $0xFFFFFEF7, lr;
	s5 =	simm.s32 $0xFFFFFFFF;
	p2 =	slt.u32 s8, $0xFFFFF086  }
0x1c: {  	p1 =	slt.u32 s9, $0xF7A;
	s5 =	simm.s32 @!p2 $0x0  }
0x1d: {  	s5 =	simm.s32 @p1 $0x1;
	p0 =	seq.s32 s7, s2  }
0x1e: {  	s7 =	smul.u32 @!p0 $0xF7A, s2;
	p2 =	seq.s32 @!p0 s5, $0x0  }
0x1f: {  	s9 =	smul.u32 $0xF7A, s1;
	s8 =	simm.s32 @!p0 $0x1BF5;
	p2 =	por !p2, p0  }
0x20: {  	[sflag:s8] =	ssyncset.s32 @!p0 $0xFFFFF086;
	s6 =	sadd.s32 @!p0 s3, s7;
	s7 =	simm.s32 @!p0 $0x108  }
0x21: {  	s3 =	sadd.s32 s3, s9;
	s6 =	sadd.s32 @!p0 $0x88, s6;
	s7 =	simm.s32 @p2 $0x1082  }
0x22: {  	[simem:s7], [sflag:s8] =	dma.local @!p0 [hbm:s6], $0xF7A  }
0x23: {  	s9 =	sor.u32 $0xD0000000, s2;
	s6 =	simm.s32 $0x108;
	_ =	swait.ge @!p0 [sflag:s8], $0x0  }
0x24: {  	s3 =	sadd.s32 $0x88, s3;
	s6 =	simm.s32 @!p1 $0x1082;
	[sflag:s4] =	ssyncset.s32 $0xFFFFF086  }
0x25: {  	[simem:s6], [sflag:s4] =	dma.local [hbm:s3], $0xF7A  }
0x26: {  	[smem:$0x3F9F] =	sst s1;
	(tag) =	ssettag s2;
	_ =	strace s9  }
0x27: {  	s1 =	sld [smem:$0x3FAF]  }
0x28: {  	s2 =	sld [smem:$0x3FB0]  }
0x29: {  	s4 =	sld [smem:$0x3FB2]  }
0x2a: {  	p0 =	seq.s32 s5, $0x0;
	s5 =	sld [smem:$0x3FB3]  }
0x2b: {  	s6 =	sld [smem:$0x3FB4]  }
0x2c: {  	s7 =	sld [smem:$0x3FB5]  }
0x2d: {  	s3 =	simm.s32 $0x108;
	s8 =	sld [smem:$0x3FB6]  }
0x2e: {  	s3 =	simm.s32 @!p0 $0x1082;
	s9 =	sld [smem:$0x3FB7]  }
0x2f: {  	lr =	sadd.s32 s0, s3;
	s0 =	sld [smem:$0x3FAE]  }
0x30: {  	s3 =	sld [smem:$0x3FB1]  }
0x31: {  	[smem:$0x3FBA] =	sst s10  }
0x32: {  	s10 =	sld [smem:$0x3FB8];
	_ =	sdelay $0x3  }
0x33: {  	p0 =	seq.s32 s10, $0x1;
	s10 =	sld [smem:$0x3FBA];
	_ =	sdelay $0x3  }
0x34: {  	[smem:$0x3FBA] =	sst s10  }
0x35: {  	s10 =	sld [smem:$0x3FB9];
	_ =	sdelay $0x3  }
0x36: {  	p1 =	seq.s32 s10, $0x1;
	s10 =	sld [smem:$0x3FBA];
	_ =	sdelay $0x3  }
0x37: {  	[smem:$0x3FBA] =	sst s10  }
0x38: {  	s10 =	sld [smem:$0x3FBB]  }
0x39: {  	_ = 	snop;
	(pc) =	sbr.ind lr, $3  }
0x3a: {  	_ = 	snop  }
0x3b: {  	_ = 	snop  }
0x3c: {  	p2 =	seq.s32 s10, $0x1;
	s10 =	sld [smem:$0x3FBA]  }
0x3d: {  	_ =	shalt  }
0x3e: {  	_ =	shalt  }
0x3f: {  	_ =	shalt  }
0x40: {  	_ =	shalt  }
0x41: {  	_ =	shalt  }
0x42: {  	_ =	shalt  }
0x43: {  	_ =	shalt  }
0x44: {  	_ =	shalt  }
0x45: {  	_ =	shalt  }
0x46: {  	_ =	shalt  }
0x47: {  	_ =	shalt  }
0x48: {  	_ =	shalt  }
0x49: {  	_ =	shalt  }
0x4a: {  	_ =	shalt  }
0x4b: {  	_ =	shalt  }
0x4c: {  	_ =	shalt  }
0x4d: {  	_ =	shalt  }
0x4e: {  	_ =	shalt  }
0x4f: {  	_ =	shalt  }
0x50: {  	_ =	shalt  }
0x51: {  	_ =	shalt  }
0x52: {  	_ =	shalt  }
0x53: {  	_ =	shalt  }
0x54: {  	_ =	shalt  }
0x55: {  	_ =	shalt  }
0x56: {  	_ =	shalt  }
0x57: {  	_ =	shalt  }
0x58: {  	_ =	shalt  }
0x59: {  	_ =	shalt  }
0x5a: {  	_ =	shalt  }
0x5b: {  	_ =	shalt  }
0x5c: {  	_ =	shalt  }
0x5d: {  	_ =	shalt  }
0x5e: {  	_ =	shalt  }
0x5f: {  	_ =	shalt  }
0x60: {  	_ =	shalt  }
0x61: {  	_ =	shalt  }
0x62: {  	_ =	shalt  }
0x63: {  	_ =	shalt  }
0x64: {  	_ =	shalt  }
0x65: {  	_ =	shalt  }
0x66: {  	_ =	shalt  }
0x67: {  	_ =	shalt  }
0x68: {  	_ =	shalt  }
0x69: {  	_ =	shalt  }
0x6a: {  	_ =	shalt  }
0x6b: {  	_ =	shalt  }
0x6c: {  	_ =	shalt  }
0x6d: {  	_ =	shalt  }
0x6e: {  	_ =	shalt  }
0x6f: {  	_ =	shalt  }
0x70: {  	_ =	shalt  }
0x71: {  	_ =	shalt  }
0x72: {  	_ =	shalt  }
0x73: {  	_ =	shalt  }
0x74: {  	_ =	shalt  }
0x75: {  	_ =	shalt  }
0x76: {  	_ =	shalt  }
0x77: {  	_ =	shalt  }
0x78: {  	_ =	shalt  }
0x79: {  	_ =	shalt  }
0x7a: {  	_ =	shalt  }
0x7b: {  	_ =	shalt  }
0x7c: {  	_ =	shalt  }
0x7d: {  	_ =	shalt  }
0x7e: {  	_ =	shalt  }
0x7f: {  	_ =	shalt  }
0x80: {  	_ =	shalt  }
0x81: {  	_ =	shalt  }
0x82: {  	_ =	shalt  }
0x83: {  	_ =	shalt  }
0x84: {  	_ =	shalt  }
0x85: {  	_ =	shalt  }
0x86: {  	_ =	shalt  }
0x87: {  	_ =	shalt  }
.Lfunc_end0:
.L_simem_size_0:
called_computation_lowered:
.L_overlay_start_0:
0x88: {  	s2 =	sld [smem:$0x3FD9]  }
0x89: {  	s3 =	sld [smem:$0x3FFE];
	_ =	sdelay $0x1  }
0x8a: {  	s1 =	srdreg.scid  }
0x8b: {  	s0 =	sand.u32 $0x1, s1  }
0x8c: {  	s17 =	sshll.u32 s0, $0xA;
	s2 =	sadd.s32 s3, s2  }
0x8d: {  	s2 =	sadd.s32 s2, s17  }
0x8e: {  	[smem:$0x3FC6] =	sst s2  }
0x8f: {  	_ = 	snop  }
0x90: {  	s2 =	sld [smem:$0x3FC9]  }
0x91: {  	s18 =	sld [smem:$0x3FC8];
	(tm) =	ssettm $0x1  }
0x92: {  	s4 =	sld [smem:$0x3FFB];
	_ =	sdelay $0x3  }
0x93: {  	_ =	strace s4  }
0x94: {  	s4 =	sld [smem:$0x3FFC];
	_ =	sdelay $0x3  }
0x95: {  	_ =	strace s4  }
0x96: {  	s4 =	sld [smem:$0x3FFD];
	_ =	sdelay $0x3  }
0x97: {  	_ =	strace s4  }
0x98: {  	_ =	strace $0x8FFFFFFF  }
0x99: {  	s19 =	sld [smem:$0x3FDB];
	_ =	sdelay $0x1  }
0x9a: {  	s5 =	simm.s32 $_scs_section_size  }
0x9b: {  	s6 =	simm.s32 $_size__tile_overlayer_lowered;
	s7 =	simm.s32 $_tile_overlayer_lowered  }
0x9c: {  	s22 =	simm.s32 $0x1BFF;
	s21 =	sshll.u32 s7, $0x1;
	s4 =	sadd.s32 s5, s19  }
0x9d: {  	s8 =	simm.s32 $0x0;
	s20 =	sshll.u32 s6, $0x1;
	s6 =	sadd.s32 s21, s4  }
0x9e: {  	[timem:s8], [sflag:s22] =	dma.local [hbm:s6], s20  }
0x9f: {  	_ =	swait.ge [sflag:s22], s20  }
0xa0: {  	s5 =	ssub.s32 $0x0, s20;
	[sflag:s22] =	ssyncset.done $0x0  }
0xa1: {  	[sflag:s22] =	ssyncadd.s32 s5;
	_ =	sdelay $0x1  }
0xa2: {  	s23 =	simm.s32 $0x1B8B  }
0xa3: {  	_ =	swait.ge [sflag:s23], $0x1  }
0xa4: {  	[sflag:s23] =	ssyncset.done $0x0  }
0xa5: {  	s25 =	simm.s32 $0x1B8E;
	s24 =	sld [smem:$0x3FFE];
	[sflag:s23] =	ssyncadd.s32 $0xFFFFFFFF  }
0xa6: {  	s26 =	simm.s32 $execute0_lowered;
	[smem:$0x3FD2] =	sst s25  }
0xa7: {  	s6 =	sshll.u32 s26, $0x1;
	_ =	strace $0x80000046;
	[dreg:$0x1] =	wrdreg $0xFFFFFFFF  }
0xa8: {  	s28 =	simm.s32 $_size_execute0_lowered;
	s4 =	sadd.s32 s4, s6;
	[dreg:$0x0] =	wrdreg $0x0  }
0xa9: {  	s6 =	sshll.u32 s28, $0x1;
	[dreg:$0x2] =	wrdreg s4  }
0xaa: {  	[dreg:$0x3] =	wrdreg s6  }
0xab: {  	[dreg:$0x4] =	wrdreg $0xC0  }
0xac: {  	_ =	task [dreg:s8], $0x5FFFF  }
0xad: {  	[dreg:$0x1] =	wrdreg $0xFFFFFFFF  }
0xae: {  	[dreg:$0x0] =	wrdreg $0x60  }
0xaf: {  	[dreg:$0x2] =	wrdreg s2  }
0xb0: {  	[dreg:$0x3] =	wrdreg s18  }
0xb1: {  	[dreg:$0x4] =	wrdreg s24  }
0xb2: {  	[dreg:$0x5] =	wrdreg $0x9  }
0xb3: {  	_ =	task.clear_ibuf [dreg:s8], $0x6FFFF;
	_ =	strace $0x90000046  }
0xb4: {  	s29 =	simm.s32 $0x9;
	_ =	strace $0x80000048  }
0xb5: {  	_ =	swait.ge [sflag:s29], $0x1  }
0xb6: {  	[sflag:s29] =	ssyncadd.s32 $0xFFFFFFFF  }
0xb7: {  	_ =	strace $0x90000048  }
0xb8: {  	_ =	sfence  }
0xb9: {  	s30 =	sld [smem:$0x0];
	_ =	sdelay $0x2  }
0xba: {  	s31 =	sshll.u32 s1, $0xD;
	s1 =	sshrl.u32 s1, $0x2  }
0xbb: {  	s3 =	sand.u32 $0x4000, s31;
	s1 =	sadd.s32 s1, s30  }
0xbc: {  	s0 =	sor.u32 s3, s0;
	s1 =	sshll.u32 s1, $0x11  }
0xbd: {  	s0 =	sor.u32 s1, s0  }
0xbe: {  	s0 =	sadd.s32 $0x8F2B, s0  }
0xbf: {  	[sflag:s0] =	ssyncadd.remote.s32 $0x1  }
0xc0: {  	_ =	sfence.sel $0xFFFF  }
0xc1: {  	[dreg:$0x0] =	wrdreg $0xFFFFFFFF;
	(pc) =	sbr.abs _section_cstart, $3  }
0xc2: {  	[dreg:$0x1] =	wrdreg $0xFFFFFFFF  }
0xc3: {  	_ =	task.clear_ibuf [dreg:s8], $0x2FFFF;
	_ =	strace $0x9FFFFFFF  }
0xc4: {  	(tm) =	ssettm $0x7FFFFFFF  }
0xc5: {  	_ =	shalt  }
tec
execute0_lowered:
.L_overlay_start_1:
0x0: {  	(tag) =	ssettag $0x1  }
0x1: {  	s5 =	rddreg [dreg:$0x0]  }
0x2: {  	s6 =	rddreg [dreg:$0x1]  }
0x3: {  	s7 =	rddreg [dreg:$0x2]  }
0x4: {  	s0 =	rddreg [dreg:$0x3];
	s3 =	srdreg.scid  }
0x5: {  	s1 =	stileid.u32;
	s2 =	simm.s32 $0x0;
	s13 =	simm.s32 $0x12000  }
0x6: {  	s14 =	simm.s32 $0x2;
	s15 =	simm.s32 $0x80;
	s16 =	simm.s32 $0x400  }
0x7: {  	s17 =	simm.s32 $0x3;
	s3 =	sand.u32 $0x1, s3;
	s4 =	sshll.u32 s1, $0x1  }
0x8: {  	s18 =	simm.s32 $0x0;
	[smem:$0x7FF] =	sst s2;
	s4 =	sor.u32 s3, s4  }
0x9: {  	s11 =	sshrl.u32 s1, $0x2;
	s3 =	ssub.s32 $0x2, s3;
	s8 =	smul.u32 $0x1200, s4  }
0xa: {  	_ =	strace $0x80000047;
	s9 =	sshrl.u32 s3, $0x1;
	s10 =	smul.u32 $0x9000, s4  }
0xb: {  	s11 =	smul.u32 $0x2400, s11;
	s4 =	sshll.u32 s4, $0x7;
	s9 =	ssub.s32 s3, s9  }
0xc: {  	s12 =	sand.u32 $0x380, s4;
	s3 =	sadd.s32 s5, s8;
	s10 =	sshrl.u32 s10, $0x3  }
0xd: {  	s4 =	sadd.s32 s6, s8;
	s30 =	sor.u32 s11, s12;
	s8 =	smax.u32 s9, $0x1  }
0xe: {  	s9 =	simm.s32 $0x9000;
	s11 =	simm.s32 $0xD800;
	s12 =	simm.s32 $0x1  }
0xf: {  	v0 =	vlaneseq.u32;
	s29 =	sadd.s32 $0x900, s10;
	s31 =	sshrl.u32 s30, $0x3;
	s10 =	simm.s32 $0x4800  }
0x10: {  	v1 =	vor.u32 $0x10, v0;
	v2 =	vor.u32 $0x220, v0;
	v3 =	vor.u32 $0x230, v0;
	s5 =	sadd.s32 s5, s29;
	s6 =	sadd.s32 s6, s29;
	s7 =	sadd.s32 s7, s31  }
.LBB2_1:
0x11: {  	[tilespmem:s2], [sflag:$0x1] =	stream.linear.gather [hbm4b:s3+s2], $0x4800, $0x38;
	[tilespmem:$0x12480] =	vst v63  }
0x12: {  	_ = 	snop  }
0x13: {  	[tilespmem:s9], [sflag:$0x1] =	stream.linear.gather [hbm4b:s4+s2], $0x4800, $0x38;
	[tilespmem:$0x12480] =	vst v63  }
0x14: {  	_ = 	snop  }
0x15: {  	[tilespmem:s10], [sflag:$0x2] =	stream.linear.gather [hbm4b:s5+s2], $0x4800, $0x38;
	[tilespmem:$0x12480] =	vst v63  }
0x16: {  	_ = 	snop  }
0x17: {  	v5 =	vimm.f32 $0.0e+00;
	[tilespmem:s11], [sflag:$0x2] =	stream.linear.gather [hbm4b:s6+s2], $0x4800, $0x38;
	[tilespmem:$0x12480] =	vst v63  }
0x18: {  	[tilespmem:$0x12000] =	vst v5  }
0x19: {  	[tilespmem:$0x12010] =	vst v5  }
0x1a: {  	[tilespmem:$0x12020] =	vst v5  }
0x1b: {  	[tilespmem:$0x12030] =	vst v5  }
0x1c: {  	[tilespmem:$0x12040] =	vst v5  }
0x1d: {  	[tilespmem:$0x12050] =	vst v5  }
0x1e: {  	[tilespmem:$0x12060] =	vst v5  }
0x1f: {  	[tilespmem:$0x12070] =	vst v5  }
0x20: {  	[tilespmem:$0x12080] =	vst v5  }
0x21: {  	[tilespmem:$0x12090] =	vst v5  }
0x22: {  	[tilespmem:$0x120A0] =	vst v5  }
0x23: {  	[tilespmem:$0x120B0] =	vst v5  }
0x24: {  	[tilespmem:$0x120C0] =	vst v5  }
0x25: {  	[tilespmem:$0x120D0] =	vst v5  }
0x26: {  	[tilespmem:$0x120E0] =	vst v5  }
0x27: {  	[tilespmem:$0x120F0] =	vst v5  }
0x28: {  	[tilespmem:$0x12100] =	vst v5  }
0x29: {  	[tilespmem:$0x12110] =	vst v5  }
0x2a: {  	[tilespmem:$0x12120] =	vst v5  }
0x2b: {  	[tilespmem:$0x12130] =	vst v5  }
0x2c: {  	[tilespmem:$0x12140] =	vst v5  }
0x2d: {  	[tilespmem:$0x12150] =	vst v5  }
0x2e: {  	[tilespmem:$0x12160] =	vst v5  }
0x2f: {  	[tilespmem:$0x12170] =	vst v5  }
0x30: {  	[tilespmem:$0x12180] =	vst v5  }
0x31: {  	[tilespmem:$0x12190] =	vst v5  }
0x32: {  	[tilespmem:$0x121A0] =	vst v5  }
0x33: {  	[tilespmem:$0x121B0] =	vst v5  }
0x34: {  	[tilespmem:$0x121C0] =	vst v5  }
0x35: {  	[tilespmem:$0x121D0] =	vst v5  }
0x36: {  	[tilespmem:$0x121E0] =	vst v5  }
0x37: {  	[tilespmem:$0x121F0] =	vst v5  }
0x38: {  	[tilespmem:$0x12200] =	vst v5  }
0x39: {  	[tilespmem:$0x12210] =	vst v5  }
0x3a: {  	[tilespmem:$0x12220] =	vst v5  }
0x3b: {  	[tilespmem:$0x12230] =	vst v5  }
0x3c: {  	[tilespmem:$0x12240] =	vst v5  }
0x3d: {  	[tilespmem:$0x12250] =	vst v5  }
0x3e: {  	[tilespmem:$0x12260] =	vst v5  }
0x3f: {  	[tilespmem:$0x12270] =	vst v5  }
0x40: {  	[tilespmem:$0x12280] =	vst v5  }
0x41: {  	[tilespmem:$0x12290] =	vst v5  }
0x42: {  	[tilespmem:$0x122A0] =	vst v5  }
0x43: {  	[tilespmem:$0x122B0] =	vst v5  }
0x44: {  	[tilespmem:$0x122C0] =	vst v5  }
0x45: {  	[tilespmem:$0x122D0] =	vst v5  }
0x46: {  	[tilespmem:$0x122E0] =	vst v5  }
0x47: {  	[tilespmem:$0x122F0] =	vst v5  }
0x48: {  	[tilespmem:$0x12300] =	vst v5  }
0x49: {  	[tilespmem:$0x12310] =	vst v5  }
0x4a: {  	[tilespmem:$0x12320] =	vst v5  }
0x4b: {  	[tilespmem:$0x12330] =	vst v5  }
0x4c: {  	[tilespmem:$0x12340] =	vst v5  }
0x4d: {  	[tilespmem:$0x12350] =	vst v5  }
0x4e: {  	[tilespmem:$0x12360] =	vst v5  }
0x4f: {  	[tilespmem:$0x12370] =	vst v5  }
0x50: {  	[tilespmem:$0x12380] =	vst v5  }
0x51: {  	[tilespmem:$0x12390] =	vst v5  }
0x52: {  	[tilespmem:$0x123A0] =	vst v5  }
0x53: {  	[tilespmem:$0x123B0] =	vst v5  }
0x54: {  	[tilespmem:$0x123C0] =	vst v5  }
0x55: {  	[tilespmem:$0x123D0] =	vst v5  }
0x56: {  	[tilespmem:$0x123E0] =	vst v5  }
0x57: {  	[tilespmem:$0x123F0] =	vst v5  }
0x58: {  	[tilespmem:$0x12400] =	vst v5  }
0x59: {  	[tilespmem:$0x12410] =	vst v5  }
0x5a: {  	[tilespmem:$0x12420] =	vst v5  }
0x5b: {  	[tilespmem:$0x12430] =	vst v5  }
0x5c: {  	[tilespmem:$0x12440] =	vst v5  }
0x5d: {  	[tilespmem:$0x12450] =	vst v5  }
0x5e: {  	[tilespmem:$0x12460] =	vst v5  }
0x5f: {  	[tilespmem:$0x12470] =	vst v5  }
0x60: {  	_ =	swait.ge [sflag:s12], $0x4800  }
0x61: {  	[sflag:s12] =	ssyncset.done $0x0  }
0x62: {  	[sflag:s12] =	ssyncadd.s32 $0xFFFFB800  }
0x63: {  	_ =	swait.ge [sflag:s12], $0x4800  }
0x64: {  	[sflag:s12] =	ssyncset.done $0x0  }
0x65: {  	s20 =	simm.s32 $0x0;
	[sflag:s12] =	ssyncadd.s32 $0xFFFFB800  }
0x66: {  	v4 =	vld [tilespmem:s20+$0x0];
	_ =	sdelay $0x4  }
0x67: {  	v6 =	vmul.f32 $3.100000000e+01, v4;
	_ =	sdelay $0x1  }
0x68: {  	v6 =	vtrunc.f32 v6  }
0x69: {  	v6 =	vcvt.f32.s32 v6;
	_ =	sdelay $0x1  }
0x6a: {  	v7 =	vcvt.s32.f32 v6;
	_ =	sdelay $0x1  }
0x6b: {  	v7 =	vmul.f32 $3.225806360e-02, v7;
	_ =	sdelay $0x1  }
0x6c: {  	v4 =	vsub.f32 v4, v7;
	_ =	sdelay $0x1  }
0x6d: {  	v7 =	vadd.f32 $-3.225806360e-02, v4  }
0x6e: {  	v4 =	vmul.f32 v4, v4  }
0x6f: {  	v7 =	vmul.f32 v7, v7  }
0x70: {  	v4 =	vmul.f32 $-5.000000000e+03, v4  }
0x71: {  	v7 =	vmul.f32 $-5.000000000e+03, v7  }
0x72: {  	v4 =	vmul.f32 $1.442695020e+00, v4  }
0x73: {  	v7 =	vmul.f32 $1.442695020e+00, v7  }
0x74: {  	(erf) = vpow2.f32 v4  }
0x75: {  	(erf) = vpow2.f32 v7;
	_ =	sdelay $0x2  }
0x76: {  	v4 =	vshll.u32 v6, $0x4  }
0x77: {  	v6 =	vld [tilespmem:s20+$0x9000];
	v7 =	vor.u32 v0, v4  }
0x78: {  	v8 =	vadd.s32 v1, v4  }
0x79: {  	v9 =	vadd.s32 v2, v4  }
0x7a: {  	v4 =	vadd.s32 v3, v4  }
0x7b: {  	v10 =	vpop (erf)  }
0x7c: {  	[tilespmem:v7+s13+$0x0] =	vst.idx.add.f32.msk $0xffff, v10;
	v7 =	vmul.f32 v10, v6;
	v11 =	vpop (erf)  }
0x7d: {  	[tilespmem:v8+s13+$0x0] =	vst.idx.add.f32.msk $0xffff, v11;
	v8 =	vmul.f32 v11, v6  }
0x7e: {  	[tilespmem:v9+s13+$0x0] =	vst.idx.add.f32.msk $0xffff, v7  }
0x7f: {  	[tilespmem:v4+s13+$0x0] =	vst.idx.add.f32.msk $0xffff, v8  }
0x80: {  	v4 =	vld [tilespmem:s20+$0x10];
	_ =	sdelay $0x4  }
0x81: {  	v7 =	vmul.f32 $3.100000000e+01, v4;
	_ =	sdelay $0x1  }
0x82: {  	v7 =	vtrunc.f32 v7  }
0x83: {  	v7 =	vcvt.f32.s32 v7;
	_ =	sdelay $0x1  }
0x84: {  	v8 =	vcvt.s32.f32 v7;
	_ =	sdelay $0x1  }
0x85: {  	v8 =	vmul.f32 $3.225806360e-02, v8;
	_ =	sdelay $0x1  }
0x86: {  	v4 =	vsub.f32 v4, v8  }
0x87: {  	s21 =	simm.s32 $0x80  }
0x88: {  	v9 =	vld [tilespmem:s21+$0x0];
	v8 =	vadd.f32 $-3.225806360e-02, v4  }
0x89: {  	v4 =	vmul.f32 v4, v4  }
0x8a: {  	v8 =	vmul.f32 v8, v8  }
0x8b: {  	v4 =	vmul.f32 $-5.000000000e+03, v4  }
0x8c: {  	v8 =	vmul.f32 $-5.000000000e+03, v8  }
0x8d: {  	v10 =	vmul.f32 $3.100000000e+01, v9;
	v4 =	vmul.f32 $1.442695020e+00, v4  }
0x8e: {  	v8 =	vmul.f32 $1.442695020e+00, v8  }
0x8f: {  	(erf) = vpow2.f32 v4;
	v4 =	vtrunc.f32 v10  }
0x90: {  	v4 =	vcvt.f32.s32 v4;
	(erf) = vpow2.f32 v8;
	_ =	sdelay $0x1  }
0x91: {  	v8 =	vcvt.s32.f32 v4  }
0x92: {  	v7 =	vshll.u32 v7, $0x4  }
0x93: {  	v13 =	vld [tilespmem:s20+$0x9010];
	v10 =	vor.u32 v0, v7;
	v8 =	vmul.f32 $3.225806360e-02, v8  }
0x94: {  	v11 =	vadd.s32 v1, v7  }
0x95: {  	v12 =	vadd.s32 v2, v7;
	v8 =	vsub.f32 v9, v8  }
0x96: {  	v7 =	vadd.s32 v3, v7  }
0x97: {  	v9 =	vpop (erf);
	v14 =	vadd.f32 $-3.225806360e-02, v8  }
0x98: {  	v8 =	vmul.f32 v8, v8;
	[tilespmem:v10+s13+$0x0] =	vst.idx.add.f32.msk $0xffff, v9;
	v9 =	vmul.f32 v9, v13;
	v10 =	vpop (erf)  }
0x99: {  	[tilespmem:v11+s13+$0x0] =	vst.idx.add.f32.msk $0xffff, v10;
	v10 =	vmul.f32 v10, v13;
	v11 =	vmul.f32 v14, v14  }
0x9a: {  	v8 =	vmul.f32 $-5.000000000e+03, v8;
	[tilespmem:v12+s13+$0x0] =	vst.idx.add.f32.msk $0xffff, v9  }
0x9b: {  	[tilespmem:v7+s13+$0x0] =	vst.idx.add.f32.msk $0xffff, v10;
	v7 =	vmul.f32 $-5.000000000e+03, v11  }
0x9c: {  	v8 =	vmul.f32 $1.442695020e+00, v8;
	v10 =	vld [tilespmem:s20+$0x20]  }
0x9d: {  	v7 =	vmul.f32 $1.442695020e+00, v7  }
0x9e: {  	(erf) = vpow2.f32 v8  }
0x9f: {  	(erf) = vpow2.f32 v7;
	_ =	sdelay $0x1  }
0xa0: {  	v7 =	vmul.f32 $3.100000000e+01, v10  }
0xa1: {  	v4 =	vshll.u32 v4, $0x4  }
0xa2: {  	v9 =	vld [tilespmem:s21+$0x9000];
	v8 =	vor.u32 v0, v4;
	v7 =	vtrunc.f32 v7  }
0xa3: {  	v11 =	vadd.s32 v1, v4;
	v7 =	vcvt.f32.s32 v7  }
0xa4: {  	v12 =	vadd.s32 v2, v4  }
0xa5: {  	v4 =	vadd.s32 v3, v4;
	v14 =	vcvt.s32.f32 v7  }
0xa6: {  	v15 =	vpop (erf)  }
0xa7: {  	[tilespmem:v8+s13+$0x0] =	vst.idx.add.f32.msk $0xffff, v15;
	v8 =	vmul.f32 v15, v9;
	v14 =	vmul.f32 $3.225806360e-02, v14;
	v16 =	vpop (erf)  }
0xa8: {  	[tilespmem:v11+s13+$0x0] =	vst.idx.add.f32.msk $0xffff, v16;
	v11 =	vmul.f32 v16, v9  }
0xa9: {  	v10 =	vsub.f32 v10, v14;
	[tilespmem:v12+s13+$0x0] =	vst.idx.add.f32.msk $0xffff, v8  }
0xaa: {  	[tilespmem:v4+s13+$0x0] =	vst.idx.add.f32.msk $0xffff, v11  }
0xab: {  	v4 =	vadd.f32 $-3.225806360e-02, v10;
	v8 =	vld [tilespmem:s21+$0x10]  }
0xac: {  	v10 =	vmul.f32 v10, v10  }
0xad: {  	v4 =	vmul.f32 v4, v4  }
0xae: {  	v10 =	vmul.f32 $-5.000000000e+03, v10  }
0xaf: {  	v4 =	vmul.f32 $-5.000000000e+03, v4  }
0xb0: {  	v10 =	vmul.f32 $1.442695020e+00, v10;
	v11 =	vmul.f32 $3.100000000e+01, v8  }
0xb1: {  	v4 =	vmul.f32 $1.442695020e+00, v4  }
0xb2: {  	(erf) = vpow2.f32 v10;
	v10 =	vtrunc.f32 v11  }
0xb3: {  	(erf) = vpow2.f32 v4;
	v4 =	vcvt.f32.s32 v10;
	_ =	sdelay $0x1  }
0xb4: {  	v10 =	vcvt.s32.f32 v4  }
0xb5: {  	v7 =	vshll.u32 v7, $0x4  }
0xb6: {  	v14 =	vld [tilespmem:s20+$0x9020];
	v11 =	vor.u32 v0, v7;
	v10 =	vmul.f32 $3.225806360e-02, v10  }
0xb7: {  	s22 =	simm.s32 $0x100;
	v12 =	vadd.s32 v1, v7  }
0xb8: {  	v15 =	vld [tilespmem:s22+$0x0];
	v16 =	vadd.s32 v2, v7  }
0xb9: {  	v7 =	vadd.s32 v3, v7;
	v8 =	vsub.f32 v8, v10  }
0xba: {  	v10 =	vpop (erf)  }
0xbb: {  	v17 =	vadd.f32 $-3.225806360e-02, v8;
	[tilespmem:v11+s13+$0x0] =	vst.idx.add.f32.msk $0xffff, v10;
	v10 =	vmul.f32 v10, v14;
	v11 =	vpop (erf)  }
0xbc: {  	v8 =	vmul.f32 v8, v8;
	[tilespmem:v12+s13+$0x0] =	vst.idx.add.f32.msk $0xffff, v11;
	v11 =	vmul.f32 v11, v14  }
0xbd: {  	v12 =	vmul.f32 $3.100000000e+01, v15;
	v17 =	vmul.f32 v17, v17;
	[tilespmem:v16+s13+$0x0] =	vst.idx.add.f32.msk $0xffff, v10  }
0xbe: {  	v8 =	vmul.f32 $-5.000000000e+03, v8;
	[tilespmem:v7+s13+$0x0] =	vst.idx.add.f32.msk $0xffff, v11  }
0xbf: {  	v7 =	vtrunc.f32 v12;
	v10 =	vmul.f32 $-5.000000000e+03, v17;
	v12 =	vld [tilespmem:s20+$0x30]  }
0xc0: {  	v8 =	vmul.f32 $1.442695020e+00, v8;
	v7 =	vcvt.f32.s32 v7  }
0xc1: {  	v10 =	vmul.f32 $1.442695020e+00, v10  }
0xc2: {  	(erf) = vpow2.f32 v8;
	v11 =	vcvt.s32.f32 v7  }
0xc3: {  	(erf) = vpow2.f32 v10  }
0xc4: {  	v8 =	vmul.f32 $3.225806360e-02, v11;
	v10 =	vmul.f32 $3.100000000e+01, v12;
	_ =	sdelay $0x1  }
0xc5: {  	v4 =	vshll.u32 v4, $0x4;
	v8 =	vsub.f32 v15, v8;
	v10 =	vtrunc.f32 v10  }
0xc6: {  	v11 =	vld [tilespmem:s21+$0x9010];
	v15 =	vor.u32 v0, v4;
	v10 =	vcvt.f32.s32 v10  }
0xc7: {  	v17 =	vadd.s32 v1, v4;
	v16 =	vadd.f32 $-3.225806360e-02, v8  }
0xc8: {  	v18 =	vadd.s32 v2, v4;
	v8 =	vmul.f32 v8, v8;
	v19 =	vcvt.s32.f32 v10  }
0xc9: {  	v4 =	vadd.s32 v3, v4;
	v16 =	vmul.f32 v16, v16  }
0xca: {  	v20 =	vpop (erf);
	v8 =	vmul.f32 $-5.000000000e+03, v8;
	v19 =	vmul.f32 $3.225806360e-02, v19  }
0xcb: {  	[tilespmem:v15+s13+$0x0] =	vst.idx.add.f32.msk $0xffff, v20;
	v20 =	vmul.f32 v20, v11;
	v16 =	vmul.f32 $-5.000000000e+03, v16;
	v15 =	vpop (erf)  }
0xcc: {  	v8 =	vmul.f32 $1.442695020e+00, v8;
	[tilespmem:v17+s13+$0x0] =	vst.idx.add.f32.msk $0xffff, v15;
	v15 =	vmul.f32 v15, v11;
	v12 =	vsub.f32 v12, v19  }
0xcd: {  	v16 =	vmul.f32 $1.442695020e+00, v16;
	[tilespmem:v18+s13+$0x0] =	vst.idx.add.f32.msk $0xffff, v20  }
0xce: {  	(erf) = vpow2.f32 v8;
	[tilespmem:v4+s13+$0x0] =	vst.idx.add.f32.msk $0xffff, v15;
	v4 =	vadd.f32 $-3.225806360e-02, v12  }
0xcf: {  	(erf) = vpow2.f32 v16;
	v16 =	vld [tilespmem:s21+$0x20];
	v8 =	vmul.f32 v12, v12  }
0xd0: {  	v4 =	vmul.f32 v4, v4  }
0xd1: {  	v8 =	vmul.f32 $-5.000000000e+03, v8  }
0xd2: {  	v4 =	vmul.f32 $-5.000000000e+03, v4  }
0xd3: {  	v7 =	vshll.u32 v7, $0x4;
	v15 =	vmul.f32 $1.442695020e+00, v8  }
0xd4: {  	v12 =	vor.u32 v0, v7;
	v17 =	vmul.f32 $3.100000000e+01, v16;
	v4 =	vmul.f32 $1.442695020e+00, v4  }
0xd5: {  	v18 =	vadd.s32 v1, v7;
	v8 =	vld [tilespmem:s22+$0x9000]  }
0xd6: {  	(erf) = vpow2.f32 v15;
	v15 =	vtrunc.f32 v17  }
0xd7: {  	v19 =	vadd.s32 v2, v7;
	(erf) = vpow2.f32 v4  }
0xd8: {  	v7 =	vadd.s32 v3, v7;
	v17 =	vcvt.f32.s32 v15;
	v4 =	vpop (erf)  }
0xd9: {  	v15 =	vpop (erf);
	[tilespmem:v12+s13+$0x0] =	vst.idx.add.f32.msk $0xffff, v4  }
0xda: {  	v10 =	vshll.u32 v10, $0x4;
	v4 =	vmul.f32 v4, v8;
	v12 =	vcvt.s32.f32 v17;
	[tilespmem:v18+s13+$0x0] =	vst.idx.add.f32.msk $0xffff, v15  }
0xdb: {  	v20 =	vor.u32 v0, v10;
	v18 =	vmul.f32 v15, v8;
	v15 =	vld [tilespmem:s20+$0x9030]  }
0xdc: {  	[tilespmem:v19+s13+$0x0] =	vst.idx.add.f32.msk $0xffff, v4;
	v4 =	vadd.s32 v1, v10;
	v12 =	vmul.f32 $3.225806360e-02, v12  }
0xdd: {  	[tilespmem:v7+s13+$0x0] =	vst.idx.add.f32.msk $0xffff, v18;
	v7 =	vadd.s32 v2, v10  }
0xde: {  	v10 =	vadd.s32 v3, v10;
	v18 =	vld [tilespmem:s22+$0x10];
	v12 =	vsub.f32 v16, v12  }
0xdf: {  	v16 =	vpop (erf)  }
0xe0: {  	[tilespmem:v20+s13+$0x0] =	vst.idx.add.f32.msk $0xffff, v16;
	v16 =	vmul.f32 v16, v15;
	v19 =	vpop (erf);
	v20 =	vadd.f32 $-3.225806360e-02, v12  }
0xe1: {  	v12 =	vmul.f32 v12, v12;
	[tilespmem:v4+s13+$0x0] =	vst.idx.add.f32.msk $0xffff, v19;
	v4 =	vmul.f32 v19, v15  }
0xe2: {  	[tilespmem:v7+s13+$0x0] =	vst.idx.add.f32.msk $0xffff, v16;
	v7 =	vmul.f32 v20, v20  }
0xe3: {  	v16 =	vmul.f32 $3.100000000e+01, v18;
	[tilespmem:v10+s13+$0x0] =	vst.idx.add.f32.msk $0xffff, v4;
	v4 =	vmul.f32 $-5.000000000e+03, v12  }
0xe4: {  	v10 =	vld [tilespmem:s20+$0x40];
	v7 =	vmul.f32 $-5.000000000e+03, v7  }
0xe5: {  	v12 =	vtrunc.f32 v16;
	v4 =	vmul.f32 $1.442695020e+00, v4  }
0xe6: {  	v16 =	vcvt.f32.s32 v12;
	v7 =	vmul.f32 $1.442695020e+00, v7  }
0xe7: {  	s19 =	simm.s32 $0x180;
	(erf) = vpow2.f32 v4  }
0xe8: {  	v4 =	vld [tilespmem:s19+$0x0];
	v12 =	vcvt.s32.f32 v16;
	(erf) = vpow2.f32 v7  }
0xe9: {  	v7 =	vmul.f32 $3.100000000e+01, v10  }
0xea: {  	v12 =	vmul.f32 $3.225806360e-02, v12  }
0xeb: {  	v17 =	vshll.u32 v17, $0x4;
	v7 =	vtrunc.f32 v7  }
0xec: {  	v19 =	vor.u32 v0, v17;
	v18 =	vsub.f32 v18, v12;
	v7 =	vcvt.f32.s32 v7;
	v12 =	vld [tilespmem:s21+$0x9020]  }
0xed: {  	v21 =	vadd.s32 v1, v17;
	v20 =	vmul.f32 $3.100000000e+01, v4  }
0xee: {  	v24 =	vadd.s32 v2, v17;
	v22 =	vadd.f32 $-3.225806360e-02, v18;
	v23 =	vcvt.s32.f32 v7  }
0xef: {  	v17 =	vadd.s32 v3, v17;
	v20 =	vtrunc.f32 v20;
	v18 =	vmul.f32 v18, v18  }
0xf0: {  	v22 =	vmul.f32 v22, v22;
	v23 =	vmul.f32 $3.225806360e-02, v23;
	v25 =	vpop (erf)  }
0xf1: {  	v18 =	vmul.f32 $-5.000000000e+03, v18;
	[tilespmem:v19+s13+$0x0] =	vst.idx.add.f32.msk $0xffff, v25;
	v19 =	vmul.f32 v25, v12;
	v25 =	vpop (erf)  }
0xf2: {  	v22 =	vmul.f32 $-5.000000000e+03, v22;
	[tilespmem:v21+s13+$0x0] =	vst.idx.add.f32.msk $0xffff, v25;
	v21 =	vmul.f32 v25, v12  }
0xf3: {  	v20 =	vcvt.f32.s32 v20;
	v18 =	vmul.f32 $1.442695020e+00, v18;
	v10 =	vsub.f32 v10, v23;
	[tilespmem:v24+s13+$0x0] =	vst.idx.add.f32.msk $0xffff, v19  }
0xf4: {  	v19 =	vmul.f32 $1.442695020e+00, v22;
	[tilespmem:v17+s13+$0x0] =	vst.idx.add.f32.msk $0xffff, v21  }
0xf5: {  	v17 =	vcvt.s32.f32 v20;
	(erf) = vpow2.f32 v18;
	v21 =	vadd.f32 $-3.225806360e-02, v10;
	v18 =	vld [tilespmem:s21+$0x30]  }
0xf6: {  	v10 =	vmul.f32 v10, v10;
	(erf) = vpow2.f32 v19  }
0xf7: {  	v17 =	vmul.f32 $3.225806360e-02, v17;
	v19 =	vmul.f32 v21, v21;
	_ =	sdelay $0x1  }
0xf8: {  	v10 =	vmul.f32 $-5.000000000e+03, v10;
	v4 =	vsub.f32 v4, v17;
	v17 =	vmul.f32 $-5.000000000e+03, v19  }
0xf9: {  	v16 =	vshll.u32 v16, $0x4;
	v21 =	vmul.f32 $3.100000000e+01, v18  }
0xfa: {  	v19 =	vor.u32 v0, v16;
	v22 =	vmul.f32 $1.442695020e+00, v10;
	v10 =	vld [tilespmem:s22+$0x9010];
	v17 =	vmul.f32 $1.442695020e+00, v17  }
0xfb: {  	v23 =	vadd.s32 v1, v16;
	v24 =	vadd.f32 $-3.225806360e-02, v4;
	v21 =	vtrunc.f32 v21  }
0xfc: {  	(erf) = vpow2.f32 v22;
	v22 =	vadd.s32 v2, v16;
	v21 =	vcvt.f32.s32 v21  }
0xfd: {  	v4 =	vmul.f32 v4, v4;
	v16 =	vadd.s32 v3, v16;
	(erf) = vpow2.f32 v17  }
0xfe: {  	v24 =	vmul.f32 v24, v24;
	v17 =	vpop (erf);
	v25 =	vcvt.s32.f32 v21  }
0xff: {  	v4 =	vmul.f32 $-5.000000000e+03, v4;
	[tilespmem:v19+s13+$0x0] =	vst.idx.add.f32.msk $0xffff, v17;
	v19 =	vpop (erf);
	v17 =	vmul.f32 v17, v10  }
0x100: {  	[tilespmem:v23+s13+$0x0] =	vst.idx.add.f32.msk $0xffff, v19;
	v19 =	vmul.f32 v19, v10;
	v25 =	vmul.f32 $3.225806360e-02, v25  }
0x101: {  	v24 =	vmul.f32 $-5.000000000e+03, v24;
	[tilespmem:v22+s13+$0x0] =	vst.idx.add.f32.msk $0xffff, v17  }
0x102: {  	v4 =	vmul.f32 $1.442695020e+00, v4;
	[tilespmem:v16+s13+$0x0] =	vst.idx.add.f32.msk $0xffff, v19;
	v16 =	vsub.f32 v18, v25  }
0x103: {  	v7 =	vshll.u32 v7, $0x4;
	v23 =	vld [tilespmem:s20+$0x9040];
	v17 =	vmul.f32 $1.442695020e+00, v24  }
0x104: {  	(erf) = vpow2.f32 v4;
	v19 =	vld [tilespmem:s22+$0x20];
	v18 =	vor.u32 v0, v7;
	v4 =	vadd.f32 $-3.225806360e-02, v16  }
0x105: {  	v22 =	vadd.s32 v1, v7;
	(erf) = vpow2.f32 v17;
	v16 =	vmul.f32 v16, v16  }
0x106: {  	v4 =	vmul.f32 v4, v4  }
0x107: {  	v20 =	vshll.u32 v20, $0x4;
	v17 =	vadd.s32 v2, v7;
	v24 =	vpop (erf);
	v16 =	vmul.f32 $-5.000000000e+03, v16  }
0x108: {  	v7 =	vadd.s32 v3, v7;
	v25 =	vmul.f32 v24, v23;
	v4 =	vmul.f32 $-5.000000000e+03, v4  }
0x109: {  	v26 =	vpop (erf);
	v27 =	vmul.f32 $3.100000000e+01, v19;
	[tilespmem:v18+s13+$0x0] =	vst.idx.add.f32.msk $0xffff, v24;
	v24 =	vor.u32 v0, v20;
	v16 =	vmul.f32 $1.442695020e+00, v16  }
0x10a: {  	v18 =	vmul.f32 v26, v23;
	[tilespmem:v22+s13+$0x0] =	vst.idx.add.f32.msk $0xffff, v26;
	v22 =	vadd.s32 v1, v20;
	v26 =	vmul.f32 $1.442695020e+00, v4  }
0x10b: {  	v27 =	vtrunc.f32 v27;
	v4 =	vld [tilespmem:s19+$0x9000];
	(erf) = vpow2.f32 v16  }
0x10c: {  	[tilespmem:v17+s13+$0x0] =	vst.idx.add.f32.msk $0xffff, v25;
	v16 =	vcvt.f32.s32 v27;
	(erf) = vpow2.f32 v26  }
0x10d: {  	v17 =	vadd.s32 v2, v20;
	[tilespmem:v7+s13+$0x0] =	vst.idx.add.f32.msk $0xffff, v18;
	v7 =	vpop (erf)  }
0x10e: {  	v20 =	vadd.s32 v3, v20;
	v25 =	vpop (erf);
	v18 =	vcvt.s32.f32 v16;
	[tilespmem:v24+s13+$0x0] =	vst.idx.add.f32.msk $0xffff, v7  }
0x10f: {  	v21 =	vshll.u32 v21, $0x4;
	[tilespmem:v22+s13+$0x0] =	vst.idx.add.f32.msk $0xffff, v25  }
0x110: {  	v26 =	vor.u32 v0, v21;
	v22 =	vmul.f32 $3.225806360e-02, v18;
	v18 =	vld [tilespmem:s21+$0x9030];
	v24 =	vmul.f32 v7, v4  }
0x111: {  	v27 =	vadd.s32 v1, v21;
	v7 =	vld [tilespmem:s20+$0x9050];
	v25 =	vmul.f32 v25, v4  }
0x112: {  	v19 =	vsub.f32 v19, v22;
	[tilespmem:v17+s13+$0x0] =	vst.idx.add.f32.msk $0xffff, v24  }
0x113: {  	v17 =	vadd.s32 v2, v21;
	[tilespmem:v20+s13+$0x0] =	vst.idx.add.f32.msk $0xffff, v25  }
0x114: {  	v20 =	vadd.s32 v3, v21;
	v21 =	vadd.f32 $-3.225806360e-02, v19;
	v19 =	vmul.f32 v19, v19;
	v22 =	vld [tilespmem:s19+$0x10];
	v24 =	vpop (erf)  }
0x115: {  	[tilespmem:v26+s13+$0x0] =	vst.idx.add.f32.msk $0xffff, v24;
	v24 =	vmul.f32 v24, v18;
	v26 =	vmul.f32 v6, v6;
	v25 =	vpop (erf)  }
0x116: {  	v21 =	vmul.f32 v21, v21;
	v6 =	vadd.f32 v6, v5;
	[tilespmem:v27+s13+$0x0] =	vst.idx.add.f32.msk $0xffff, v25  }
0x117: {  	v19 =	vmul.f32 $-5.000000000e+03, v19;
	v25 =	vmul.f32 v25, v18;
	v5 =	vadd.f32 v26, v5;
	v26 =	vld [tilespmem:s20+$0x50]  }
0x118: {  	v36 =	vmul.f32 v11, v11;
	v6 =	vadd.f32 v13, v6;
	[tilespmem:v17+s13+$0x0] =	vst.idx.add.f32.msk $0xffff, v24;
	v17 =	vmul.f32 $-5.000000000e+03, v21  }
0x119: {  	v16 =	vshll.u32 v16, $0x4;
	v19 =	vmul.f32 $1.442695020e+00, v19;
	s20 =	simm.s32 $0x200;
	[tilespmem:v20+s13+$0x0] =	vst.idx.add.f32.msk $0xffff, v25;
	v20 =	vmul.f32 $3.100000000e+01, v22  }
0x11a: {  	v25 =	vmul.f32 v14, v14;
	v6 =	vadd.f32 v14, v6;
	v14 =	vld [tilespmem:s20+$0x0];
	v17 =	vmul.f32 $1.442695020e+00, v17  }
0x11b: {  	v29 =	vor.u32 v0, v16;
	v21 =	vmul.f32 v13, v13;
	(erf) = vpow2.f32 v19;
	v24 =	vld [tilespmem:s21+$0x40]  }
0x11c: {  	v30 =	vadd.s32 v1, v16;
	v13 =	vtrunc.f32 v20;
	(erf) = vpow2.f32 v17  }
0x11d: {  	v32 =	vadd.s32 v2, v16;
	v55 =	vmul.f32 v18, v18;
	v17 =	vcvt.f32.s32 v13  }
0x11e: {  	v27 =	vmul.f32 v7, v7;
	v19 =	vmul.f32 v15, v15;
	v5 =	vadd.f32 v21, v5  }
0x11f: {  	v6 =	vadd.f32 v15, v6;
	v28 =	vmul.f32 $3.100000000e+01, v26;
	v21 =	vcvt.s32.f32 v17  }
0x120: {  	v5 =	vadd.f32 v25, v5;
	v13 =	vld [tilespmem:s22+$0x9020];
	v31 =	vmul.f32 $3.100000000e+01, v14;
	v25 =	vmul.f32 $3.100000000e+01, v24  }
0x121: {  	v16 =	vadd.s32 v3, v16;
	v20 =	vmul.f32 v23, v23;
	v21 =	vmul.f32 $3.225806360e-02, v21  }
0x122: {  	v6 =	vadd.f32 v23, v6;
	v28 =	vtrunc.f32 v28;
	v25 =	vtrunc.f32 v25  }
0x123: {  	v15 =	vtrunc.f32 v31;
	v25 =	vcvt.f32.s32 v25;
	v21 =	vsub.f32 v22, v21  }
0x124: {  	v5 =	vadd.f32 v19, v5;
	v23 =	vcvt.f32.s32 v28;
	v15 =	vcvt.f32.s32 v15;
	v31 =	vpop (erf)  }
0x125: {  	[tilespmem:v29+s13+$0x0] =	vst.idx.add.f32.msk $0xffff, v31;
	v29 =	vmul.f32 v31, v13;
	v22 =	vcvt.s32.f32 v25;
	v33 =	vadd.f32 $-3.225806360e-02, v21;
	v31 =	vpop (erf)  }
0x126: {  	v21 =	vmul.f32 v21, v21;
	[tilespmem:v30+s13+$0x0] =	vst.idx.add.f32.msk $0xffff, v31;
	v30 =	vmul.f32 v31, v13  }
0x127: {  	v19 =	vmul.f32 v33, v33;
	v22 =	vmul.f32 $3.225806360e-02, v22;
	[tilespmem:v32+s13+$0x0] =	vst.idx.add.f32.msk $0xffff, v29  }
0x128: {  	v5 =	vadd.f32 v20, v5;
	v20 =	vcvt.s32.f32 v23;
	v21 =	vmul.f32 $-5.000000000e+03, v21;
	[tilespmem:v16+s13+$0x0] =	vst.idx.add.f32.msk $0xffff, v30  }
0x129: {  	v16 =	vcvt.s32.f32 v15;
	v19 =	vmul.f32 $-5.000000000e+03, v19;
	v22 =	vsub.f32 v24, v22;
	v24 =	vld [tilespmem:s22+$0x30]  }
0x12a: {  	v20 =	vmul.f32 $3.225806360e-02, v20;
	v21 =	vmul.f32 $1.442695020e+00, v21  }
0x12b: {  	v16 =	vmul.f32 $3.225806360e-02, v16;
	v19 =	vmul.f32 $1.442695020e+00, v19;
	v28 =	vadd.f32 $-3.225806360e-02, v22  }
0x12c: {  	v29 =	vadd.f32 v7, v6;
	(erf) = vpow2.f32 v21;
	v6 =	vmul.f32 v22, v22  }
0x12d: {  	v21 =	vadd.f32 v27, v5;
	(erf) = vpow2.f32 v19;
	v5 =	vmul.f32 v28, v28  }
0x12e: {  	v6 =	vmul.f32 $-5.000000000e+03, v6;
	v19 =	vmul.f32 $3.100000000e+01, v24  }
0x12f: {  	v25 =	vshll.u32 v25, $0x4;
	v14 =	vsub.f32 v14, v16;
	v5 =	vmul.f32 $-5.000000000e+03, v5  }
0x130: {  	v16 =	vshll.u32 v17, $0x4;
	v17 =	vmul.f32 $1.442695020e+00, v6;
	v6 =	vtrunc.f32 v19  }
0x131: {  	v27 =	vor.u32 v0, v16;
	v30 =	vadd.s32 v1, v16;
	v28 =	vcvt.f32.s32 v6  }
0x132: {  	v19 =	vadd.f32 $-3.225806360e-02, v14;
	v5 =	vmul.f32 $1.442695020e+00, v5;
	(erf) = vpow2.f32 v17;
	v6 =	vld [tilespmem:s19+$0x9010]  }
0x133: {  	v15 =	vshll.u32 v15, $0x4;
	v14 =	vmul.f32 v14, v14;
	v17 =	vcvt.s32.f32 v28  }
0x134: {  	(erf) = vpow2.f32 v5;
	v5 =	vmul.f32 v19, v19;
	v19 =	vadd.s32 v2, v16  }
0x135: {  	v16 =	vadd.s32 v3, v16;
	v14 =	vmul.f32 $-5.000000000e+03, v14;
	v31 =	vpop (erf);
	v17 =	vmul.f32 $3.225806360e-02, v17  }
0x136: {  	v20 =	vsub.f32 v26, v20;
	v34 =	vadd.s32 v1, v15;
	v5 =	vmul.f32 $-5.000000000e+03, v5;
	[tilespmem:v27+s13+$0x0] =	vst.idx.add.f32.msk $0xffff, v31;
	v26 =	vpop (erf)  }
0x137: {  	v14 =	vmul.f32 $1.442695020e+00, v14;
	[tilespmem:v30+s13+$0x0] =	vst.idx.add.f32.msk $0xffff, v26;
	v27 =	vmul.f32 v31, v6;
	v17 =	vsub.f32 v24, v17  }
0x138: {  	v26 =	vmul.f32 v26, v6;
	v30 =	vld [tilespmem:s21+$0x9040];
	v5 =	vmul.f32 $1.442695020e+00, v5;
	v24 =	vor.u32 v0, v25  }
0x139: {  	v31 =	vadd.s32 v1, v25;
	(erf) = vpow2.f32 v14;
	[tilespmem:v19+s13+$0x0] =	vst.idx.add.f32.msk $0xffff, v27;
	v14 =	vadd.f32 $-3.225806360e-02, v17  }
0x13a: {  	v27 =	vadd.f32 $-3.225806360e-02, v20;
	(erf) = vpow2.f32 v5;
	[tilespmem:v16+s13+$0x0] =	vst.idx.add.f32.msk $0xffff, v26;
	v5 =	vmul.f32 v17, v17  }
0x13b: {  	v20 =	vmul.f32 v20, v20;
	v17 =	vadd.s32 v2, v25;
	v50 =	vld [tilespmem:s19+$0x20];
	v14 =	vmul.f32 v14, v14  }
0x13c: {  	v25 =	vadd.s32 v3, v25;
	v16 =	vpop (erf);
	v26 =	vmul.f32 v27, v27;
	v5 =	vmul.f32 $-5.000000000e+03, v5  }
0x13d: {  	v22 =	vshll.u32 v23, $0x4;
	v27 =	vmul.f32 v16, v30;
	[tilespmem:v24+s13+$0x0] =	vst.idx.add.f32.msk $0xffff, v16;
	v24 =	vpop (erf);
	v14 =	vmul.f32 $-5.000000000e+03, v14  }
0x13e: {  	v26 =	vmul.f32 $-5.000000000e+03, v26;
	[tilespmem:v31+s13+$0x0] =	vst.idx.add.f32.msk $0xffff, v24;
	v31 =	vor.u32 v0, v15;
	v51 =	vmul.f32 $1.442695020e+00, v5  }
0x13f: {  	v23 =	vor.u32 v0, v22;
	v24 =	vmul.f32 v24, v30;
	v5 =	vld [tilespmem:s20+$0x9000];
	v14 =	vmul.f32 $1.442695020e+00, v14  }
0x140: {  	v19 =	vadd.s32 v1, v22;
	[tilespmem:v17+s13+$0x0] =	vst.idx.add.f32.msk $0xffff, v27;
	v17 =	vmul.f32 $3.100000000e+01, v50;
	(erf) = vpow2.f32 v51  }
0x141: {  	v16 =	vadd.s32 v2, v22;
	[tilespmem:v25+s13+$0x0] =	vst.idx.add.f32.msk $0xffff, v24;
	v24 =	vadd.s32 v2, v15;
	(erf) = vpow2.f32 v14  }
0x142: {  	v27 =	vadd.s32 v3, v15;
	v25 =	vld [tilespmem:s21+$0x50];
	v14 =	vmul.f32 $-5.000000000e+03, v20;
	v20 =	vpop (erf);
	v17 =	vtrunc.f32 v17  }
0x143: {  	v15 =	vadd.s32 v3, v22;
	v22 =	vmul.f32 $1.442695020e+00, v26;
	v26 =	vpop (erf);
	[tilespmem:v31+s13+$0x0] =	vst.idx.add.f32.msk $0xffff, v20;
	v31 =	vcvt.f32.s32 v17  }
0x144: {  	v28 =	vshll.u32 v28, $0x4;
	v37 =	vmul.f32 v30, v30;
	v20 =	vmul.f32 v20, v5;
	[tilespmem:v34+s13+$0x0] =	vst.idx.add.f32.msk $0xffff, v26  }
0x145: {  	v35 =	vor.u32 v0, v28;
	v52 =	vmul.f32 v26, v5;
	v26 =	vld [tilespmem:s22+$0x9030];
	v53 =	vcvt.s32.f32 v31  }
0x146: {  	v54 =	vadd.s32 v2, v28;
	v17 =	vmul.f32 v9, v9;
	(erf) = vpow2.f32 v22;
	[tilespmem:v24+s13+$0x0] =	vst.idx.add.f32.msk $0xffff, v20  }
0x147: {  	v14 =	vmul.f32 $1.442695020e+00, v14;
	v20 =	vadd.s32 v1, v28;
	[tilespmem:v27+s13+$0x0] =	vst.idx.add.f32.msk $0xffff, v52;
	v27 =	vmul.f32 $3.225806360e-02, v53  }
0x148: {  	v9 =	vadd.f32 v9, v29;
	v24 =	vmul.f32 v12, v12;
	v39 =	vmul.f32 $3.100000000e+01, v25;
	v38 =	vld [tilespmem:s20+$0x10]  }
0x149: {  	v28 =	vadd.s32 v3, v28;
	v17 =	vadd.f32 v17, v21;
	v27 =	vsub.f32 v50, v27  }
0x14a: {  	v9 =	vadd.f32 v11, v9;
	(erf) = vpow2.f32 v14;
	v29 =	vtrunc.f32 v39;
	v22 =	vpop (erf)  }
0x14b: {  	v21 =	vcvt.f32.s32 v29;
	[tilespmem:v35+s13+$0x0] =	vst.idx.add.f32.msk $0xffff, v22;
	v14 =	vmul.f32 v22, v26;
	v22 =	vpop (erf);
	v32 =	vadd.f32 $-3.225806360e-02, v27  }
0x14c: {  	v31 =	vshll.u32 v31, $0x4;
	[tilespmem:v20+s13+$0x0] =	vst.idx.add.f32.msk $0xffff, v22;
	v20 =	vmul.f32 v22, v26;
	v22 =	vmul.f32 v27, v27  }
0x14d: {  	v57 =	vor.u32 v0, v31;
	v11 =	vmul.f32 $3.100000000e+01, v38;
	[tilespmem:v54+s13+$0x0] =	vst.idx.add.f32.msk $0xffff, v14;
	v14 =	vmul.f32 v32, v32  }
0x14e: {  	v27 =	vcvt.s32.f32 v21;
	[tilespmem:v28+s13+$0x0] =	vst.idx.add.f32.msk $0xffff, v20;
	v20 =	vadd.f32 v36, v17;
	v22 =	vmul.f32 $-5.000000000e+03, v22  }
0x14f: {  	v9 =	vadd.f32 v12, v9;
	v11 =	vtrunc.f32 v11;
	v28 =	vld [tilespmem:s22+$0x40];
	v12 =	vmul.f32 $-5.000000000e+03, v14  }
0x150: {  	v17 =	vld [tilespmem:s21+$0x9050];
	v14 =	vadd.f32 v24, v20;
	v24 =	vcvt.f32.s32 v11;
	v11 =	vmul.f32 $1.442695020e+00, v22  }
0x151: {  	v9 =	vadd.f32 v18, v9;
	v18 =	vmul.f32 $3.225806360e-02, v27;
	s21 =	simm.s32 $0x280;
	v12 =	vmul.f32 $1.442695020e+00, v12  }
0x152: {  	v59 =	vadd.s32 v1, v31;
	v27 =	vld [tilespmem:s21+$0x0];
	v20 =	vcvt.s32.f32 v24;
	(erf) = vpow2.f32 v11  }
0x153: {  	v61 =	vadd.s32 v2, v31;
	v25 =	vsub.f32 v25, v18;
	(erf) = vpow2.f32 v12  }
0x154: {  	v29 =	vadd.f32 v30, v9;
	v12 =	vmul.f32 $3.100000000e+01, v28;
	v9 =	vmul.f32 $3.225806360e-02, v20  }
0x155: {  	v31 =	vadd.s32 v3, v31;
	v30 =	vmul.f32 v17, v17;
	v20 =	vadd.f32 $-3.225806360e-02, v25  }
0x156: {  	v25 =	vmul.f32 v25, v25;
	v12 =	vtrunc.f32 v12;
	v22 =	vsub.f32 v38, v9  }
0x157: {  	v14 =	vadd.f32 v55, v14;
	v11 =	vpop (erf);
	v56 =	vmul.f32 v20, v20;
	v20 =	vmul.f32 $3.100000000e+01, v27;
	v9 =	vld [tilespmem:s19+$0x9020]  }
0x158: {  	v24 =	vshll.u32 v24, $0x4;
	v18 =	vmul.f32 v11, v7;
	v12 =	vcvt.f32.s32 v12  }
0x159: {  	v25 =	vmul.f32 $-5.000000000e+03, v25;
	v58 =	vadd.f32 $-3.225806360e-02, v22;
	v20 =	vtrunc.f32 v20  }
0x15a: {  	v29 =	vadd.f32 v17, v29;
	v38 =	vmul.f32 v22, v22;
	v60 =	vcvt.s32.f32 v12;
	v22 =	vpop (erf)  }
0x15b: {  	v47 =	vor.u32 v0, v24;
	v40 =	vcvt.f32.s32 v20;
	v34 =	vmul.f32 v58, v58;
	v62 =	vpop (erf)  }
0x15c: {  	v48 =	vadd.s32 v1, v24;
	v20 =	vmul.f32 $-5.000000000e+03, v38;
	[tilespmem:v57+s13+$0x0] =	vst.idx.add.f32.msk $0xffff, v62;
	v63 =	vmul.f32 v62, v9;
	v41 =	vpop (erf)  }
0x15d: {  	v50 =	vadd.s32 v2, v24;
	v36 =	vmul.f32 $3.225806360e-02, v60;
	[tilespmem:v59+s13+$0x0] =	vst.idx.add.f32.msk $0xffff, v41;
	v42 =	vmul.f32 v41, v9  }
0x15e: {  	v14 =	vadd.f32 v37, v14;
	v32 =	vmul.f32 $-5.000000000e+03, v56;
	v43 =	vcvt.s32.f32 v40;
	[tilespmem:v61+s13+$0x0] =	vst.idx.add.f32.msk $0xffff, v63  }
0x15f: {  	v34 =	vmul.f32 $-5.000000000e+03, v34;
	v20 =	vmul.f32 $1.442695020e+00, v20;
	v28 =	vsub.f32 v28, v36;
	[tilespmem:v31+s13+$0x0] =	vst.idx.add.f32.msk $0xffff, v42  }
0x160: {  	v45 =	vmul.f32 $3.225806360e-02, v43;
	v59 =	vmul.f32 v8, v8;
	v8 =	vadd.f32 v8, v29;
	v31 =	vld [tilespmem:s19+$0x30]  }
0x161: {  	v29 =	vmul.f32 v13, v13;
	v34 =	vmul.f32 $1.442695020e+00, v34;
	v44 =	vadd.f32 $-3.225806360e-02, v28  }
0x162: {  	v30 =	vadd.f32 v30, v14;
	(erf) = vpow2.f32 v20;
	v14 =	vmul.f32 v28, v28  }
0x163: {  	v52 =	vadd.s32 v3, v24;
	v61 =	vmul.f32 v10, v10;
	v33 =	vmul.f32 v44, v44  }
0x164: {  	(erf) = vpow2.f32 v34;
	v34 =	vsub.f32 v27, v45;
	v14 =	vmul.f32 $-5.000000000e+03, v14  }
0x165: {  	v12 =	vshll.u32 v12, $0x4;
	v33 =	vmul.f32 $-5.000000000e+03, v33;
	v49 =	vmul.f32 $3.100000000e+01, v31  }
0x166: {  	v55 =	vor.u32 v0, v12;
	[tilespmem:v23+s13+$0x0] =	vst.idx.add.f32.msk $0xffff, v22;
	v23 =	vmul.f32 v34, v34;
	v46 =	vmul.f32 $1.442695020e+00, v14  }
0x167: {  	v41 =	vadd.s32 v1, v12;
	v27 =	vmul.f32 $1.442695020e+00, v33;
	v37 =	vtrunc.f32 v49  }
0x168: {  	v51 =	vadd.f32 $-3.225806360e-02, v34;
	v14 =	vld [tilespmem:s20+$0x9010];
	(erf) = vpow2.f32 v46;
	v37 =	vcvt.f32.s32 v37  }
0x169: {  	v28 =	vshll.u32 v21, $0x4;
	(erf) = vpow2.f32 v27;
	v27 =	vmul.f32 $1.442695020e+00, v32  }
0x16a: {  	v30 =	vadd.f32 v59, v30;
	v32 =	vmul.f32 v51, v51;
	v54 =	vcvt.s32.f32 v37  }
0x16b: {  	[tilespmem:v19+s13+$0x0] =	vst.idx.add.f32.msk $0xffff, v11;
	v21 =	vor.u32 v0, v28;
	v34 =	vmul.f32 $1.442695020e+00, v25;
	v23 =	vmul.f32 $-5.000000000e+03, v23  }
0x16c: {  	v20 =	vadd.s32 v1, v28;
	v45 =	vld [tilespmem:s22+$0x9040];
	v24 =	vpop (erf);
	v32 =	vmul.f32 $-5.000000000e+03, v32;
	v33 =	vmul.f32 $3.225806360e-02, v54  }
0x16d: {  	v57 =	vmul.f32 $1.442695020e+00, v23;
	v23 =	vadd.s32 v3, v28;
	[tilespmem:v47+s13+$0x0] =	vst.idx.add.f32.msk $0xffff, v24;
	v24 =	vmul.f32 v24, v14;
	v53 =	vpop (erf)  }
0x16e: {  	[tilespmem:v48+s13+$0x0] =	vst.idx.add.f32.msk $0xffff, v53;
	v56 =	vmul.f32 v53, v14;
	v25 =	vmul.f32 $1.442695020e+00, v32;
	v31 =	vsub.f32 v31, v33  }
0x16f: {  	[tilespmem:v50+s13+$0x0] =	vst.idx.add.f32.msk $0xffff, v24;
	v24 =	vadd.s32 v2, v28;
	v28 =	vadd.s32 v2, v12  }
0x170: {  	(erf) = vpow2.f32 v57;
	v12 =	vadd.s32 v3, v12;
	[tilespmem:v52+s13+$0x0] =	vst.idx.add.f32.msk $0xffff, v56;
	v62 =	vadd.f32 $-3.225806360e-02, v31  }
0x171: {  	v8 =	vadd.f32 v10, v8;
	v38 =	vld [tilespmem:s20+$0x20];
	v58 =	vpop (erf);
	(erf) = vpow2.f32 v25;
	v31 =	vmul.f32 v31, v31  }
0x172: {  	[tilespmem:v55+s13+$0x0] =	vst.idx.add.f32.msk $0xffff, v58;
	v32 =	vmul.f32 v58, v45;
	v25 =	vpop (erf);
	v63 =	vmul.f32 v62, v62  }
0x173: {  	v10 =	vadd.f32 v61, v30;
	[tilespmem:v41+s13+$0x0] =	vst.idx.add.f32.msk $0xffff, v25;
	v25 =	vmul.f32 v25, v45;
	v31 =	vmul.f32 $-5.000000000e+03, v31  }
0x174: {  	v60 =	vshll.u32 v40, $0x4;
	v8 =	vadd.f32 v13, v8;
	[tilespmem:v28+s13+$0x0] =	vst.idx.add.f32.msk $0xffff, v32;
	v30 =	vmul.f32 $-5.000000000e+03, v63  }
0x175: {  	v13 =	vmul.f32 v26, v26;
	v10 =	vadd.f32 v29, v10;
	[tilespmem:v12+s13+$0x0] =	vst.idx.add.f32.msk $0xffff, v25;
	v12 =	vmul.f32 $1.442695020e+00, v31  }
0x176: {  	v8 =	vadd.f32 v26, v8;
	v28 =	vmul.f32 $3.100000000e+01, v38;
	v25 =	vld [tilespmem:s22+$0x9050];
	v11 =	vmul.f32 $1.442695020e+00, v30  }
0x177: {  	v10 =	vadd.f32 v13, v10;
	(erf) = vpow2.f32 v12;
	v12 =	vmul.f32 v45, v45  }
0x178: {  	v39 =	vor.u32 v0, v60;
	v40 =	vadd.s32 v1, v60;
	v19 =	vld [tilespmem:s21+$0x9000];
	v42 =	vadd.s32 v3, v60  }
0x179: {  	v13 =	vmov v4;
	v41 =	vadd.s32 v2, v60;
	v43 =	vpop (erf);
	v28 =	vtrunc.f32 v28  }
0x17a: {  	v30 =	vadd.f32 v45, v8;
	v8 =	vmov v14;
	v44 =	vpop (erf);
	(erf) = vpow2.f32 v11  }
0x17b: {  	s23 =	simm.s32 $0xC00;
	v33 =	vld [tilespmem:s22+$0x50];
	s22 =	simm.s32 $0xE00;
	v31 =	vadd.f32 v12, v10;
	v10 =	vmovc v5;
	v32 =	vmul.f32 v25, v25;
	v12 =	vmovc v6;
	v11 =	vmov v9  }
.LBB2_2:
0x17c: {  	v29 =	vmov v9  }
0x17d: {  	v35 =	vmovc v6;
	v6 =	vmovc v14;
	v36 =	vmov v4;
	v4 =	vmov v5;
	v5 =	vmov v19  }
0x17e: {  	p0 =	sne.s32 s22, $0x11E00;
	v9 =	vmul.f32 v43, v19;
	v14 =	vcvt.f32.s32 v28;
	v26 =	vmov v19;
	[tilespmem:v39+s13+$0x0] =	vst.idx.add.f32.msk $0xffff, v43  }
0x17f: {  	v37 =	vshll.u32 v37, $0x4;
	v19 =	vadd.f32 v25, v30;
	v30 =	vadd.f32 v32, v31;
	[tilespmem:v40+s13+$0x0] =	vst.idx.add.f32.msk $0xffff, v44  }
0x180: {  	v31 =	vmul.f32 v44, v26;
	v39 =	vor.u32 v0, v37;
	v32 =	vcvt.s32.f32 v14;
	v28 =	vld [tilespmem:s19+$0x9030]  }
0x181: {  	v40 =	vmul.f32 $3.100000000e+01, v33;
	[tilespmem:v41+s13+$0x0] =	vst.idx.add.f32.msk $0xffff, v9;
	v9 =	vadd.s32 v1, v37;
	(erf) = vpow2.f32 v27  }
0x182: {  	v27 =	vmul.f32 $3.225806360e-02, v32;
	[tilespmem:v42+s13+$0x0] =	vst.idx.add.f32.msk $0xffff, v31;
	v31 =	vadd.s32 v2, v37;
	(erf) = vpow2.f32 v34  }
0x183: {  	v22 =	vmul.f32 v22, v7;
	v40 =	vtrunc.f32 v40;
	v34 =	vadd.s32 v3, v37;
	v32 =	vld [tilespmem:s21+$0x10];
	v37 =	vpop (erf)  }
0x184: {  	v7 =	vmovc v17;
	v17 =	vmov v25;
	v27 =	vsub.f32 v38, v27;
	v38 =	vcvt.f32.s32 v40  }
0x185: {  	[tilespmem:v39+s13+$0x0] =	vst.idx.add.f32.msk $0xffff, v37;
	v25 =	vmul.f32 v37, v28;
	v37 =	vpop (erf)  }
0x186: {  	v39 =	vadd.f32 $-3.225806360e-02, v27;
	[tilespmem:v9+s13+$0x0] =	vst.idx.add.f32.msk $0xffff, v37;
	v9 =	vmul.f32 v37, v28;
	v37 =	vcvt.s32.f32 v38  }
0x187: {  	v27 =	vmul.f32 v27, v27;
	[tilespmem:v31+s13+$0x0] =	vst.idx.add.f32.msk $0xffff, v25;
	v25 =	vshll.u32 v38, $0x4  }
0x188: {  	v38 =	vmul.f32 v39, v39;
	v31 =	vmul.f32 $3.100000000e+01, v32;
	[tilespmem:v34+s13+$0x0] =	vst.idx.add.f32.msk $0xffff, v9;
	v9 =	vor.u32 v0, v25  }
0x189: {  	v27 =	vmul.f32 $-5.000000000e+03, v27;
	v37 =	vmul.f32 $3.225806360e-02, v37;
	v39 =	vadd.s32 v1, v25;
	v34 =	vld [tilespmem:s19+$0x40]  }
0x18a: {  	s24 =	sshra.s32 s23, $0x2;
	s23 =	smov.u32 s22;
	v40 =	vadd.s32 v2, v25;
	v38 =	vmul.f32 $-5.000000000e+03, v38;
	v31 =	vtrunc.f32 v31;
	v41 =	vpop (erf);
	[tilespmem:v16+s13+$0x0] =	vst.idx.add.f32.msk $0xffff, v22  }
0x18b: {  	v44 =	vmul.f32 $1.442695020e+00, v27;
	v27 =	vsub.f32 v33, v37;
	v42 =	vld [tilespmem:s24+$0x0];
	v31 =	vcvt.f32.s32 v31;
	v22 =	vpop (erf)  }
0x18c: {  	v25 =	vadd.s32 v3, v25;
	v33 =	vmul.f32 $1.442695020e+00, v38;
	v37 =	vmul.f32 v41, v7;
	[tilespmem:v21+s13+$0x0] =	vst.idx.add.f32.msk $0xffff, v22  }
0x18d: {  	v43 =	vadd.f32 $-3.225806360e-02, v27;
	v21 =	vmovc v9;
	v38 =	vcvt.s32.f32 v31;
	(erf) = vpow2.f32 v44;
	[tilespmem:v20+s13+$0x0] =	vst.idx.add.f32.msk $0xffff, v41;
	v20 =	vmovc v39  }
0x18e: {  	v16 =	vmovc v24;
	v24 =	vmovc v40;
	(erf) = vpow2.f32 v33;
	v9 =	vmul.f32 $3.100000000e+01, v34;
	[tilespmem:v15+s13+$0x0] =	vst.idx.add.f32.msk $0xffff, v18;
	v15 =	vmov v23  }
0x18f: {  	v23 =	vmovc v25;
	v18 =	vmov v37;
	v33 =	vmul.f32 $3.225806360e-02, v38;
	v38 =	vmul.f32 v43, v43  }
0x190: {  	v25 =	vmul.f32 $3.100000000e+01, v42;
	v9 =	vtrunc.f32 v9  }
0x191: {  	v14 =	vshll.u32 v14, $0x4;
	v32 =	vsub.f32 v32, v33;
	v33 =	vcvt.f32.s32 v9  }
0x192: {  	v27 =	vmul.f32 v27, v27;
	v37 =	vor.u32 v0, v14;
	v25 =	vtrunc.f32 v25;
	v9 =	vld [tilespmem:s20+$0x9020]  }
0x193: {  	v40 =	vadd.s32 v1, v14;
	v39 =	vadd.f32 $-3.225806360e-02, v32;
	v41 =	vcvt.s32.f32 v33  }
0x194: {  	v43 =	vadd.s32 v2, v14;
	v25 =	vcvt.f32.s32 v25;
	v32 =	vmul.f32 v32, v32  }
0x195: {  	v14 =	vadd.s32 v3, v14;
	v39 =	vmul.f32 v39, v39;
	v41 =	vmul.f32 $3.225806360e-02, v41  }
0x196: {  	v44 =	vcvt.s32.f32 v25;
	v32 =	vmul.f32 $-5.000000000e+03, v32;
	v45 =	vpop (erf)  }
0x197: {  	v39 =	vmul.f32 $-5.000000000e+03, v39;
	[tilespmem:v37+s13+$0x0] =	vst.idx.add.f32.msk $0xffff, v45;
	v37 =	vmul.f32 v45, v9;
	v45 =	vpop (erf);
	v34 =	vsub.f32 v34, v41  }
0x198: {  	v32 =	vmul.f32 $1.442695020e+00, v32;
	[tilespmem:v40+s13+$0x0] =	vst.idx.add.f32.msk $0xffff, v45;
	v40 =	vmul.f32 v45, v9  }
0x199: {  	v41 =	vmul.f32 $3.225806360e-02, v44;
	v39 =	vmul.f32 $1.442695020e+00, v39;
	[tilespmem:v43+s13+$0x0] =	vst.idx.add.f32.msk $0xffff, v37;
	v37 =	vadd.f32 $-3.225806360e-02, v34  }
0x19a: {  	(erf) = vpow2.f32 v32;
	[tilespmem:v14+s13+$0x0] =	vst.idx.add.f32.msk $0xffff, v40;
	v14 =	vmul.f32 v34, v34  }
0x19b: {  	(erf) = vpow2.f32 v39;
	v32 =	vld [tilespmem:s20+$0x30];
	v34 =	vmul.f32 v37, v37  }
0x19c: {  	v37 =	vmul.f32 $-5.000000000e+03, v38;
	v14 =	vmul.f32 $-5.000000000e+03, v14  }
0x19d: {  	v38 =	vsub.f32 v42, v41;
	v39 =	vmul.f32 $-5.000000000e+03, v27;
	v34 =	vmul.f32 $-5.000000000e+03, v34  }
0x19e: {  	v31 =	vshll.u32 v31, $0x4;
	v27 =	vmul.f32 $1.442695020e+00, v37;
	v40 =	vmul.f32 $1.442695020e+00, v14  }
0x19f: {  	v41 =	vor.u32 v0, v31;
	v37 =	vadd.f32 $-3.225806360e-02, v38;
	v34 =	vmul.f32 $1.442695020e+00, v34  }
0x1a0: {  	v42 =	vadd.s32 v1, v31;
	v14 =	vld [tilespmem:s21+$0x9010];
	v45 =	vmul.f32 $3.100000000e+01, v32;
	(erf) = vpow2.f32 v40  }
0x1a1: {  	v38 =	vmul.f32 v38, v38;
	(erf) = vpow2.f32 v34  }
0x1a2: {  	v44 =	vadd.s32 v2, v31;
	v46 =	vmul.f32 v37, v37;
	v34 =	vtrunc.f32 v45  }
0x1a3: {  	v31 =	vadd.s32 v3, v31;
	v43 =	vpop (erf);
	v37 =	vcvt.f32.s32 v34;
	v34 =	vmul.f32 $1.442695020e+00, v39  }
0x1a4: {  	v33 =	vshll.u32 v33, $0x4;
	v38 =	vmul.f32 $-5.000000000e+03, v38;
	v39 =	vmul.f32 $-5.000000000e+03, v46;
	[tilespmem:v41+s13+$0x0] =	vst.idx.add.f32.msk $0xffff, v43;
	v40 =	vpop (erf)  }
0x1a5: {  	[tilespmem:v42+s13+$0x0] =	vst.idx.add.f32.msk $0xffff, v40;
	v41 =	vmul.f32 v43, v14;
	v42 =	vcvt.s32.f32 v37;
	v43 =	vor.u32 v0, v33  }
0x1a6: {  	v38 =	vmul.f32 $1.442695020e+00, v38;
	v46 =	vadd.s32 v1, v33;
	v40 =	vmul.f32 v40, v14;
	v45 =	vld [tilespmem:s19+$0x9040]  }
0x1a7: {  	v47 =	vmul.f32 $1.442695020e+00, v39;
	[tilespmem:v44+s13+$0x0] =	vst.idx.add.f32.msk $0xffff, v41;
	v41 =	vmul.f32 $3.225806360e-02, v42  }
0x1a8: {  	(erf) = vpow2.f32 v38;
	[tilespmem:v31+s13+$0x0] =	vst.idx.add.f32.msk $0xffff, v40;
	v31 =	vmul.f32 v36, v13;
	v36 =	vadd.s32 v2, v33  }
0x1a9: {  	v33 =	vadd.s32 v3, v33;
	(erf) = vpow2.f32 v47;
	v38 =	vld [tilespmem:s21+$0x20];
	v32 =	vsub.f32 v32, v41;
	v39 =	vpop (erf)  }
0x1aa: {  	v29 =	vmul.f32 v29, v11;
	v42 =	vshll.u32 v25, $0x4;
	v25 =	vmul.f32 v35, v12;
	[tilespmem:v43+s13+$0x0] =	vst.idx.add.f32.msk $0xffff, v39;
	v35 =	vpop (erf)  }
0x1ab: {  	v40 =	vadd.f32 $-3.225806360e-02, v32;
	v32 =	vmul.f32 v32, v32;
	[tilespmem:v46+s13+$0x0] =	vst.idx.add.f32.msk $0xffff, v35;
	v41 =	vmul.f32 v39, v45  }
0x1ac: {  	v19 =	vadd.f32 v13, v19;
	v13 =	vmovc v10;
	v30 =	vadd.f32 v31, v30;
	v31 =	vmul.f32 v35, v45  }
0x1ad: {  	v39 =	vor.u32 v0, v42;
	v10 =	vmul.f32 $-5.000000000e+03, v32;
	v32 =	vmul.f32 v40, v40;
	[tilespmem:v36+s13+$0x0] =	vst.idx.add.f32.msk $0xffff, v41  }
0x1ae: {  	v30 =	vadd.f32 v25, v30;
	v36 =	vadd.f32 v12, v19;
	v35 =	vmul.f32 $3.100000000e+01, v38;
	[tilespmem:v33+s13+$0x0] =	vst.idx.add.f32.msk $0xffff, v31  }
0x1af: {  	v40 =	vadd.s32 v1, v42;
	v12 =	vmovc v8;
	v8 =	vmovc v14;
	v10 =	vmul.f32 $1.442695020e+00, v10;
	v31 =	vmul.f32 $-5.000000000e+03, v32;
	v25 =	vld [tilespmem:s19+$0x9050]  }
.Ltmp0:
0x1b0: {  	v29 =	vadd.f32 v29, v30;
	v30 =	vmul.f32 v28, v28;
	v32 =	vadd.f32 v11, v36;
	v11 =	vmovc v9;
	v19 =	vld [tilespmem:s24+$0x9000];
	(pc) =	sbr.rel @p0 .LBB2_2-.Ltmp0, $4  }
0x1b1: {  	v41 =	vadd.s32 v2, v42;
	v43 =	vpop (erf);
	v31 =	vmul.f32 $1.442695020e+00, v31;
	(erf) = vpow2.f32 v10;
	v33 =	vld [tilespmem:s19+$0x50];
	s19 =	smov.u32 s20;
	s20 =	smov.u32 s21;
	s21 =	smov.u32 s24  }
0x1b2: {  	v36 =	vmul.f32 v45, v45;
	v29 =	vadd.f32 v30, v29;
	v32 =	vadd.f32 v28, v32;
	v44 =	vpop (erf)  }
0x1b3: {  	v42 =	vadd.s32 v3, v42;
	v28 =	vtrunc.f32 v35;
	(erf) = vpow2.f32 v31;
	v10 =	vmovc v26  }
0x1b4: {  	s22 =	sadd.s32 $0x200, s22;
	v30 =	vadd.f32 v45, v32;
	v31 =	vadd.f32 v36, v29;
	v32 =	vmul.f32 v25, v25  }
0x1b5: {  	_ =	sdelay $0x3  }
0x1b6: {  	[tilespmem:v39+s13+$0x0] =	vst.idx.add.f32.msk $0xffff, v43;
	v26 =	vcvt.f32.s32 v28  }
0x1b7: {  	v28 =	vmul.f32 v43, v19;
	v29 =	vld [tilespmem:s19+$0x9030]  }
0x1b8: {  	v35 =	vshll.u32 v37, $0x4;
	v36 =	vmul.f32 v44, v19;
	[tilespmem:v40+s13+$0x0] =	vst.idx.add.f32.msk $0xffff, v44;
	v43 =	vcvt.s32.f32 v26  }
0x1b9: {  	v44 =	vor.u32 v0, v35;
	[tilespmem:v41+s13+$0x0] =	vst.idx.add.f32.msk $0xffff, v28  }
0x1ba: {  	v28 =	vadd.s32 v1, v35;
	[tilespmem:v42+s13+$0x0] =	vst.idx.add.f32.msk $0xffff, v36;
	v45 =	vmul.f32 $3.225806360e-02, v43  }
0x1bb: {  	v46 =	vadd.s32 v2, v35;
	v40 =	vld [tilespmem:s21+$0x10]  }
0x1bc: {  	v35 =	vadd.s32 v3, v35;
	v36 =	vsub.f32 v38, v45  }
0x1bd: {  	v47 =	vpop (erf)  }
0x1be: {  	[tilespmem:v44+s13+$0x0] =	vst.idx.add.f32.msk $0xffff, v47;
	v38 =	vmul.f32 v47, v29;
	v48 =	vpop (erf);
	v49 =	vadd.f32 $-3.225806360e-02, v36  }
0x1bf: {  	[tilespmem:v28+s13+$0x0] =	vst.idx.add.f32.msk $0xffff, v48;
	v28 =	vmul.f32 v48, v29;
	v36 =	vmul.f32 v36, v36  }
0x1c0: {  	[tilespmem:v46+s13+$0x0] =	vst.idx.add.f32.msk $0xffff, v38;
	v50 =	vmul.f32 $3.100000000e+01, v40;
	v51 =	vmul.f32 v49, v49  }
0x1c1: {  	(erf) = vpow2.f32 v27;
	[tilespmem:v35+s13+$0x0] =	vst.idx.add.f32.msk $0xffff, v28;
	v27 =	vmul.f32 $-5.000000000e+03, v36  }
0x1c2: {  	v35 =	vld [tilespmem:s19+$0x40];
	v28 =	vtrunc.f32 v50;
	v52 =	vmul.f32 $-5.000000000e+03, v51  }
0x1c3: {  	s22 =	sshra.s32 s23, $0x2;
	v37 =	vcvt.f32.s32 v28;
	v27 =	vmul.f32 $1.442695020e+00, v27  }
0x1c4: {  	(erf) = vpow2.f32 v34;
	v53 =	vld [tilespmem:s22+$0x0];
	v28 =	vmul.f32 $1.442695020e+00, v52  }
0x1c5: {  	v54 =	vcvt.s32.f32 v37;
	(erf) = vpow2.f32 v27  }
0x1c6: {  	(erf) = vpow2.f32 v28  }
0x1c7: {  	v27 =	vmul.f32 $3.100000000e+01, v35;
	v28 =	vmul.f32 $3.225806360e-02, v54;
	_ =	sdelay $0x1  }
0x1c8: {  	v55 =	vmul.f32 $3.100000000e+01, v53;
	v27 =	vtrunc.f32 v27;
	v56 =	vsub.f32 v40, v28  }
0x1c9: {  	v39 =	vcvt.f32.s32 v27  }
0x1ca: {  	v28 =	vld [tilespmem:s20+$0x9020];
	v27 =	vtrunc.f32 v55;
	v57 =	vadd.f32 $-3.225806360e-02, v56  }
0x1cb: {  	v41 =	vcvt.f32.s32 v27;
	v58 =	vcvt.s32.f32 v39  }
0x1cc: {  	v43 =	vpop (erf);
	v27 =	vmul.f32 v56, v56;
	v36 =	vmul.f32 v57, v57  }
0x1cd: {  	v26 =	vshll.u32 v26, $0x4;
	v44 =	vpop (erf);
	v60 =	vcvt.s32.f32 v41;
	v59 =	vmul.f32 $3.225806360e-02, v58  }
0x1ce: {  	v61 =	vor.u32 v0, v26;
	v27 =	vmul.f32 $-5.000000000e+03, v27;
	v45 =	vpop (erf);
	v36 =	vmul.f32 $-5.000000000e+03, v36  }
0x1cf: {  	v46 =	vmul.f32 v45, v28;
	v62 =	vmul.f32 $3.225806360e-02, v60;
	v47 =	vpop (erf);
	v35 =	vsub.f32 v35, v59  }
0x1d0: {  	v63 =	vadd.s32 v1, v26;
	v27 =	vmul.f32 $1.442695020e+00, v27;
	v48 =	vmul.f32 v47, v28  }
0x1d1: {  	v36 =	vmul.f32 $1.442695020e+00, v36;
	v34 =	vsub.f32 v53, v62;
	v49 =	vadd.f32 $-3.225806360e-02, v35  }
0x1d2: {  	v50 =	vadd.s32 v2, v26;
	(erf) = vpow2.f32 v27;
	v27 =	vmul.f32 v35, v35  }
0x1d3: {  	(erf) = vpow2.f32 v36;
	v52 =	vadd.f32 $-3.225806360e-02, v34;
	v51 =	vmul.f32 v49, v49  }
0x1d4: {  	v26 =	vadd.s32 v3, v26;
	v34 =	vmul.f32 v34, v34;
	v27 =	vmul.f32 $-5.000000000e+03, v27  }
0x1d5: {  	[tilespmem:v61+s13+$0x0] =	vst.idx.add.f32.msk $0xffff, v45;
	v36 =	vmul.f32 v52, v52;
	v35 =	vmul.f32 $-5.000000000e+03, v51  }
0x1d6: {  	v37 =	vshll.u32 v37, $0x4;
	[tilespmem:v63+s13+$0x0] =	vst.idx.add.f32.msk $0xffff, v47;
	v34 =	vmul.f32 $-5.000000000e+03, v34;
	v53 =	vmul.f32 $1.442695020e+00, v27  }
0x1d7: {  	v54 =	vor.u32 v0, v37;
	v27 =	vld [tilespmem:s21+$0x9010];
	v36 =	vmul.f32 $-5.000000000e+03, v36;
	v35 =	vmul.f32 $1.442695020e+00, v35  }
0x1d8: {  	v55 =	vadd.s32 v1, v37;
	[tilespmem:v50+s13+$0x0] =	vst.idx.add.f32.msk $0xffff, v46;
	v34 =	vmul.f32 $1.442695020e+00, v34;
	(erf) = vpow2.f32 v53  }
0x1d9: {  	[tilespmem:v26+s13+$0x0] =	vst.idx.add.f32.msk $0xffff, v48;
	v26 =	vadd.s32 v2, v37;
	v56 =	vmul.f32 $1.442695020e+00, v36;
	(erf) = vpow2.f32 v35  }
0x1da: {  	v40 =	vld [tilespmem:s20+$0x30];
	(erf) = vpow2.f32 v34  }
0x1db: {  	v58 =	vadd.s32 v3, v37;
	v59 =	vpop (erf);
	(erf) = vpow2.f32 v56  }
0x1dc: {  	v57 =	vmul.f32 $3.100000000e+01, v33;
	[tilespmem:v54+s13+$0x0] =	vst.idx.add.f32.msk $0xffff, v59;
	v37 =	vmul.f32 v59, v27;
	v61 =	vpop (erf)  }
0x1dd: {  	[tilespmem:v55+s13+$0x0] =	vst.idx.add.f32.msk $0xffff, v61  }
0x1de: {  	v60 =	vtrunc.f32 v57;
	v63 =	vshll.u32 v41, $0x4;
	v62 =	vmul.f32 v61, v27;
	[tilespmem:v26+s13+$0x0] =	vst.idx.add.f32.msk $0xffff, v37  }
0x1df: {  	v45 =	vcvt.f32.s32 v60;
	v41 =	vor.u32 v0, v63;
	v53 =	vmul.f32 $3.100000000e+01, v40;
	v26 =	vld [tilespmem:s22+$0x9000]  }
0x1e0: {  	v54 =	vadd.s32 v1, v63;
	[tilespmem:v58+s13+$0x0] =	vst.idx.add.f32.msk $0xffff, v62  }
0x1e1: {  	v57 =	vadd.s32 v2, v63;
	v52 =	vcvt.s32.f32 v45;
	v56 =	vtrunc.f32 v53;
	v38 =	vld [tilespmem:s21+$0x20];
	v42 =	vpop (erf)  }
0x1e2: {  	v36 =	vadd.s32 v3, v63;
	v47 =	vcvt.f32.s32 v56;
	v48 =	vpop (erf)  }
0x1e3: {  	v55 =	vmul.f32 $3.225806360e-02, v52;
	v59 =	vpop (erf)  }
0x1e4: {  	v37 =	vcvt.s32.f32 v47;
	v60 =	vpop (erf);
	[tilespmem:v41+s13+$0x0] =	vst.idx.add.f32.msk $0xffff, v59;
	v35 =	vmul.f32 v59, v26  }
0x1e5: {  	v58 =	vsub.f32 v33, v55;
	[tilespmem:v54+s13+$0x0] =	vst.idx.add.f32.msk $0xffff, v60;
	v62 =	vmul.f32 v60, v26  }
0x1e6: {  	v37 =	vmul.f32 $3.225806360e-02, v37;
	v63 =	vmul.f32 $3.100000000e+01, v38;
	[tilespmem:v57+s13+$0x0] =	vst.idx.add.f32.msk $0xffff, v35  }
0x1e7: {  	v33 =	vmul.f32 v58, v58;
	[tilespmem:v36+s13+$0x0] =	vst.idx.add.f32.msk $0xffff, v62  }
0x1e8: {  	v61 =	vadd.f32 $-3.225806360e-02, v58;
	v52 =	vsub.f32 v40, v37;
	v53 =	vtrunc.f32 v63;
	v40 =	vld [tilespmem:s22+$0x10]  }
0x1e9: {  	v33 =	vmul.f32 $-5.000000000e+03, v33;
	v41 =	vcvt.f32.s32 v53  }
0x1ea: {  	v51 =	vmul.f32 v61, v61;
	v34 =	vmul.f32 v52, v52;
	v54 =	vadd.f32 $-3.225806360e-02, v52  }
0x1eb: {  	v33 =	vmul.f32 $1.442695020e+00, v33;
	v55 =	vcvt.s32.f32 v41  }
0x1ec: {  	v34 =	vmul.f32 $-5.000000000e+03, v34;
	v36 =	vmul.f32 v54, v54  }
0x1ed: {  	v46 =	vmul.f32 $3.225806360e-02, v55;
	v56 =	vmul.f32 $3.100000000e+01, v40  }
0x1ee: {  	v39 =	vshll.u32 v39, $0x4;
	v35 =	vmul.f32 $-5.000000000e+03, v51;
	v34 =	vmul.f32 $1.442695020e+00, v34  }
0x1ef: {  	v36 =	vmul.f32 $-5.000000000e+03, v36;
	v38 =	vsub.f32 v38, v46;
	v57 =	vtrunc.f32 v56  }
0x1f0: {  	v58 =	vor.u32 v0, v39;
	v37 =	vld [tilespmem:s19+$0x9040];
	v35 =	vmul.f32 $1.442695020e+00, v35;
	v51 =	vcvt.f32.s32 v57  }
0x1f1: {  	(erf) = vpow2.f32 v34;
	v36 =	vmul.f32 $1.442695020e+00, v36;
	v59 =	vadd.f32 $-3.225806360e-02, v38  }
0x1f2: {  	v47 =	vshll.u32 v47, $0x4;
	v38 =	vmul.f32 v38, v38;
	v52 =	vcvt.s32.f32 v51  }
0x1f3: {  	v60 =	vadd.s32 v1, v39;
	(erf) = vpow2.f32 v36;
	v34 =	vmul.f32 v59, v59  }
0x1f4: {  	v53 =	vadd.s32 v2, v39;
	v61 =	vmul.f32 $-5.000000000e+03, v38;
	v62 =	vmul.f32 $3.225806360e-02, v52  }
0x1f5: {  	v50 =	vmul.f32 v42, v37;
	v39 =	vadd.s32 v3, v39;
	(erf) = vpow2.f32 v35  }
0x1f6: {  	[tilespmem:v58+s13+$0x0] =	vst.idx.add.f32.msk $0xffff, v42;
	v34 =	vmul.f32 $-5.000000000e+03, v34;
	v54 =	vmul.f32 $1.442695020e+00, v61;
	v38 =	vsub.f32 v40, v62  }
0x1f7: {  	v63 =	vmul.f32 v48, v37;
	v55 =	vor.u32 v0, v47;
	v36 =	vld [tilespmem:s20+$0x9030];
	(erf) = vpow2.f32 v33  }
0x1f8: {  	[tilespmem:v60+s13+$0x0] =	vst.idx.add.f32.msk $0xffff, v48;
	v56 =	vmul.f32 $1.442695020e+00, v34;
	(erf) = vpow2.f32 v54;
	v58 =	vadd.f32 $-3.225806360e-02, v38  }
0x1f9: {  	[tilespmem:v53+s13+$0x0] =	vst.idx.add.f32.msk $0xffff, v50;
	v57 =	vadd.s32 v1, v47;
	v59 =	vmul.f32 v38, v38  }
0x1fa: {  	v60 =	vadd.s32 v2, v47;
	[tilespmem:v39+s13+$0x0] =	vst.idx.add.f32.msk $0xffff, v63;
	(erf) = vpow2.f32 v56;
	v35 =	vmul.f32 v58, v58  }
0x1fb: {  	v39 =	vld [tilespmem:s19+$0x50];
	v61 =	vadd.s32 v3, v47;
	v62 =	vpop (erf);
	v33 =	vmul.f32 $-5.000000000e+03, v59  }
0x1fc: {  	v41 =	vshll.u32 v41, $0x4;
	v34 =	vld [tilespmem:s21+$0x9020];
	v46 =	vmul.f32 v62, v36;
	v35 =	vmul.f32 $-5.000000000e+03, v35  }
0x1fd: {  	v52 =	vor.u32 v0, v41;
	[tilespmem:v55+s13+$0x0] =	vst.idx.add.f32.msk $0xffff, v62;
	v63 =	vpop (erf);
	v33 =	vmul.f32 $1.442695020e+00, v33  }
0x1fe: {  	[tilespmem:v57+s13+$0x0] =	vst.idx.add.f32.msk $0xffff, v63;
	v40 =	vmul.f32 v63, v36;
	v35 =	vmul.f32 $1.442695020e+00, v35  }
0x1ff: {  	v53 =	vadd.s32 v1, v41;
	v47 =	vpop (erf);
	[tilespmem:v60+s13+$0x0] =	vst.idx.add.f32.msk $0xffff, v46;
	(erf) = vpow2.f32 v33  }
0x200: {  	v54 =	vadd.s32 v2, v41;
	[tilespmem:v61+s13+$0x0] =	vst.idx.add.f32.msk $0xffff, v40;
	v46 =	vpop (erf);
	(erf) = vpow2.f32 v35  }
0x201: {  	v55 =	vadd.s32 v3, v41;
	v57 =	vpop (erf);
	v33 =	vld [tilespmem:s22+$0x9010]  }
0x202: {  	[tilespmem:v52+s13+$0x0] =	vst.idx.add.f32.msk $0xffff, v57  }
0x203: {  	v60 =	vshll.u32 v51, $0x4;
	v59 =	vmul.f32 v57, v34;
	v35 =	vld [tilespmem:s20+$0x40];
	v58 =	vpop (erf)  }
0x204: {  	v62 =	vor.u32 v0, v60;
	[tilespmem:v53+s13+$0x0] =	vst.idx.add.f32.msk $0xffff, v58;
	v41 =	vmul.f32 v58, v34  }
0x205: {  	v61 =	vmul.f32 $3.100000000e+01, v39;
	v63 =	vadd.s32 v1, v60;
	[tilespmem:v54+s13+$0x0] =	vst.idx.add.f32.msk $0xffff, v59  }
0x206: {  	v57 =	vadd.s32 v2, v60;
	[tilespmem:v55+s13+$0x0] =	vst.idx.add.f32.msk $0xffff, v41  }
0x207: {  	v56 =	vtrunc.f32 v61;
	v58 =	vadd.s32 v3, v60;
	v41 =	vld [tilespmem:s21+$0x30]  }
0x208: {  	v48 =	vcvt.f32.s32 v56;
	v60 =	vpop (erf)  }
0x209: {  	v59 =	vmul.f32 $3.100000000e+01, v35;
	[tilespmem:v62+s13+$0x0] =	vst.idx.add.f32.msk $0xffff, v60;
	v51 =	vmul.f32 v60, v33;
	v62 =	vpop (erf)  }
0x20a: {  	[tilespmem:v63+s13+$0x0] =	vst.idx.add.f32.msk $0xffff, v62;
	v63 =	vmul.f32 v62, v33  }
0x20b: {  	v61 =	vcvt.s32.f32 v48;
	v49 =	vtrunc.f32 v59;
	[tilespmem:v57+s13+$0x0] =	vst.idx.add.f32.msk $0xffff, v51  }
0x20c: {  	v53 =	vcvt.f32.s32 v49;
	v54 =	vmul.f32 $3.100000000e+01, v41;
	[tilespmem:v58+s13+$0x0] =	vst.idx.add.f32.msk $0xffff, v63  }
0x20d: {  	v52 =	vmul.f32 $3.225806360e-02, v61;
	v42 =	vld [tilespmem:s22+$0x20]  }
0x20e: {  	v55 =	vcvt.s32.f32 v53;
	v56 =	vtrunc.f32 v54  }
0x20f: {  	v39 =	vsub.f32 v39, v52;
	v40 =	vcvt.f32.s32 v56  }
0x210: {  	v38 =	vmul.f32 $3.225806360e-02, v55  }
0x211: {  	v57 =	vadd.f32 $-3.225806360e-02, v39;
	v58 =	vcvt.s32.f32 v40  }
0x212: {  	v39 =	vmul.f32 v39, v39;
	v35 =	vsub.f32 v35, v38;
	v59 =	vmul.f32 $3.100000000e+01, v42  }
0x213: {  	v49 =	vmul.f32 v57, v57;
	v38 =	vmul.f32 $3.225806360e-02, v58  }
0x214: {  	v39 =	vmul.f32 $-5.000000000e+03, v39;
	v60 =	vadd.f32 $-3.225806360e-02, v35;
	v50 =	vtrunc.f32 v59  }
0x215: {  	v49 =	vmul.f32 $-5.000000000e+03, v49;
	v38 =	vsub.f32 v41, v38;
	v41 =	vcvt.f32.s32 v50  }
0x216: {  	v35 =	vmul.f32 v35, v35;
	v51 =	vmul.f32 v60, v60  }
0x217: {  	v57 =	vmul.f32 $1.442695020e+00, v49;
	v63 =	vcvt.s32.f32 v41  }
0x218: {  	v35 =	vmul.f32 $-5.000000000e+03, v35;
	v61 =	vmul.f32 $-5.000000000e+03, v51;
	v62 =	vadd.f32 $-3.225806360e-02, v38  }
0x219: {  	v38 =	vmul.f32 v38, v38;
	v52 =	vmul.f32 $3.225806360e-02, v63  }
0x21a: {  	v35 =	vmul.f32 $1.442695020e+00, v35;
	v51 =	vmul.f32 v62, v62  }
0x21b: {  	v38 =	vmul.f32 $-5.000000000e+03, v38;
	v50 =	vmul.f32 $1.442695020e+00, v61;
	v42 =	vsub.f32 v42, v52  }
0x21c: {  	(erf) = vpow2.f32 v35;
	v51 =	vmul.f32 $-5.000000000e+03, v51  }
0x21d: {  	(erf) = vpow2.f32 v50;
	v52 =	vmul.f32 $1.442695020e+00, v38;
	v55 =	vadd.f32 $-3.225806360e-02, v42  }
0x21e: {  	v54 =	vmul.f32 $1.442695020e+00, v51;
	v56 =	vmul.f32 v42, v42  }
0x21f: {  	(erf) = vpow2.f32 v52;
	v58 =	vmul.f32 v55, v55  }
0x220: {  	(erf) = vpow2.f32 v54;
	v35 =	vmul.f32 $-5.000000000e+03, v56  }
0x221: {  	v59 =	vmul.f32 $1.442695020e+00, v39;
	v60 =	vmul.f32 $-5.000000000e+03, v58  }
0x222: {  	(erf) = vpow2.f32 v57;
	v35 =	vmul.f32 $1.442695020e+00, v35  }
0x223: {  	v40 =	vshll.u32 v40, $0x4;
	(erf) = vpow2.f32 v59;
	v62 =	vmul.f32 $1.442695020e+00, v60  }
0x224: {  	v39 =	vld [tilespmem:s21+$0x9030];
	v61 =	vor.u32 v0, v40;
	(erf) = vpow2.f32 v35  }
0x225: {  	v63 =	vadd.s32 v1, v40;
	v51 =	vpop (erf);
	(erf) = vpow2.f32 v62  }
0x226: {  	v57 =	vadd.s32 v2, v40  }
0x227: {  	v40 =	vadd.s32 v3, v40;
	v52 =	vpop (erf)  }
0x228: {  	v41 =	vshll.u32 v41, $0x4;
	v35 =	vld [tilespmem:s22+$0x9020];
	v58 =	vpop (erf)  }
0x229: {  	v54 =	vor.u32 v0, v41;
	[tilespmem:v61+s13+$0x0] =	vst.idx.add.f32.msk $0xffff, v58;
	v59 =	vpop (erf);
	v60 =	vmul.f32 v58, v39  }
0x22a: {  	v55 =	vadd.s32 v1, v41;
	[tilespmem:v63+s13+$0x0] =	vst.idx.add.f32.msk $0xffff, v59;
	v42 =	vmul.f32 v59, v39  }
0x22b: {  	v61 =	vadd.s32 v2, v41;
	v49 =	vpop (erf);
	[tilespmem:v57+s13+$0x0] =	vst.idx.add.f32.msk $0xffff, v60  }
0x22c: {  	v62 =	vadd.s32 v3, v41;
	v50 =	vpop (erf);
	[tilespmem:v40+s13+$0x0] =	vst.idx.add.f32.msk $0xffff, v42  }
0x22d: {  	v63 =	vld [tilespmem:s21+$0x40];
	v56 =	vpop (erf)  }
0x22e: {  	[tilespmem:v54+s13+$0x0] =	vst.idx.add.f32.msk $0xffff, v56;
	v42 =	vmul.f32 v56, v35;
	v57 =	vpop (erf)  }
0x22f: {  	[tilespmem:v55+s13+$0x0] =	vst.idx.add.f32.msk $0xffff, v57;
	v54 =	vmul.f32 v57, v35  }
0x230: {  	[tilespmem:v61+s13+$0x0] =	vst.idx.add.f32.msk $0xffff, v42  }
0x231: {  	[tilespmem:v62+s13+$0x0] =	vst.idx.add.f32.msk $0xffff, v54  }
0x232: {  	v38 =	vld [tilespmem:s22+$0x30];
	_ =	sdelay $0x1  }
0x233: {  	v58 =	vmul.f32 $3.100000000e+01, v63;
	_ =	sdelay $0x1  }
0x234: {  	v40 =	vtrunc.f32 v58  }
0x235: {  	v40 =	vcvt.f32.s32 v40;
	v59 =	vmul.f32 $3.100000000e+01, v38;
	_ =	sdelay $0x1  }
0x236: {  	v60 =	vcvt.s32.f32 v40;
	v42 =	vtrunc.f32 v59  }
0x237: {  	v55 =	vcvt.f32.s32 v42  }
0x238: {  	v61 =	vmul.f32 $3.225806360e-02, v60  }
0x239: {  	v62 =	vcvt.s32.f32 v55  }
0x23a: {  	v41 =	vsub.f32 v63, v61  }
0x23b: {  	v63 =	vmul.f32 $3.225806360e-02, v62  }
0x23c: {  	v57 =	vadd.f32 $-3.225806360e-02, v41  }
0x23d: {  	v41 =	vmul.f32 v41, v41;
	v38 =	vsub.f32 v38, v63  }
0x23e: {  	v58 =	vmul.f32 v57, v57  }
0x23f: {  	v41 =	vmul.f32 $-5.000000000e+03, v41;
	v59 =	vadd.f32 $-3.225806360e-02, v38  }
0x240: {  	v42 =	vmul.f32 $-5.000000000e+03, v58;
	v38 =	vmul.f32 v38, v38  }
0x241: {  	v41 =	vmul.f32 $1.442695020e+00, v41;
	v54 =	vmul.f32 v59, v59  }
0x242: {  	v42 =	vmul.f32 $1.442695020e+00, v42;
	v38 =	vmul.f32 $-5.000000000e+03, v38  }
0x243: {  	v53 =	vshll.u32 v53, $0x4;
	(erf) = vpow2.f32 v41;
	v54 =	vmul.f32 $-5.000000000e+03, v54  }
0x244: {  	v60 =	vor.u32 v0, v53;
	(erf) = vpow2.f32 v42;
	v42 =	vld [tilespmem:s20+$0x9040];
	v38 =	vmul.f32 $1.442695020e+00, v38  }
0x245: {  	v56 =	vadd.s32 v1, v53;
	v54 =	vmul.f32 $1.442695020e+00, v54  }
0x246: {  	(erf) = vpow2.f32 v38  }
0x247: {  	(erf) = vpow2.f32 v54  }
0x248: {  	v61 =	vadd.s32 v2, v53  }
0x249: {  	v53 =	vadd.s32 v3, v53;
	[tilespmem:v60+s13+$0x0] =	vst.idx.add.f32.msk $0xffff, v51;
	v51 =	vmul.f32 v51, v42  }
0x24a: {  	v62 =	vshll.u32 v55, $0x4;
	[tilespmem:v56+s13+$0x0] =	vst.idx.add.f32.msk $0xffff, v52;
	v52 =	vmul.f32 v52, v42  }
0x24b: {  	v55 =	vor.u32 v0, v62;
	v38 =	vld [tilespmem:s22+$0x9030]  }
0x24c: {  	v63 =	vadd.s32 v1, v62  }
0x24d: {  	v60 =	vadd.s32 v2, v62;
	[tilespmem:v61+s13+$0x0] =	vst.idx.add.f32.msk $0xffff, v51;
	v51 =	vpop (erf)  }
0x24e: {  	v41 =	vadd.s32 v3, v62;
	[tilespmem:v53+s13+$0x0] =	vst.idx.add.f32.msk $0xffff, v52;
	v52 =	vpop (erf)  }
0x24f: {  	v53 =	vld [tilespmem:s20+$0x50];
	v57 =	vpop (erf)  }
0x250: {  	[tilespmem:v55+s13+$0x0] =	vst.idx.add.f32.msk $0xffff, v57;
	v61 =	vmul.f32 v57, v38;
	v62 =	vpop (erf)  }
0x251: {  	[tilespmem:v63+s13+$0x0] =	vst.idx.add.f32.msk $0xffff, v62;
	v63 =	vmul.f32 v62, v38  }
0x252: {  	[tilespmem:v60+s13+$0x0] =	vst.idx.add.f32.msk $0xffff, v61  }
0x253: {  	[tilespmem:v41+s13+$0x0] =	vst.idx.add.f32.msk $0xffff, v63  }
0x254: {  	v59 =	vmul.f32 $3.100000000e+01, v53;
	v41 =	vld [tilespmem:s22+$0x40];
	_ =	sdelay $0x1  }
0x255: {  	v54 =	vtrunc.f32 v59  }
0x256: {  	v54 =	vcvt.f32.s32 v54;
	_ =	sdelay $0x1  }
0x257: {  	v61 =	vcvt.s32.f32 v54;
	v60 =	vmul.f32 $3.100000000e+01, v41;
	_ =	sdelay $0x1  }
0x258: {  	v56 =	vmul.f32 $3.225806360e-02, v61;
	v55 =	vtrunc.f32 v60  }
0x259: {  	v55 =	vcvt.f32.s32 v55  }
0x25a: {  	v53 =	vsub.f32 v53, v56  }
0x25b: {  	v62 =	vcvt.s32.f32 v55  }
0x25c: {  	v60 =	vadd.f32 $-3.225806360e-02, v53  }
0x25d: {  	v63 =	vmul.f32 $3.225806360e-02, v62  }
0x25e: {  	v61 =	vmul.f32 v60, v60  }
0x25f: {  	v41 =	vsub.f32 v41, v63  }
0x260: {  	v53 =	vmul.f32 v53, v53;
	v56 =	vmul.f32 $-5.000000000e+03, v61  }
0x261: {  	v62 =	vadd.f32 $-3.225806360e-02, v41;
	v41 =	vmul.f32 v41, v41  }
0x262: {  	v53 =	vmul.f32 $-5.000000000e+03, v53;
	v56 =	vmul.f32 $1.442695020e+00, v56  }
0x263: {  	v57 =	vmul.f32 v62, v62;
	v41 =	vmul.f32 $-5.000000000e+03, v41  }
0x264: {  	v53 =	vmul.f32 $1.442695020e+00, v53;
	(erf) = vpow2.f32 v56  }
0x265: {  	v57 =	vmul.f32 $-5.000000000e+03, v57;
	v41 =	vmul.f32 $1.442695020e+00, v41  }
0x266: {  	v40 =	vshll.u32 v40, $0x4;
	(erf) = vpow2.f32 v53  }
0x267: {  	v60 =	vor.u32 v0, v40;
	v63 =	vmul.f32 $1.442695020e+00, v57;
	(erf) = vpow2.f32 v41;
	v41 =	vld [tilespmem:s21+$0x9040];
	_ =	sdelay $0x1  }
0x268: {  	v61 =	vadd.s32 v1, v40;
	(erf) = vpow2.f32 v63  }
0x269: {  	v62 =	vadd.s32 v2, v40  }
0x26a: {  	v58 =	vadd.s32 v3, v40  }
0x26b: {  	v55 =	vshll.u32 v55, $0x4;
	[tilespmem:v60+s13+$0x0] =	vst.idx.add.f32.msk $0xffff, v51;
	v51 =	vmul.f32 v51, v41  }
0x26c: {  	v40 =	vld [tilespmem:s22+$0x9040];
	v63 =	vor.u32 v0, v55  }
0x26d: {  	v59 =	vadd.s32 v1, v55;
	[tilespmem:v61+s13+$0x0] =	vst.idx.add.f32.msk $0xffff, v52;
	v52 =	vmul.f32 v52, v41  }
0x26e: {  	v60 =	vadd.s32 v2, v55;
	v53 =	vpop (erf);
	[tilespmem:v62+s13+$0x0] =	vst.idx.add.f32.msk $0xffff, v51  }
0x26f: {  	v61 =	vadd.s32 v3, v55;
	[tilespmem:v58+s13+$0x0] =	vst.idx.add.f32.msk $0xffff, v52;
	v51 =	vpop (erf)  }
0x270: {  	v58 =	vld [tilespmem:s21+$0x50];
	v62 =	vpop (erf)  }
0x271: {  	[tilespmem:v63+s13+$0x0] =	vst.idx.add.f32.msk $0xffff, v62;
	v63 =	vpop (erf);
	v55 =	vmul.f32 v62, v40  }
0x272: {  	[tilespmem:v59+s13+$0x0] =	vst.idx.add.f32.msk $0xffff, v63;
	v56 =	vmul.f32 v63, v40  }
0x273: {  	[tilespmem:v60+s13+$0x0] =	vst.idx.add.f32.msk $0xffff, v55  }
0x274: {  	[tilespmem:v61+s13+$0x0] =	vst.idx.add.f32.msk $0xffff, v56  }
0x275: {  	v60 =	vmul.f32 $3.100000000e+01, v58;
	v52 =	vld [tilespmem:s22+$0x50];
	_ =	sdelay $0x1  }
0x276: {  	v55 =	vtrunc.f32 v60  }
0x277: {  	v55 =	vcvt.f32.s32 v55  }
0x278: {  	v7 =	vmul.f32 v22, v7  }
0x279: {  	v62 =	vcvt.s32.f32 v55;
	v61 =	vmul.f32 $3.100000000e+01, v52  }
0x27a: {  	[tilespmem:v16+s13+$0x0] =	vst.idx.add.f32.msk $0xffff, v7  }
0x27b: {  	[tilespmem:v15+s13+$0x0] =	vst.idx.add.f32.msk $0xffff, v18;
	v45 =	vshll.u32 v45, $0x4;
	v22 =	vmul.f32 $3.225806360e-02, v62;
	v56 =	vtrunc.f32 v61  }
0x27c: {  	[tilespmem:v21+s13+$0x0] =	vst.idx.add.f32.msk $0xffff, v44;
	v21 =	vmul.f32 v44, v17;
	v16 =	vor.u32 v0, v45;
	v56 =	vcvt.f32.s32 v56  }
0x27d: {  	v17 =	vmul.f32 v43, v17;
	[tilespmem:v20+s13+$0x0] =	vst.idx.add.f32.msk $0xffff, v43;
	v7 =	vsub.f32 v58, v22  }
0x27e: {  	[tilespmem:v24+s13+$0x0] =	vst.idx.add.f32.msk $0xffff, v21;
	v15 =	vadd.s32 v1, v45;
	v63 =	vcvt.s32.f32 v56  }
0x27f: {  	[tilespmem:v23+s13+$0x0] =	vst.idx.add.f32.msk $0xffff, v17;
	v20 =	vadd.s32 v2, v45;
	v22 =	vadd.f32 $-3.225806360e-02, v7  }
0x280: {  	v24 =	vld [tilespmem:s19+$0x9050];
	v59 =	vadd.s32 v3, v45;
	v18 =	vmul.f32 $3.225806360e-02, v63  }
0x281: {  	[tilespmem:v16+s13+$0x0] =	vst.idx.add.f32.msk $0xffff, v46;
	v23 =	vmul.f32 v46, v25;
	v21 =	vshll.u32 v48, $0x4;
	v22 =	vmul.f32 v22, v22  }
0x282: {  	v16 =	vor.u32 v0, v21;
	v7 =	vmul.f32 v7, v7;
	v18 =	vsub.f32 v52, v18  }
0x283: {  	[tilespmem:v15+s13+$0x0] =	vst.idx.add.f32.msk $0xffff, v47;
	v15 =	vmul.f32 v47, v25;
	v22 =	vmul.f32 $-5.000000000e+03, v22  }
0x284: {  	[tilespmem:v20+s13+$0x0] =	vst.idx.add.f32.msk $0xffff, v23;
	v17 =	vadd.s32 v1, v21;
	v7 =	vmul.f32 $-5.000000000e+03, v7;
	v58 =	vadd.f32 $-3.225806360e-02, v18  }
0x285: {  	v60 =	vadd.s32 v2, v21;
	[tilespmem:v59+s13+$0x0] =	vst.idx.add.f32.msk $0xffff, v15;
	v15 =	vmul.f32 v50, v24;
	v22 =	vmul.f32 $1.442695020e+00, v22  }
0x286: {  	v7 =	vmul.f32 $1.442695020e+00, v7;
	v43 =	vmul.f32 v58, v58  }
0x287: {  	[tilespmem:v16+s13+$0x0] =	vst.idx.add.f32.msk $0xffff, v50;
	v21 =	vadd.s32 v3, v21;
	v18 =	vmul.f32 v18, v18;
	(erf) = vpow2.f32 v22  }
0x288: {  	v23 =	vld [tilespmem:s20+$0x9050];
	(erf) = vpow2.f32 v7;
	v20 =	vmul.f32 $-5.000000000e+03, v43  }
0x289: {  	[tilespmem:v17+s13+$0x0] =	vst.idx.add.f32.msk $0xffff, v49;
	v16 =	vshll.u32 v54, $0x4;
	v18 =	vmul.f32 $-5.000000000e+03, v18  }
0x28a: {  	[tilespmem:v60+s13+$0x0] =	vst.idx.add.f32.msk $0xffff, v15;
	v15 =	vmul.f32 v49, v24;
	v7 =	vor.u32 v0, v16;
	v22 =	vmul.f32 $1.442695020e+00, v20  }
0x28b: {  	v17 =	vadd.s32 v1, v16;
	v18 =	vmul.f32 $1.442695020e+00, v18  }
0x28c: {  	v61 =	vshll.u32 v55, $0x4;
	[tilespmem:v21+s13+$0x0] =	vst.idx.add.f32.msk $0xffff, v15;
	(erf) = vpow2.f32 v22;
	v22 =	vadd.s32 v2, v16  }
0x28d: {  	v15 =	vmul.f32 v51, v23;
	v20 =	vld [tilespmem:s21+$0x9050];
	(erf) = vpow2.f32 v18;
	v18 =	vor.u32 v0, v61;
	_ =	sdelay $0x1  }
0x28e: {  	v62 =	vadd.s32 v1, v61;
	[tilespmem:v7+s13+$0x0] =	vst.idx.add.f32.msk $0xffff, v51  }
0x28f: {  	v16 =	vadd.s32 v3, v16;
	[tilespmem:v17+s13+$0x0] =	vst.idx.add.f32.msk $0xffff, v53;
	v63 =	vpop (erf)  }
0x290: {  	v21 =	vshll.u32 v56, $0x4;
	v17 =	vadd.s32 v2, v61;
	[tilespmem:v22+s13+$0x0] =	vst.idx.add.f32.msk $0xffff, v15;
	v15 =	vpop (erf)  }
0x291: {  	v48 =	vor.u32 v0, v21;
	[tilespmem:v18+s13+$0x0] =	vst.idx.add.f32.msk $0xffff, v15;
	v15 =	vmul.f32 v15, v20  }
0x292: {  	v7 =	vld [tilespmem:s22+$0x9050];
	v22 =	vmul.f32 v53, v23;
	v18 =	vadd.s32 v3, v61  }
0x293: {  	v49 =	vadd.s32 v1, v21;
	[tilespmem:v62+s13+$0x0] =	vst.idx.add.f32.msk $0xffff, v63  }
0x294: {  	v50 =	vadd.s32 v2, v21;
	[tilespmem:v16+s13+$0x0] =	vst.idx.add.f32.msk $0xffff, v22;
	v16 =	vpop (erf)  }
0x295: {  	v21 =	vadd.s32 v3, v21;
	[tilespmem:v17+s13+$0x0] =	vst.idx.add.f32.msk $0xffff, v15;
	v17 =	vmul.f32 v63, v20;
	v15 =	vpop (erf)  }
0x296: {  	[tilespmem:v48+s13+$0x0] =	vst.idx.add.f32.msk $0xffff, v15  }
0x297: {  	v15 =	vmul.f32 v15, v7;
	[tilespmem:v18+s13+$0x0] =	vst.idx.add.f32.msk $0xffff, v17  }
0x298: {  	[tilespmem:v49+s13+$0x0] =	vst.idx.add.f32.msk $0xffff, v16;
	v16 =	vmul.f32 v16, v7  }
0x299: {  	[tilespmem:v50+s13+$0x0] =	vst.idx.add.f32.msk $0xffff, v15  }
0x29a: {  	[tilespmem:v21+s13+$0x0] =	vst.idx.add.f32.msk $0xffff, v16  }
0x29b: {  	_ =	swait.ge [sflag:s14], $0x4800  }
0x29c: {  	[sflag:s14] =	ssyncset.done $0x0  }
0x29d: {  	[sflag:s14] =	ssyncadd.s32 $0xFFFFB800  }
0x29e: {  	_ =	swait.ge [sflag:s14], $0x4800  }
0x29f: {  	[sflag:s14] =	ssyncset.done $0x0  }
0x2a0: {  	s29 =	simm.s32 $0x0;
	[sflag:s14] =	ssyncadd.s32 $0xFFFFB800  }
0x2a1: {  	v15 =	vld [tilespmem:s29+$0x4800];
	_ =	sdelay $0x4  }
0x2a2: {  	v16 =	vmul.f32 $3.100000000e+01, v15;
	_ =	sdelay $0x1  }
0x2a3: {  	v16 =	vtrunc.f32 v16  }
0x2a4: {  	v16 =	vcvt.f32.s32 v16;
	_ =	sdelay $0x1  }
0x2a5: {  	v17 =	vcvt.s32.f32 v16;
	_ =	sdelay $0x1  }
0x2a6: {  	v17 =	vmul.f32 $3.225806360e-02, v17;
	_ =	sdelay $0x1  }
0x2a7: {  	v15 =	vsub.f32 v15, v17;
	_ =	sdelay $0x1  }
0x2a8: {  	v17 =	vadd.f32 $-3.225806360e-02, v15  }
0x2a9: {  	v15 =	vmul.f32 v15, v15  }
0x2aa: {  	v17 =	vmul.f32 v17, v17  }
0x2ab: {  	v15 =	vmul.f32 $-5.000000000e+03, v15  }
0x2ac: {  	v17 =	vmul.f32 $-5.000000000e+03, v17  }
0x2ad: {  	v15 =	vmul.f32 $1.442695020e+00, v15  }
0x2ae: {  	v17 =	vmul.f32 $1.442695020e+00, v17  }
0x2af: {  	(erf) = vpow2.f32 v15  }
0x2b0: {  	(erf) = vpow2.f32 v17;
	_ =	sdelay $0x2  }
0x2b1: {  	v15 =	vshll.u32 v16, $0x4  }
0x2b2: {  	v18 =	vld [tilespmem:s29+$0xD800];
	v16 =	vor.u32 v0, v15  }
0x2b3: {  	v17 =	vadd.s32 v1, v15  }
0x2b4: {  	v21 =	vadd.s32 v2, v15  }
0x2b5: {  	v15 =	vadd.s32 v3, v15  }
0x2b6: {  	v22 =	vpop (erf)  }
0x2b7: {  	[tilespmem:v16+s13+$0x0] =	vst.idx.add.f32.msk $0xffff, v22;
	v16 =	vmul.f32 v22, v18;
	v51 =	vpop (erf)  }
0x2b8: {  	[tilespmem:v17+s13+$0x0] =	vst.idx.add.f32.msk $0xffff, v51;
	v17 =	vmul.f32 v51, v18  }
0x2b9: {  	[tilespmem:v21+s13+$0x0] =	vst.idx.add.f32.msk $0xffff, v16  }
0x2ba: {  	[tilespmem:v15+s13+$0x0] =	vst.idx.add.f32.msk $0xffff, v17  }
0x2bb: {  	v15 =	vld [tilespmem:s29+$0x4810];
	_ =	sdelay $0x4  }
0x2bc: {  	v16 =	vmul.f32 $3.100000000e+01, v15;
	_ =	sdelay $0x1  }
0x2bd: {  	v16 =	vtrunc.f32 v16  }
0x2be: {  	v16 =	vcvt.f32.s32 v16;
	_ =	sdelay $0x1  }
0x2bf: {  	v17 =	vcvt.s32.f32 v16;
	_ =	sdelay $0x1  }
0x2c0: {  	v17 =	vmul.f32 $3.225806360e-02, v17;
	_ =	sdelay $0x1  }
0x2c1: {  	v15 =	vsub.f32 v15, v17;
	_ =	sdelay $0x1  }
0x2c2: {  	s30 =	simm.s32 $0x80;
	v17 =	vadd.f32 $-3.225806360e-02, v15  }
0x2c3: {  	v22 =	vld [tilespmem:s30+$0x4800];
	v15 =	vmul.f32 v15, v15  }
0x2c4: {  	v17 =	vmul.f32 v17, v17  }
0x2c5: {  	v15 =	vmul.f32 $-5.000000000e+03, v15  }
0x2c6: {  	v17 =	vmul.f32 $-5.000000000e+03, v17  }
0x2c7: {  	v15 =	vmul.f32 $1.442695020e+00, v15  }
0x2c8: {  	v21 =	vmul.f32 $3.100000000e+01, v22;
	v17 =	vmul.f32 $1.442695020e+00, v17  }
0x2c9: {  	(erf) = vpow2.f32 v15  }
0x2ca: {  	v15 =	vtrunc.f32 v21;
	(erf) = vpow2.f32 v17  }
0x2cb: {  	v15 =	vcvt.f32.s32 v15;
	_ =	sdelay $0x1  }
0x2cc: {  	v16 =	vshll.u32 v16, $0x4;
	v17 =	vcvt.s32.f32 v15  }
0x2cd: {  	v52 =	vor.u32 v0, v16;
	v21 =	vld [tilespmem:s29+$0xD810]  }
0x2ce: {  	v53 =	vadd.s32 v1, v16;
	v17 =	vmul.f32 $3.225806360e-02, v17  }
0x2cf: {  	v54 =	vadd.s32 v2, v16  }
0x2d0: {  	v16 =	vadd.s32 v3, v16;
	v17 =	vsub.f32 v22, v17  }
0x2d1: {  	v22 =	vpop (erf)  }
0x2d2: {  	v55 =	vadd.f32 $-3.225806360e-02, v17;
	[tilespmem:v52+s13+$0x0] =	vst.idx.add.f32.msk $0xffff, v22;
	v22 =	vmul.f32 v22, v21;
	v56 =	vpop (erf)  }
0x2d3: {  	v17 =	vmul.f32 v17, v17;
	[tilespmem:v53+s13+$0x0] =	vst.idx.add.f32.msk $0xffff, v56;
	v43 =	vmul.f32 v56, v21  }
0x2d4: {  	v57 =	vmul.f32 v55, v55;
	[tilespmem:v54+s13+$0x0] =	vst.idx.add.f32.msk $0xffff, v22  }
0x2d5: {  	v17 =	vmul.f32 $-5.000000000e+03, v17;
	[tilespmem:v16+s13+$0x0] =	vst.idx.add.f32.msk $0xffff, v43  }
0x2d6: {  	v16 =	vmul.f32 $-5.000000000e+03, v57;
	v22 =	vld [tilespmem:s29+$0x4820]  }
0x2d7: {  	v17 =	vmul.f32 $1.442695020e+00, v17  }
0x2d8: {  	v16 =	vmul.f32 $1.442695020e+00, v16  }
0x2d9: {  	(erf) = vpow2.f32 v17  }
0x2da: {  	(erf) = vpow2.f32 v16  }
0x2db: {  	v16 =	vmul.f32 $3.100000000e+01, v22;
	_ =	sdelay $0x1  }
0x2dc: {  	v17 =	vshll.u32 v15, $0x4;
	v16 =	vtrunc.f32 v16  }
0x2dd: {  	v15 =	vld [tilespmem:s30+$0xD800];
	v58 =	vor.u32 v0, v17;
	v16 =	vcvt.f32.s32 v16  }
0x2de: {  	v59 =	vadd.s32 v1, v17  }
0x2df: {  	v60 =	vadd.s32 v2, v17;
	v61 =	vcvt.s32.f32 v16  }
0x2e0: {  	v17 =	vadd.s32 v3, v17  }
0x2e1: {  	v62 =	vpop (erf);
	v46 =	vmul.f32 $3.225806360e-02, v61  }
0x2e2: {  	[tilespmem:v58+s13+$0x0] =	vst.idx.add.f32.msk $0xffff, v62;
	v49 =	vmul.f32 v62, v15;
	v63 =	vpop (erf)  }
0x2e3: {  	[tilespmem:v59+s13+$0x0] =	vst.idx.add.f32.msk $0xffff, v63;
	v50 =	vmul.f32 v63, v15;
	v22 =	vsub.f32 v22, v46  }
0x2e4: {  	[tilespmem:v60+s13+$0x0] =	vst.idx.add.f32.msk $0xffff, v49  }
0x2e5: {  	[tilespmem:v17+s13+$0x0] =	vst.idx.add.f32.msk $0xffff, v50;
	v17 =	vadd.f32 $-3.225806360e-02, v22  }
0x2e6: {  	v22 =	vmul.f32 v22, v22  }
0x2e7: {  	v43 =	vld [tilespmem:s30+$0x4810];
	v17 =	vmul.f32 v17, v17  }
0x2e8: {  	v22 =	vmul.f32 $-5.000000000e+03, v22  }
0x2e9: {  	v17 =	vmul.f32 $-5.000000000e+03, v17  }
0x2ea: {  	v22 =	vmul.f32 $1.442695020e+00, v22  }
0x2eb: {  	v17 =	vmul.f32 $1.442695020e+00, v17  }
0x2ec: {  	v51 =	vmul.f32 $3.100000000e+01, v43;
	(erf) = vpow2.f32 v22  }
0x2ed: {  	(erf) = vpow2.f32 v17  }
0x2ee: {  	v22 =	vtrunc.f32 v51  }
0x2ef: {  	v17 =	vcvt.f32.s32 v22  }
0x2f0: {  	v16 =	vshll.u32 v16, $0x4  }
0x2f1: {  	s31 =	simm.s32 $0x100;
	v53 =	vor.u32 v0, v16;
	v22 =	vld [tilespmem:s29+$0xD820];
	v52 =	vcvt.s32.f32 v17  }
0x2f2: {  	v55 =	vld [tilespmem:s31+$0x4800];
	v54 =	vadd.s32 v1, v16  }
0x2f3: {  	v56 =	vadd.s32 v2, v16;
	v44 =	vmul.f32 $3.225806360e-02, v52  }
0x2f4: {  	v16 =	vadd.s32 v3, v16  }
0x2f5: {  	v43 =	vsub.f32 v43, v44;
	v57 =	vpop (erf)  }
0x2f6: {  	[tilespmem:v53+s13+$0x0] =	vst.idx.add.f32.msk $0xffff, v57;
	v44 =	vmul.f32 v57, v22;
	v59 =	vpop (erf)  }
0x2f7: {  	v60 =	vmul.f32 $3.100000000e+01, v55;
	v58 =	vadd.f32 $-3.225806360e-02, v43;
	[tilespmem:v54+s13+$0x0] =	vst.idx.add.f32.msk $0xffff, v59;
	v45 =	vmul.f32 v59, v22  }
0x2f8: {  	v43 =	vmul.f32 v43, v43;
	[tilespmem:v56+s13+$0x0] =	vst.idx.add.f32.msk $0xffff, v44  }
0x2f9: {  	v61 =	vmul.f32 v58, v58;
	[tilespmem:v16+s13+$0x0] =	vst.idx.add.f32.msk $0xffff, v45;
	v16 =	vtrunc.f32 v60  }
0x2fa: {  	v43 =	vmul.f32 $-5.000000000e+03, v43;
	v45 =	vld [tilespmem:s29+$0x4830];
	v63 =	vcvt.f32.s32 v16  }
0x2fb: {  	v62 =	vmul.f32 $-5.000000000e+03, v61  }
0x2fc: {  	v16 =	vmul.f32 $1.442695020e+00, v43;
	v50 =	vcvt.s32.f32 v63  }
0x2fd: {  	v49 =	vmul.f32 $1.442695020e+00, v62  }
0x2fe: {  	(erf) = vpow2.f32 v16;
	v16 =	vmul.f32 $3.225806360e-02, v50  }
0x2ff: {  	v25 =	vadd.f32 v25, v30;
	(erf) = vpow2.f32 v49;
	v51 =	vmul.f32 $3.100000000e+01, v45  }
0x300: {  	v30 =	vadd.f32 v32, v31;
	v31 =	vsub.f32 v55, v16  }
0x301: {  	v4 =	vmul.f32 v4, v13;
	v13 =	vadd.f32 v13, v25;
	v52 =	vtrunc.f32 v51  }
0x302: {  	v17 =	vshll.u32 v17, $0x4;
	v32 =	vcvt.f32.s32 v52;
	v25 =	vadd.f32 $-3.225806360e-02, v31  }
0x303: {  	v6 =	vmul.f32 v6, v12;
	v53 =	vor.u32 v0, v17;
	v16 =	vld [tilespmem:s30+$0xD810];
	v31 =	vmul.f32 v31, v31  }
0x304: {  	v54 =	vadd.s32 v1, v17;
	v56 =	vcvt.s32.f32 v32;
	v25 =	vmul.f32 v25, v25  }
0x305: {  	v9 =	vmul.f32 v9, v11;
	v4 =	vadd.f32 v4, v30;
	v55 =	vadd.s32 v2, v17  }
0x306: {  	v17 =	vadd.s32 v3, v17;
	v31 =	vmul.f32 $-5.000000000e+03, v31;
	v48 =	vmul.f32 $3.225806360e-02, v56  }
0x307: {  	v12 =	vadd.f32 v12, v13;
	v4 =	vadd.f32 v6, v4;
	v30 =	vpop (erf);
	v13 =	vmul.f32 $-5.000000000e+03, v25  }
0x308: {  	[tilespmem:v53+s13+$0x0] =	vst.idx.add.f32.msk $0xffff, v30;
	v30 =	vmul.f32 v30, v16;
	v31 =	vmul.f32 $1.442695020e+00, v31;
	v25 =	vpop (erf);
	v57 =	vsub.f32 v45, v48  }
0x309: {  	v6 =	vadd.f32 v11, v12;
	v11 =	vmul.f32 $1.442695020e+00, v13;
	[tilespmem:v54+s13+$0x0] =	vst.idx.add.f32.msk $0xffff, v25;
	v25 =	vmul.f32 v25, v16  }
0x30a: {  	v12 =	vmul.f32 v29, v29;
	(erf) = vpow2.f32 v31;
	[tilespmem:v55+s13+$0x0] =	vst.idx.add.f32.msk $0xffff, v30;
	v13 =	vadd.f32 $-3.225806360e-02, v57  }
0x30b: {  	v4 =	vadd.f32 v9, v4;
	(erf) = vpow2.f32 v11;
	v11 =	vmul.f32 v57, v57;
	[tilespmem:v17+s13+$0x0] =	vst.idx.add.f32.msk $0xffff, v25  }
0x30c: {  	v6 =	vadd.f32 v29, v6;
	v9 =	vld [tilespmem:s30+$0x4820];
	v13 =	vmul.f32 v13, v13  }
0x30d: {  	v4 =	vadd.f32 v12, v4;
	v12 =	vmul.f32 v37, v37;
	v11 =	vmul.f32 $-5.000000000e+03, v11  }
0x30e: {  	v5 =	vmul.f32 v5, v10;
	v6 =	vadd.f32 v37, v6;
	v13 =	vmul.f32 $-5.000000000e+03, v13  }
0x30f: {  	v4 =	vadd.f32 v12, v4;
	v25 =	vshll.u32 v63, $0x4;
	v11 =	vmul.f32 $1.442695020e+00, v11  }
0x310: {  	v6 =	vadd.f32 v24, v6;
	v17 =	vld [tilespmem:s31+$0xD800];
	v12 =	vor.u32 v0, v25;
	v13 =	vmul.f32 $1.442695020e+00, v13  }
0x311: {  	v30 =	vadd.s32 v1, v25;
	(erf) = vpow2.f32 v11;
	v29 =	vmul.f32 $3.100000000e+01, v9  }
0x312: {  	v10 =	vadd.f32 v10, v6;
	v11 =	vadd.s32 v2, v25;
	(erf) = vpow2.f32 v13  }
0x313: {  	v31 =	vmul.f32 v24, v24;
	v25 =	vadd.s32 v3, v25;
	v24 =	vtrunc.f32 v29  }
0x314: {  	v14 =	vmul.f32 v14, v8;
	v8 =	vadd.f32 v8, v10;
	v6 =	vld [tilespmem:s29+$0xD830];
	v13 =	vpop (erf);
	v24 =	vcvt.f32.s32 v24  }
0x315: {  	v4 =	vadd.f32 v31, v4;
	v29 =	vpop (erf);
	[tilespmem:v12+s13+$0x0] =	vst.idx.add.f32.msk $0xffff, v13;
	v12 =	vmul.f32 v13, v17;
	v13 =	vshll.u32 v32, $0x4  }
0x316: {  	[tilespmem:v30+s13+$0x0] =	vst.idx.add.f32.msk $0xffff, v29;
	v30 =	vcvt.s32.f32 v24;
	v29 =	vmul.f32 v29, v17;
	v31 =	vor.u32 v0, v13  }
0x317: {  	v4 =	vadd.f32 v5, v4;
	v5 =	vadd.s32 v1, v13;
	[tilespmem:v11+s13+$0x0] =	vst.idx.add.f32.msk $0xffff, v12  }
0x318: {  	v10 =	vadd.s32 v2, v13;
	v11 =	vmul.f32 $3.225806360e-02, v30;
	[tilespmem:v25+s13+$0x0] =	vst.idx.add.f32.msk $0xffff, v29  }
0x319: {  	v8 =	vadd.f32 v28, v8;
	v13 =	vadd.s32 v3, v13;
	v12 =	vld [tilespmem:s31+$0x4810]  }
0x31a: {  	v4 =	vadd.f32 v14, v4;
	v14 =	vpop (erf);
	v9 =	vsub.f32 v9, v11  }
0x31b: {  	v11 =	vmul.f32 v28, v28;
	[tilespmem:v31+s13+$0x0] =	vst.idx.add.f32.msk $0xffff, v14;
	v14 =	vmul.f32 v14, v6;
	v28 =	vpop (erf)  }
0x31c: {  	v25 =	vmul.f32 v36, v36;
	v29 =	vadd.f32 $-3.225806360e-02, v9;
	[tilespmem:v5+s13+$0x0] =	vst.idx.add.f32.msk $0xffff, v28;
	v5 =	vmul.f32 v28, v6  }
0x31d: {  	v9 =	vmul.f32 v9, v9;
	v28 =	vmul.f32 v42, v42;
	[tilespmem:v10+s13+$0x0] =	vst.idx.add.f32.msk $0xffff, v14  }
0x31e: {  	v4 =	vadd.f32 v11, v4;
	v10 =	vmul.f32 v29, v29;
	v11 =	vmul.f32 $3.100000000e+01, v12;
	[tilespmem:v13+s13+$0x0] =	vst.idx.add.f32.msk $0xffff, v5  }
0x31f: {  	v8 =	vadd.f32 v36, v8;
	v5 =	vmul.f32 $-5.000000000e+03, v9;
	v9 =	vmul.f32 v23, v23;
	v13 =	vld [tilespmem:s29+$0x4840]  }
0x320: {  	v4 =	vadd.f32 v25, v4;
	v10 =	vmul.f32 $-5.000000000e+03, v10;
	v11 =	vtrunc.f32 v11  }
0x321: {  	v8 =	vadd.f32 v42, v8;
	v5 =	vmul.f32 $1.442695020e+00, v5;
	v14 =	vcvt.f32.s32 v11  }
0x322: {  	v25 =	vmul.f32 v34, v34;
	v4 =	vadd.f32 v28, v4;
	v10 =	vmul.f32 $1.442695020e+00, v10  }
0x323: {  	s19 =	simm.s32 $0x180;
	(erf) = vpow2.f32 v5;
	v5 =	vadd.f32 v23, v8;
	v23 =	vcvt.s32.f32 v14  }
0x324: {  	v8 =	vld [tilespmem:s19+$0x4800];
	(erf) = vpow2.f32 v10;
	v10 =	vmul.f32 $3.100000000e+01, v13  }
0x325: {  	v11 =	vmul.f32 v19, v19;
	v4 =	vadd.f32 v9, v4;
	v9 =	vmul.f32 v27, v27  }
0x326: {  	v5 =	vadd.f32 v19, v5;
	v19 =	vmul.f32 $3.225806360e-02, v23;
	v10 =	vtrunc.f32 v10  }
0x327: {  	v4 =	vadd.f32 v11, v4;
	v23 =	vshll.u32 v24, $0x4;
	v10 =	vcvt.f32.s32 v10  }
0x328: {  	v24 =	vmul.f32 v39, v39;
	v29 =	vadd.s32 v1, v23;
	v12 =	vsub.f32 v12, v19  }
0x329: {  	v11 =	vld [tilespmem:s30+$0xD820];
	v19 =	vor.u32 v0, v23;
	v28 =	vmul.f32 $3.100000000e+01, v8;
	v31 =	vcvt.s32.f32 v10  }
0x32a: {  	v58 =	vadd.s32 v2, v23;
	v5 =	vadd.f32 v27, v5;
	v4 =	vadd.f32 v9, v4  }
0x32b: {  	v23 =	vadd.s32 v3, v23;
	v30 =	vadd.f32 $-3.225806360e-02, v12;
	v28 =	vtrunc.f32 v28  }
0x32c: {  	v4 =	vadd.f32 v25, v4;
	v12 =	vmul.f32 v12, v12;
	v25 =	vcvt.f32.s32 v28  }
0x32d: {  	v27 =	vmul.f32 v30, v30;
	v30 =	vmul.f32 $3.225806360e-02, v31;
	v31 =	vpop (erf)  }
0x32e: {  	v5 =	vadd.f32 v34, v5;
	v9 =	vmul.f32 $-5.000000000e+03, v12;
	[tilespmem:v19+s13+$0x0] =	vst.idx.add.f32.msk $0xffff, v31;
	v12 =	vmul.f32 v31, v11;
	v19 =	vpop (erf)  }
0x32f: {  	v27 =	vmul.f32 $-5.000000000e+03, v27;
	[tilespmem:v29+s13+$0x0] =	vst.idx.add.f32.msk $0xffff, v19;
	v19 =	vmul.f32 v19, v11  }
0x330: {  	v5 =	vadd.f32 v39, v5;
	v9 =	vmul.f32 $1.442695020e+00, v9;
	v13 =	vsub.f32 v13, v30;
	[tilespmem:v58+s13+$0x0] =	vst.idx.add.f32.msk $0xffff, v12  }
0x331: {  	v4 =	vadd.f32 v24, v4;
	v24 =	vmul.f32 v26, v26;
	v27 =	vmul.f32 $1.442695020e+00, v27;
	[tilespmem:v23+s13+$0x0] =	vst.idx.add.f32.msk $0xffff, v19  }
0x332: {  	(erf) = vpow2.f32 v9;
	v28 =	vadd.f32 $-3.225806360e-02, v13;
	v13 =	vmul.f32 v13, v13;
	v9 =	vld [tilespmem:s30+$0x4830]  }
0x333: {  	v14 =	vshll.u32 v14, $0x4;
	v12 =	vmul.f32 v41, v41;
	v19 =	vcvt.s32.f32 v25  }
0x334: {  	v5 =	vadd.f32 v41, v5;
	(erf) = vpow2.f32 v27;
	v27 =	vmul.f32 v28, v28  }
0x335: {  	v31 =	vadd.s32 v1, v14;
	v23 =	vmul.f32 v20, v20;
	v13 =	vmul.f32 $-5.000000000e+03, v13  }
0x336: {  	v5 =	vadd.f32 v20, v5;
	v19 =	vmul.f32 $3.225806360e-02, v19;
	v27 =	vmul.f32 $-5.000000000e+03, v27  }
0x337: {  	v28 =	vor.u32 v0, v14;
	v13 =	vmul.f32 $1.442695020e+00, v13;
	v29 =	vmul.f32 $3.100000000e+01, v9  }
0x338: {  	v4 =	vadd.f32 v12, v4;
	v8 =	vsub.f32 v8, v19;
	v19 =	vld [tilespmem:s31+$0xD810];
	v27 =	vmul.f32 $1.442695020e+00, v27  }
0x339: {  	(erf) = vpow2.f32 v13;
	v13 =	vadd.s32 v2, v14;
	v29 =	vtrunc.f32 v29  }
0x33a: {  	v59 =	vadd.f32 $-3.225806360e-02, v8;
	v8 =	vmul.f32 v8, v8;
	v29 =	vcvt.f32.s32 v29  }
0x33b: {  	v5 =	vadd.f32 v26, v5;
	v14 =	vadd.s32 v3, v14;
	(erf) = vpow2.f32 v27  }
0x33c: {  	v4 =	vadd.f32 v23, v4;
	v27 =	vpop (erf);
	v20 =	vmul.f32 $-5.000000000e+03, v8;
	v8 =	vld [tilespmem:s29+$0xD840];
	v60 =	vcvt.s32.f32 v29  }
0x33d: {  	v12 =	vmul.f32 v59, v59;
	[tilespmem:v28+s13+$0x0] =	vst.idx.add.f32.msk $0xffff, v27;
	v28 =	vpop (erf);
	v27 =	vmul.f32 v27, v19  }
0x33e: {  	[tilespmem:v31+s13+$0x0] =	vst.idx.add.f32.msk $0xffff, v28;
	v23 =	vmul.f32 v28, v19;
	v28 =	vmul.f32 $3.225806360e-02, v60  }
0x33f: {  	v10 =	vshll.u32 v10, $0x4;
	v5 =	vadd.f32 v33, v5;
	v4 =	vadd.f32 v24, v4;
	[tilespmem:v13+s13+$0x0] =	vst.idx.add.f32.msk $0xffff, v27  }
0x340: {  	v12 =	vmul.f32 $-5.000000000e+03, v12;
	v13 =	vmul.f32 $1.442695020e+00, v20;
	[tilespmem:v14+s13+$0x0] =	vst.idx.add.f32.msk $0xffff, v23;
	v9 =	vsub.f32 v9, v28  }
0x341: {  	v30 =	vmul.f32 v33, v33;
	v5 =	vadd.f32 v35, v5;
	v20 =	vor.u32 v0, v10;
	v14 =	vld [tilespmem:s31+$0x4820]  }
0x342: {  	v12 =	vmul.f32 $1.442695020e+00, v12;
	(erf) = vpow2.f32 v13;
	v13 =	vadd.f32 $-3.225806360e-02, v9  }
0x343: {  	v31 =	vmul.f32 v35, v35;
	v23 =	vadd.s32 v1, v10;
	v9 =	vmul.f32 v9, v9  }
0x344: {  	(erf) = vpow2.f32 v12;
	v12 =	vadd.f32 v30, v4;
	v4 =	vpop (erf);
	v13 =	vmul.f32 v13, v13  }
0x345: {  	v24 =	vadd.s32 v2, v10;
	v26 =	vmul.f32 v4, v8;
	v9 =	vmul.f32 $-5.000000000e+03, v9  }
0x346: {  	v10 =	vadd.s32 v3, v10;
	v27 =	vpop (erf);
	v28 =	vmul.f32 $3.100000000e+01, v14;
	v13 =	vmul.f32 $-5.000000000e+03, v13  }
0x347: {  	v25 =	vshll.u32 v25, $0x4;
	[tilespmem:v20+s13+$0x0] =	vst.idx.add.f32.msk $0xffff, v4;
	v20 =	vmul.f32 v27, v8;
	v9 =	vmul.f32 $1.442695020e+00, v9  }
0x348: {  	v5 =	vadd.f32 v38, v5;
	[tilespmem:v23+s13+$0x0] =	vst.idx.add.f32.msk $0xffff, v27;
	v27 =	vtrunc.f32 v28;
	v13 =	vmul.f32 $1.442695020e+00, v13  }
0x349: {  	v30 =	vor.u32 v0, v25;
	v4 =	vld [tilespmem:s19+$0xD800];
	(erf) = vpow2.f32 v9;
	v9 =	vcvt.f32.s32 v27  }
0x34a: {  	v5 =	vadd.f32 v40, v5;
	v23 =	vadd.s32 v1, v25;
	[tilespmem:v24+s13+$0x0] =	vst.idx.add.f32.msk $0xffff, v26  }
0x34b: {  	v12 =	vadd.f32 v31, v12;
	[tilespmem:v10+s13+$0x0] =	vst.idx.add.f32.msk $0xffff, v20;
	v27 =	vmul.f32 v38, v38;
	v20 =	vcvt.s32.f32 v9  }
0x34c: {  	v5 =	vadd.f32 v7, v5;
	v10 =	vadd.s32 v2, v25;
	(erf) = vpow2.f32 v13  }
0x34d: {  	v25 =	vadd.s32 v3, v25;
	v24 =	vadd.f32 v27, v12;
	v13 =	vpop (erf);
	v20 =	vmul.f32 $3.225806360e-02, v20  }
0x34e: {  	v27 =	vmul.f32 v40, v40;
	v26 =	vpop (erf);
	[tilespmem:v30+s13+$0x0] =	vst.idx.add.f32.msk $0xffff, v13;
	v13 =	vmul.f32 v13, v4  }
0x34f: {  	[tilespmem:v23+s13+$0x0] =	vst.idx.add.f32.msk $0xffff, v26;
	v23 =	vshll.u32 v29, $0x4;
	v26 =	vmul.f32 v26, v4;
	v14 =	vsub.f32 v14, v20  }
0x350: {  	v12 =	vld [tilespmem:s30+$0xD830];
	v20 =	vadd.f32 v27, v24;
	v28 =	vor.u32 v0, v23;
	v30 =	vadd.s32 v1, v23  }
0x351: {  	[tilespmem:v10+s13+$0x0] =	vst.idx.add.f32.msk $0xffff, v13;
	v10 =	vadd.s32 v2, v23;
	v13 =	vmul.f32 v7, v7  }
0x352: {  	v29 =	vld [tilespmem:s29+$0x4850];
	v23 =	vadd.s32 v3, v23;
	v7 =	vmul.f32 v18, v18;
	v24 =	vadd.f32 $-3.225806360e-02, v14  }
0x353: {  	[tilespmem:v25+s13+$0x0] =	vst.idx.add.f32.msk $0xffff, v26;
	v14 =	vmul.f32 v14, v14;
	v13 =	vadd.f32 v13, v20  }
0x354: {  	v25 =	vld [tilespmem:s19+$0x4810];
	v26 =	vpop (erf);
	v24 =	vmul.f32 v24, v24  }
0x355: {  	v14 =	vmul.f32 $-5.000000000e+03, v14;
	v27 =	vpop (erf);
	v7 =	vadd.f32 v7, v13;
	[tilespmem:v28+s13+$0x0] =	vst.idx.add.f32.msk $0xffff, v26;
	v26 =	vmul.f32 v26, v12  }
0x356: {  	v20 =	vmul.f32 v27, v12;
	[tilespmem:v30+s13+$0x0] =	vst.idx.add.f32.msk $0xffff, v27;
	v27 =	vmul.f32 v21, v21  }
0x357: {  	v46 =	vmul.f32 v16, v16;
	v5 =	vadd.f32 v18, v5;
	[tilespmem:v10+s13+$0x0] =	vst.idx.add.f32.msk $0xffff, v26;
	v10 =	vmul.f32 $-5.000000000e+03, v24  }
0x358: {  	v18 =	vmul.f32 v22, v22;
	v13 =	vmul.f32 $1.442695020e+00, v14;
	[tilespmem:v23+s13+$0x0] =	vst.idx.add.f32.msk $0xffff, v20;
	v7 =	vadd.f32 v27, v7  }
0x359: {  	s20 =	simm.s32 $0x200;
	v14 =	vadd.f32 v21, v5;
	v20 =	vmul.f32 $3.100000000e+01, v25;
	v21 =	vld [tilespmem:s30+$0x4840];
	v10 =	vmul.f32 $1.442695020e+00, v10  }
0x35a: {  	(erf) = vpow2.f32 v13;
	v23 =	vmul.f32 $3.100000000e+01, v29;
	v7 =	vadd.f32 v18, v7;
	v18 =	vld [tilespmem:s20+$0x4800]  }
0x35b: {  	v5 =	vld [tilespmem:s29+$0xD850];
	v13 =	vadd.f32 v22, v14;
	v14 =	vtrunc.f32 v20;
	(erf) = vpow2.f32 v10  }
0x35c: {  	v47 =	vmul.f32 v11, v11;
	v9 =	vshll.u32 v9, $0x4;
	v14 =	vcvt.f32.s32 v14  }
0x35d: {  	v31 =	vadd.s32 v2, v9;
	v20 =	vtrunc.f32 v23;
	v10 =	vmul.f32 v6, v6  }
0x35e: {  	v28 =	vadd.s32 v1, v9;
	v26 =	vcvt.f32.s32 v20;
	v22 =	vcvt.s32.f32 v14  }
0x35f: {  	v27 =	vor.u32 v0, v9;
	v20 =	vld [tilespmem:s31+$0xD820];
	v23 =	vmul.f32 $3.100000000e+01, v21;
	v30 =	vmul.f32 $3.100000000e+01, v18  }
0x360: {  	v24 =	vmul.f32 v5, v5;
	v6 =	vadd.f32 v6, v13;
	v22 =	vmul.f32 $3.225806360e-02, v22  }
0x361: {  	v13 =	vmul.f32 v8, v8;
	v7 =	vadd.f32 v10, v7;
	v23 =	vtrunc.f32 v23  }
0x362: {  	v23 =	vcvt.f32.s32 v23;
	v22 =	vsub.f32 v25, v22;
	v10 =	vtrunc.f32 v30  }
0x363: {  	v9 =	vadd.s32 v3, v9;
	v61 =	vcvt.s32.f32 v26;
	v10 =	vcvt.f32.s32 v10;
	v30 =	vpop (erf)  }
0x364: {  	v25 =	vcvt.s32.f32 v23;
	v62 =	vadd.f32 $-3.225806360e-02, v22;
	[tilespmem:v27+s13+$0x0] =	vst.idx.add.f32.msk $0xffff, v30;
	v27 =	vmul.f32 v30, v20;
	v30 =	vpop (erf)  }
0x365: {  	v22 =	vmul.f32 v22, v22;
	[tilespmem:v28+s13+$0x0] =	vst.idx.add.f32.msk $0xffff, v30;
	v28 =	vmul.f32 v30, v20  }
0x366: {  	v6 =	vadd.f32 v8, v6;
	v8 =	vmul.f32 v62, v62;
	v25 =	vmul.f32 $3.225806360e-02, v25  }
0x367: {  	v7 =	vadd.f32 v13, v7;
	v13 =	vmul.f32 $3.225806360e-02, v61;
	v22 =	vmul.f32 $-5.000000000e+03, v22;
	[tilespmem:v31+s13+$0x0] =	vst.idx.add.f32.msk $0xffff, v27  }
0x368: {  	[tilespmem:v9+s13+$0x0] =	vst.idx.add.f32.msk $0xffff, v28;
	v9 =	vcvt.s32.f32 v10;
	v8 =	vmul.f32 $-5.000000000e+03, v8;
	v21 =	vsub.f32 v21, v25  }
0x369: {  	v27 =	vadd.f32 v5, v6;
	v6 =	vsub.f32 v29, v13;
	v13 =	vmul.f32 $1.442695020e+00, v22;
	v25 =	vld [tilespmem:s31+$0x4830]  }
0x36a: {  	v9 =	vmul.f32 $3.225806360e-02, v9;
	v8 =	vmul.f32 $1.442695020e+00, v8;
	v22 =	vadd.f32 $-3.225806360e-02, v21  }
0x36b: {  	v24 =	vadd.f32 v24, v7;
	(erf) = vpow2.f32 v13;
	v7 =	vmul.f32 v21, v21  }
0x36c: {  	(erf) = vpow2.f32 v8;
	v8 =	vmul.f32 v22, v22  }
0x36d: {  	v13 =	vadd.f32 $-3.225806360e-02, v6;
	v6 =	vmul.f32 v6, v6;
	v7 =	vmul.f32 $-5.000000000e+03, v7  }
0x36e: {  	v14 =	vshll.u32 v14, $0x4;
	v21 =	vmul.f32 $3.100000000e+01, v25;
	v8 =	vmul.f32 $-5.000000000e+03, v8  }
0x36f: {  	v22 =	vshll.u32 v26, $0x4;
	v18 =	vsub.f32 v18, v9;
	v7 =	vmul.f32 $1.442695020e+00, v7  }
0x370: {  	v26 =	vor.u32 v0, v14;
	v21 =	vtrunc.f32 v21;
	v8 =	vmul.f32 $1.442695020e+00, v8  }
0x371: {  	v9 =	vld [tilespmem:s19+$0xD810];
	(erf) = vpow2.f32 v7;
	v28 =	vcvt.f32.s32 v21;
	v21 =	vadd.f32 $-3.225806360e-02, v18  }
0x372: {  	v7 =	vmul.f32 v18, v18;
	v18 =	vadd.s32 v1, v14;
	(erf) = vpow2.f32 v8  }
0x373: {  	v29 =	vadd.s32 v2, v14;
	v8 =	vcvt.s32.f32 v28;
	v21 =	vmul.f32 v21, v21  }
0x374: {  	v30 =	vadd.s32 v3, v14;
	v13 =	vmul.f32 v13, v13;
	v7 =	vmul.f32 $-5.000000000e+03, v7  }
0x375: {  	v63 =	vld [tilespmem:s30+$0xD840];
	v23 =	vshll.u32 v23, $0x4;
	v14 =	vpop (erf);
	v8 =	vmul.f32 $3.225806360e-02, v8;
	v21 =	vmul.f32 $-5.000000000e+03, v21  }
0x376: {  	v31 =	vor.u32 v0, v23;
	[tilespmem:v26+s13+$0x0] =	vst.idx.add.f32.msk $0xffff, v14;
	v14 =	vmul.f32 v14, v9;
	v7 =	vmul.f32 $1.442695020e+00, v7;
	v26 =	vpop (erf)  }
0x377: {  	[tilespmem:v18+s13+$0x0] =	vst.idx.add.f32.msk $0xffff, v26;
	v18 =	vmul.f32 v26, v9;
	v8 =	vsub.f32 v25, v8;
	v21 =	vmul.f32 $1.442695020e+00, v21  }
0x378: {  	v13 =	vmul.f32 $-5.000000000e+03, v13;
	(erf) = vpow2.f32 v7;
	v25 =	vadd.s32 v1, v23;
	[tilespmem:v29+s13+$0x0] =	vst.idx.add.f32.msk $0xffff, v14  }
0x379: {  	v7 =	vadd.s32 v2, v23;
	[tilespmem:v30+s13+$0x0] =	vst.idx.add.f32.msk $0xffff, v18;
	v26 =	vadd.f32 $-3.225806360e-02, v8;
	(erf) = vpow2.f32 v21  }
0x37a: {  	v6 =	vmul.f32 $-5.000000000e+03, v6;
	v23 =	vadd.s32 v3, v23;
	v8 =	vmul.f32 v8, v8;
	v18 =	vld [tilespmem:s19+$0x4820];
	v29 =	vpop (erf)  }
0x37b: {  	v13 =	vmul.f32 $1.442695020e+00, v13;
	[tilespmem:v31+s13+$0x0] =	vst.idx.add.f32.msk $0xffff, v29;
	v26 =	vmul.f32 v26, v26  }
0x37c: {  	v29 =	vmul.f32 v29, v63;
	v31 =	vshll.u32 v10, $0x4;
	v10 =	vld [tilespmem:s20+$0xD800];
	v30 =	vpop (erf);
	v8 =	vmul.f32 $-5.000000000e+03, v8  }
0x37d: {  	[tilespmem:v25+s13+$0x0] =	vst.idx.add.f32.msk $0xffff, v30;
	v25 =	vmul.f32 $-5.000000000e+03, v26;
	v26 =	vmul.f32 v30, v63;
	v30 =	vor.u32 v0, v31  }
0x37e: {  	v14 =	vor.u32 v0, v22;
	[tilespmem:v7+s13+$0x0] =	vst.idx.add.f32.msk $0xffff, v29;
	v8 =	vmul.f32 $1.442695020e+00, v8;
	v29 =	vadd.s32 v1, v31  }
0x37f: {  	v21 =	vadd.s32 v1, v22;
	v7 =	vadd.s32 v2, v22;
	v25 =	vmul.f32 $1.442695020e+00, v25;
	[tilespmem:v23+s13+$0x0] =	vst.idx.add.f32.msk $0xffff, v26  }
0x380: {  	v43 =	vmul.f32 $3.100000000e+01, v18;
	(erf) = vpow2.f32 v8;
	v26 =	vadd.s32 v2, v31;
	v44 =	vld [tilespmem:s30+$0x4850]  }
0x381: {  	v23 =	vmul.f32 $1.442695020e+00, v6;
	v45 =	vpop (erf);
	v31 =	vadd.s32 v3, v31;
	v8 =	vld [tilespmem:s30+$0xD850];
	(erf) = vpow2.f32 v25  }
0x382: {  	v6 =	vadd.s32 v3, v22;
	v33 =	vtrunc.f32 v43;
	v35 =	vmul.f32 v45, v10;
	v22 =	vpop (erf);
	[tilespmem:v30+s13+$0x0] =	vst.idx.add.f32.msk $0xffff, v45  }
0x383: {  	v28 =	vshll.u32 v28, $0x4;
	v25 =	vmul.f32 v15, v15;
	v30 =	vcvt.f32.s32 v33;
	[tilespmem:v29+s13+$0x0] =	vst.idx.add.f32.msk $0xffff, v22  }
0x384: {  	v49 =	vor.u32 v0, v28;
	(erf) = vpow2.f32 v13;
	v29 =	vmul.f32 v22, v10;
	v22 =	vld [tilespmem:s31+$0xD830]  }
0x385: {  	v15 =	vadd.f32 v15, v27;
	v48 =	vcvt.s32.f32 v30;
	[tilespmem:v26+s13+$0x0] =	vst.idx.add.f32.msk $0xffff, v35;
	v27 =	vmul.f32 $3.100000000e+01, v44  }
0x386: {  	v50 =	vmul.f32 v63, v63;
	(erf) = vpow2.f32 v23;
	v26 =	vadd.s32 v1, v28;
	[tilespmem:v31+s13+$0x0] =	vst.idx.add.f32.msk $0xffff, v29  }
0x387: {  	v29 =	vadd.s32 v2, v28;
	v13 =	vmul.f32 $3.225806360e-02, v48;
	v51 =	vld [tilespmem:s20+$0x4810];
	v27 =	vtrunc.f32 v27  }
0x388: {  	v15 =	vadd.f32 v16, v15;
	v31 =	vmul.f32 v12, v12;
	v28 =	vadd.s32 v3, v28  }
0x389: {  	v53 =	vpop (erf);
	v13 =	vsub.f32 v18, v13;
	v18 =	vadd.f32 v25, v24;
	v24 =	vcvt.f32.s32 v27  }
0x38a: {  	v52 =	vmul.f32 v8, v8;
	[tilespmem:v49+s13+$0x0] =	vst.idx.add.f32.msk $0xffff, v53;
	v25 =	vmul.f32 v53, v22;
	v27 =	vpop (erf)  }
0x38b: {  	v23 =	vadd.f32 $-3.225806360e-02, v13;
	v16 =	vcvt.s32.f32 v24;
	v13 =	vmul.f32 v13, v13;
	[tilespmem:v26+s13+$0x0] =	vst.idx.add.f32.msk $0xffff, v27  }
0x38c: {  	v30 =	vshll.u32 v30, $0x4;
	v26 =	vmul.f32 v27, v22;
	[tilespmem:v29+s13+$0x0] =	vst.idx.add.f32.msk $0xffff, v25;
	v25 =	vmul.f32 $3.100000000e+01, v51  }
0x38d: {  	v11 =	vadd.f32 v11, v15;
	v23 =	vmul.f32 v23, v23;
	v13 =	vmul.f32 $-5.000000000e+03, v13  }
0x38e: {  	v54 =	vor.u32 v0, v30;
	v16 =	vmul.f32 $3.225806360e-02, v16;
	[tilespmem:v28+s13+$0x0] =	vst.idx.add.f32.msk $0xffff, v26;
	v26 =	vtrunc.f32 v25  }
0x38f: {  	s21 =	simm.s32 $0x280;
	v18 =	vadd.f32 v46, v18;
	v15 =	vld [tilespmem:s31+$0x4840];
	v23 =	vmul.f32 $-5.000000000e+03, v23;
	v26 =	vcvt.f32.s32 v26  }
0x390: {  	v57 =	vadd.s32 v1, v30;
	v27 =	vld [tilespmem:s21+$0x4800];
	v13 =	vmul.f32 $1.442695020e+00, v13;
	v16 =	vsub.f32 v44, v16  }
0x391: {  	v18 =	vadd.f32 v47, v18;
	v23 =	vmul.f32 $1.442695020e+00, v23;
	v28 =	vcvt.s32.f32 v26  }
0x392: {  	(erf) = vpow2.f32 v13;
	v13 =	vadd.f32 $-3.225806360e-02, v16;
	v55 =	vmul.f32 v16, v16  }
0x393: {  	v18 =	vadd.f32 v31, v18;
	(erf) = vpow2.f32 v23;
	v28 =	vmul.f32 $3.225806360e-02, v28  }
0x394: {  	v12 =	vadd.f32 v12, v11;
	v29 =	vmul.f32 v13, v13;
	v23 =	vmul.f32 $3.100000000e+01, v15  }
0x395: {  	v13 =	vadd.f32 v50, v18;
	v18 =	vmul.f32 $3.100000000e+01, v27;
	v28 =	vsub.f32 v51, v28  }
0x396: {  	v12 =	vadd.f32 v63, v12;
	v29 =	vmul.f32 $-5.000000000e+03, v29;
	v23 =	vtrunc.f32 v23  }
0x397: {  	v31 =	vcvt.f32.s32 v23;
	v23 =	vtrunc.f32 v18;
	v18 =	vld [tilespmem:s19+$0xD820];
	v56 =	vadd.f32 $-3.225806360e-02, v28  }
0x398: {  	v41 =	vadd.f32 v8, v12;
	v59 =	vcvt.f32.s32 v23;
	v23 =	vmul.f32 v28, v28  }
0x399: {  	v25 =	vpop (erf);
	v28 =	vadd.s32 v2, v30;
	v58 =	vcvt.s32.f32 v31;
	v34 =	vmul.f32 v56, v56  }
0x39a: {  	v16 =	vpop (erf);
	v30 =	vadd.s32 v3, v30;
	v12 =	vcvt.s32.f32 v59;
	v23 =	vmul.f32 $-5.000000000e+03, v23  }
0x39b: {  	v44 =	vshll.u32 v26, $0x4;
	v60 =	vpop (erf);
	v36 =	vmul.f32 $3.225806360e-02, v58;
	v34 =	vmul.f32 $-5.000000000e+03, v34  }
0x39c: {  	v63 =	vadd.f32 v52, v13;
	[tilespmem:v54+s13+$0x0] =	vst.idx.add.f32.msk $0xffff, v60;
	v61 =	vmul.f32 v60, v18;
	v62 =	vpop (erf);
	v13 =	vmul.f32 $1.442695020e+00, v23  }
0x39d: {  	v46 =	vor.u32 v0, v44;
	v12 =	vmul.f32 $3.225806360e-02, v12;
	[tilespmem:v57+s13+$0x0] =	vst.idx.add.f32.msk $0xffff, v62;
	v23 =	vmul.f32 v62, v18  }
0x39e: {  	v24 =	vshll.u32 v24, $0x4;
	v48 =	vadd.s32 v1, v44;
	v15 =	vsub.f32 v15, v36;
	[tilespmem:v28+s13+$0x0] =	vst.idx.add.f32.msk $0xffff, v61  }
0x39f: {  	v26 =	vmul.f32 $1.442695020e+00, v29;
	v34 =	vmul.f32 $1.442695020e+00, v34;
	v27 =	vsub.f32 v27, v12;
	[tilespmem:v30+s13+$0x0] =	vst.idx.add.f32.msk $0xffff, v23  }
0x3a0: {  	(erf) = vpow2.f32 v13;
	v28 =	vadd.f32 $-3.225806360e-02, v15;
	v23 =	vmul.f32 v15, v15;
	v30 =	vld [tilespmem:s19+$0x4830]  }
0x3a1: {  	(erf) = vpow2.f32 v34;
	v29 =	vadd.f32 $-3.225806360e-02, v27;
	v27 =	vmul.f32 v27, v27  }
0x3a2: {  	v32 =	vadd.s32 v3, v44;
	v28 =	vmul.f32 v28, v28;
	v23 =	vmul.f32 $-5.000000000e+03, v23  }
0x3a3: {  	v51 =	vadd.s32 v2, v44;
	v50 =	vmul.f32 v29, v29;
	v27 =	vmul.f32 $-5.000000000e+03, v27  }
0x3a4: {  	v31 =	vshll.u32 v31, $0x4;
	v12 =	vmul.f32 $-5.000000000e+03, v28;
	v45 =	vmul.f32 $1.442695020e+00, v23  }
0x3a5: {  	v58 =	vadd.s32 v2, v31;
	v28 =	vmul.f32 $-5.000000000e+03, v55;
	v23 =	vld [tilespmem:s20+$0xD810];
	v49 =	vmul.f32 $3.100000000e+01, v30  }
0x3a6: {  	v57 =	vadd.s32 v1, v31;
	v47 =	vmul.f32 $1.442695020e+00, v12;
	(erf) = vpow2.f32 v45  }
0x3a7: {  	v13 =	vadd.s32 v1, v24;
	v27 =	vmul.f32 $1.442695020e+00, v27;
	v29 =	vtrunc.f32 v49  }
0x3a8: {  	v15 =	vor.u32 v0, v24;
	(erf) = vpow2.f32 v47;
	v37 =	vcvt.f32.s32 v29  }
0x3a9: {  	[tilespmem:v14+s13+$0x0] =	vst.idx.add.f32.msk $0xffff, v16;
	v55 =	vor.u32 v0, v31;
	v14 =	vpop (erf);
	v29 =	vmul.f32 $1.442695020e+00, v28;
	v28 =	vmul.f32 $-5.000000000e+03, v50  }
0x3aa: {  	v12 =	vadd.s32 v2, v24;
	v53 =	vmul.f32 v14, v23;
	v54 =	vcvt.s32.f32 v37  }
0x3ab: {  	[tilespmem:v46+s13+$0x0] =	vst.idx.add.f32.msk $0xffff, v14;
	v14 =	vadd.s32 v3, v24;
	(erf) = vpow2.f32 v27;
	v27 =	vmul.f32 v17, v17  }
0x3ac: {  	v56 =	vld [tilespmem:s31+$0xD840];
	v17 =	vadd.f32 v17, v41;
	v52 =	vpop (erf);
	v24 =	vmul.f32 $1.442695020e+00, v28;
	v28 =	vmul.f32 $3.225806360e-02, v54  }
0x3ad: {  	[tilespmem:v48+s13+$0x0] =	vst.idx.add.f32.msk $0xffff, v52;
	v33 =	vmul.f32 v52, v23;
	v27 =	vadd.f32 v27, v63  }
0x3ae: {  	v17 =	vadd.f32 v19, v17;
	[tilespmem:v51+s13+$0x0] =	vst.idx.add.f32.msk $0xffff, v53;
	(erf) = vpow2.f32 v24;
	v24 =	vsub.f32 v30, v28  }
0x3af: {  	[tilespmem:v32+s13+$0x0] =	vst.idx.add.f32.msk $0xffff, v33;
	v28 =	vadd.s32 v3, v31;
	v30 =	vpop (erf);
	v31 =	vshll.u32 v59, $0x4;
	v59 =	vmul.f32 v19, v19  }
0x3b0: {  	v60 =	vmul.f32 v20, v20;
	v17 =	vadd.f32 v20, v17;
	[tilespmem:v55+s13+$0x0] =	vst.idx.add.f32.msk $0xffff, v30;
	v62 =	vadd.f32 $-3.225806360e-02, v24  }
0x3b1: {  	v38 =	vld [tilespmem:s20+$0x4820];
	v30 =	vmul.f32 v30, v56;
	v61 =	vpop (erf);
	v24 =	vmul.f32 v24, v24;
	v19 =	vadd.f32 v59, v27  }
0x3b2: {  	[tilespmem:v57+s13+$0x0] =	vst.idx.add.f32.msk $0xffff, v61;
	v35 =	vmul.f32 v61, v56;
	v63 =	vmul.f32 v62, v62  }
0x3b3: {  	v20 =	vmul.f32 v22, v22;
	v24 =	vmul.f32 $-5.000000000e+03, v24;
	[tilespmem:v58+s13+$0x0] =	vst.idx.add.f32.msk $0xffff, v30  }
0x3b4: {  	v17 =	vadd.f32 v22, v17;
	v19 =	vadd.f32 v60, v19;
	[tilespmem:v28+s13+$0x0] =	vst.idx.add.f32.msk $0xffff, v35;
	v28 =	vmul.f32 $-5.000000000e+03, v63  }
0x3b5: {  	v11 =	vmul.f32 v25, v5;
	v39 =	vor.u32 v0, v31;
	v27 =	vmul.f32 $1.442695020e+00, v24;
	v24 =	vld [tilespmem:s31+$0xD850]  }
0x3b6: {  	[tilespmem:v21+s13+$0x0] =	vst.idx.add.f32.msk $0xffff, v25;
	v19 =	vadd.f32 v20, v19;
	v20 =	vmul.f32 v56, v56;
	v21 =	vmul.f32 $1.442695020e+00, v28  }
0x3b7: {  	v25 =	vld [tilespmem:s21+$0xD800];
	v22 =	vmovc v4;
	v40 =	vadd.s32 v1, v31;
	v41 =	vadd.s32 v2, v31;
	v30 =	vmul.f32 $3.100000000e+01, v38  }
0x3b8: {  	v42 =	vadd.s32 v3, v31;
	v32 =	vadd.f32 v56, v17;
	v43 =	vpop (erf);
	v17 =	vmov v23  }
0x3b9: {  	v44 =	vpop (erf);
	(erf) = vpow2.f32 v27;
	v28 =	vtrunc.f32 v30;
	v31 =	vadd.f32 v20, v19  }
0x3ba: {  	s23 =	simm.s32 $0xC00;
	s22 =	simm.s32 $0xE00;
	v35 =	vld [tilespmem:s31+$0x4850];
	(erf) = vpow2.f32 v21;
	v20 =	vmovc v18;
	v19 =	vmovc v10;
	v33 =	vmul.f32 v24, v24;
	v21 =	vmov v9  }
.LBB2_4:
0x3bb: {  	v30 =	vmov v18  }
0x3bc: {  	v34 =	vmovc v9;
	v9 =	vmovc v23;
	v36 =	vmov v4;
	v4 =	vmov v10;
	v10 =	vmov v25  }
0x3bd: {  	p0 =	sne.s32 s22, $0x11E00;
	v18 =	vmul.f32 v43, v25;
	v23 =	vcvt.f32.s32 v28;
	v27 =	vmov v25;
	[tilespmem:v39+s13+$0x0] =	vst.idx.add.f32.msk $0xffff, v43  }
0x3be: {  	v37 =	vshll.u32 v37, $0x4;
	v25 =	vadd.f32 v24, v32;
	v31 =	vadd.f32 v33, v31;
	[tilespmem:v40+s13+$0x0] =	vst.idx.add.f32.msk $0xffff, v44  }
0x3bf: {  	v32 =	vmul.f32 v44, v27;
	v39 =	vor.u32 v0, v37;
	v33 =	vcvt.s32.f32 v23;
	v28 =	vld [tilespmem:s19+$0xD830]  }
0x3c0: {  	v40 =	vmul.f32 $3.100000000e+01, v35;
	[tilespmem:v41+s13+$0x0] =	vst.idx.add.f32.msk $0xffff, v18;
	v18 =	vadd.s32 v1, v37;
	(erf) = vpow2.f32 v26  }
0x3c1: {  	v26 =	vmul.f32 $3.225806360e-02, v33;
	[tilespmem:v42+s13+$0x0] =	vst.idx.add.f32.msk $0xffff, v32;
	v32 =	vadd.s32 v2, v37;
	(erf) = vpow2.f32 v29  }
0x3c2: {  	v16 =	vmul.f32 v16, v5;
	v33 =	vadd.s32 v3, v37;
	v40 =	vtrunc.f32 v40;
	v29 =	vld [tilespmem:s21+$0x4810];
	v37 =	vpop (erf)  }
0x3c3: {  	v5 =	vmovc v8;
	v8 =	vmov v24;
	v26 =	vsub.f32 v38, v26;
	v38 =	vcvt.f32.s32 v40  }
0x3c4: {  	[tilespmem:v39+s13+$0x0] =	vst.idx.add.f32.msk $0xffff, v37;
	v24 =	vmul.f32 v37, v28;
	v37 =	vpop (erf)  }
0x3c5: {  	v39 =	vadd.f32 $-3.225806360e-02, v26;
	[tilespmem:v18+s13+$0x0] =	vst.idx.add.f32.msk $0xffff, v37;
	v18 =	vmul.f32 v37, v28;
	v37 =	vcvt.s32.f32 v38  }
0x3c6: {  	v26 =	vmul.f32 v26, v26;
	[tilespmem:v32+s13+$0x0] =	vst.idx.add.f32.msk $0xffff, v24;
	v24 =	vshll.u32 v38, $0x4  }
0x3c7: {  	v38 =	vmul.f32 v39, v39;
	v32 =	vmul.f32 $3.100000000e+01, v29;
	[tilespmem:v33+s13+$0x0] =	vst.idx.add.f32.msk $0xffff, v18;
	v18 =	vor.u32 v0, v24  }
0x3c8: {  	v26 =	vmul.f32 $-5.000000000e+03, v26;
	v37 =	vmul.f32 $3.225806360e-02, v37;
	v39 =	vadd.s32 v1, v24;
	v33 =	vld [tilespmem:s19+$0x4840]  }
0x3c9: {  	s24 =	sshra.s32 s23, $0x2;
	s23 =	smov.u32 s22;
	v40 =	vadd.s32 v2, v24;
	v38 =	vmul.f32 $-5.000000000e+03, v38;
	v32 =	vtrunc.f32 v32;
	v41 =	vpop (erf);
	[tilespmem:v7+s13+$0x0] =	vst.idx.add.f32.msk $0xffff, v16  }
0x3ca: {  	v44 =	vmul.f32 $1.442695020e+00, v26;
	v26 =	vsub.f32 v35, v37;
	v42 =	vld [tilespmem:s24+$0x4800];
	v32 =	vcvt.f32.s32 v32;
	v16 =	vpop (erf)  }
0x3cb: {  	v24 =	vadd.s32 v3, v24;
	v35 =	vmul.f32 $1.442695020e+00, v38;
	v37 =	vmul.f32 v41, v5;
	[tilespmem:v15+s13+$0x0] =	vst.idx.add.f32.msk $0xffff, v16  }
0x3cc: {  	v43 =	vadd.f32 $-3.225806360e-02, v26;
	v15 =	vmovc v18;
	v38 =	vcvt.s32.f32 v32;
	(erf) = vpow2.f32 v44;
	[tilespmem:v13+s13+$0x0] =	vst.idx.add.f32.msk $0xffff, v41;
	v13 =	vmovc v39  }
0x3cd: {  	v7 =	vmovc v12;
	v12 =	vmovc v40;
	(erf) = vpow2.f32 v35;
	v18 =	vmul.f32 $3.100000000e+01, v33;
	[tilespmem:v6+s13+$0x0] =	vst.idx.add.f32.msk $0xffff, v11;
	v6 =	vmov v14  }
0x3ce: {  	v14 =	vmovc v24;
	v11 =	vmov v37;
	v35 =	vmul.f32 $3.225806360e-02, v38;
	v38 =	vmul.f32 v43, v43  }
0x3cf: {  	v24 =	vmul.f32 $3.100000000e+01, v42;
	v18 =	vtrunc.f32 v18  }
0x3d0: {  	v23 =	vshll.u32 v23, $0x4;
	v29 =	vsub.f32 v29, v35;
	v35 =	vcvt.f32.s32 v18  }
0x3d1: {  	v26 =	vmul.f32 v26, v26;
	v37 =	vor.u32 v0, v23;
	v24 =	vtrunc.f32 v24;
	v18 =	vld [tilespmem:s20+$0xD820]  }
0x3d2: {  	v40 =	vadd.s32 v1, v23;
	v39 =	vadd.f32 $-3.225806360e-02, v29;
	v41 =	vcvt.s32.f32 v35  }
0x3d3: {  	v43 =	vadd.s32 v2, v23;
	v24 =	vcvt.f32.s32 v24;
	v29 =	vmul.f32 v29, v29  }
0x3d4: {  	v23 =	vadd.s32 v3, v23;
	v39 =	vmul.f32 v39, v39;
	v41 =	vmul.f32 $3.225806360e-02, v41  }
0x3d5: {  	v44 =	vcvt.s32.f32 v24;
	v29 =	vmul.f32 $-5.000000000e+03, v29;
	v45 =	vpop (erf)  }
0x3d6: {  	v39 =	vmul.f32 $-5.000000000e+03, v39;
	[tilespmem:v37+s13+$0x0] =	vst.idx.add.f32.msk $0xffff, v45;
	v37 =	vmul.f32 v45, v18;
	v45 =	vpop (erf);
	v33 =	vsub.f32 v33, v41  }
0x3d7: {  	v29 =	vmul.f32 $1.442695020e+00, v29;
	[tilespmem:v40+s13+$0x0] =	vst.idx.add.f32.msk $0xffff, v45;
	v40 =	vmul.f32 v45, v18  }
0x3d8: {  	v41 =	vmul.f32 $3.225806360e-02, v44;
	v39 =	vmul.f32 $1.442695020e+00, v39;
	[tilespmem:v43+s13+$0x0] =	vst.idx.add.f32.msk $0xffff, v37;
	v37 =	vadd.f32 $-3.225806360e-02, v33  }
0x3d9: {  	(erf) = vpow2.f32 v29;
	[tilespmem:v23+s13+$0x0] =	vst.idx.add.f32.msk $0xffff, v40;
	v23 =	vmul.f32 v33, v33  }
0x3da: {  	(erf) = vpow2.f32 v39;
	v33 =	vld [tilespmem:s20+$0x4830];
	v29 =	vmul.f32 v37, v37  }
0x3db: {  	v37 =	vmul.f32 $-5.000000000e+03, v38;
	v23 =	vmul.f32 $-5.000000000e+03, v23  }
0x3dc: {  	v38 =	vsub.f32 v42, v41;
	v39 =	vmul.f32 $-5.000000000e+03, v26;
	v29 =	vmul.f32 $-5.000000000e+03, v29  }
0x3dd: {  	v32 =	vshll.u32 v32, $0x4;
	v26 =	vmul.f32 $1.442695020e+00, v37;
	v40 =	vmul.f32 $1.442695020e+00, v23  }
0x3de: {  	v41 =	vor.u32 v0, v32;
	v37 =	vadd.f32 $-3.225806360e-02, v38;
	v29 =	vmul.f32 $1.442695020e+00, v29  }
0x3df: {  	v42 =	vadd.s32 v1, v32;
	v23 =	vld [tilespmem:s21+$0xD810];
	v45 =	vmul.f32 $3.100000000e+01, v33;
	(erf) = vpow2.f32 v40  }
0x3e0: {  	v38 =	vmul.f32 v38, v38;
	(erf) = vpow2.f32 v29  }
0x3e1: {  	v44 =	vadd.s32 v2, v32;
	v46 =	vmul.f32 v37, v37;
	v29 =	vtrunc.f32 v45  }
0x3e2: {  	v32 =	vadd.s32 v3, v32;
	v43 =	vpop (erf);
	v37 =	vcvt.f32.s32 v29;
	v29 =	vmul.f32 $1.442695020e+00, v39  }
0x3e3: {  	v35 =	vshll.u32 v35, $0x4;
	v38 =	vmul.f32 $-5.000000000e+03, v38;
	v39 =	vmul.f32 $-5.000000000e+03, v46;
	[tilespmem:v41+s13+$0x0] =	vst.idx.add.f32.msk $0xffff, v43;
	v40 =	vpop (erf)  }
0x3e4: {  	[tilespmem:v42+s13+$0x0] =	vst.idx.add.f32.msk $0xffff, v40;
	v41 =	vmul.f32 v43, v23;
	v42 =	vcvt.s32.f32 v37;
	v43 =	vor.u32 v0, v35  }
0x3e5: {  	v38 =	vmul.f32 $1.442695020e+00, v38;
	v46 =	vadd.s32 v1, v35;
	v40 =	vmul.f32 v40, v23;
	v45 =	vld [tilespmem:s19+$0xD840]  }
0x3e6: {  	v47 =	vmul.f32 $1.442695020e+00, v39;
	[tilespmem:v44+s13+$0x0] =	vst.idx.add.f32.msk $0xffff, v41;
	v41 =	vmul.f32 $3.225806360e-02, v42  }
0x3e7: {  	(erf) = vpow2.f32 v38;
	[tilespmem:v32+s13+$0x0] =	vst.idx.add.f32.msk $0xffff, v40;
	v32 =	vmul.f32 v36, v22;
	v36 =	vadd.s32 v2, v35  }
0x3e8: {  	v35 =	vadd.s32 v3, v35;
	(erf) = vpow2.f32 v47;
	v38 =	vld [tilespmem:s21+$0x4820];
	v33 =	vsub.f32 v33, v41;
	v39 =	vpop (erf)  }
0x3e9: {  	v30 =	vmul.f32 v30, v20;
	v42 =	vshll.u32 v24, $0x4;
	v24 =	vmul.f32 v34, v21;
	[tilespmem:v43+s13+$0x0] =	vst.idx.add.f32.msk $0xffff, v39;
	v34 =	vpop (erf)  }
0x3ea: {  	v40 =	vadd.f32 $-3.225806360e-02, v33;
	v33 =	vmul.f32 v33, v33;
	[tilespmem:v46+s13+$0x0] =	vst.idx.add.f32.msk $0xffff, v34;
	v41 =	vmul.f32 v39, v45  }
0x3eb: {  	v25 =	vadd.f32 v22, v25;
	v22 =	vmovc v19;
	v31 =	vadd.f32 v32, v31;
	v32 =	vmul.f32 v34, v45  }
0x3ec: {  	v39 =	vor.u32 v0, v42;
	v19 =	vmul.f32 $-5.000000000e+03, v33;
	v33 =	vmul.f32 v40, v40;
	[tilespmem:v36+s13+$0x0] =	vst.idx.add.f32.msk $0xffff, v41  }
0x3ed: {  	v31 =	vadd.f32 v24, v31;
	v36 =	vadd.f32 v21, v25;
	v34 =	vmul.f32 $3.100000000e+01, v38;
	[tilespmem:v35+s13+$0x0] =	vst.idx.add.f32.msk $0xffff, v32  }
0x3ee: {  	v40 =	vadd.s32 v1, v42;
	v21 =	vmovc v17;
	v17 =	vmovc v23;
	v19 =	vmul.f32 $1.442695020e+00, v19;
	v32 =	vmul.f32 $-5.000000000e+03, v33;
	v24 =	vld [tilespmem:s19+$0xD850]  }
.Ltmp1:
0x3ef: {  	v30 =	vadd.f32 v30, v31;
	v31 =	vmul.f32 v28, v28;
	v33 =	vadd.f32 v20, v36;
	v20 =	vmovc v18;
	v25 =	vld [tilespmem:s24+$0xD800];
	(pc) =	sbr.rel @p0 .LBB2_4-.Ltmp1, $4  }
0x3f0: {  	v41 =	vadd.s32 v2, v42;
	v43 =	vpop (erf);
	v32 =	vmul.f32 $1.442695020e+00, v32;
	(erf) = vpow2.f32 v19;
	v35 =	vld [tilespmem:s19+$0x4850];
	s19 =	smov.u32 s20;
	s20 =	smov.u32 s21;
	s21 =	smov.u32 s24  }
0x3f1: {  	v30 =	vadd.f32 v31, v30;
	v31 =	vmul.f32 v45, v45;
	v33 =	vadd.f32 v28, v33;
	v44 =	vpop (erf)  }
0x3f2: {  	v42 =	vadd.s32 v3, v42;
	v28 =	vtrunc.f32 v34;
	(erf) = vpow2.f32 v32;
	v19 =	vmovc v27  }
0x3f3: {  	s22 =	sadd.s32 $0x200, s22;
	v31 =	vadd.f32 v31, v30;
	v32 =	vadd.f32 v45, v33;
	v33 =	vmul.f32 v24, v24  }
0x3f4: {  	_ =	sdelay $0x3  }
0x3f5: {  	[tilespmem:v39+s13+$0x0] =	vst.idx.add.f32.msk $0xffff, v43  }
0x3f6: {  	v27 =	vcvt.f32.s32 v28;
	v56 =	vmul.f32 v43, v25;
	v30 =	vshll.u32 v37, $0x4;
	v34 =	vld [tilespmem:s19+$0xD830]  }
0x3f7: {  	v36 =	vmul.f32 v44, v25;
	[tilespmem:v40+s13+$0x0] =	vst.idx.add.f32.msk $0xffff, v44;
	v58 =	vor.u32 v0, v30  }
0x3f8: {  	v59 =	vadd.s32 v1, v30;
	v57 =	vcvt.s32.f32 v27;
	[tilespmem:v41+s13+$0x0] =	vst.idx.add.f32.msk $0xffff, v56  }
0x3f9: {  	v61 =	vadd.s32 v2, v30;
	[tilespmem:v42+s13+$0x0] =	vst.idx.add.f32.msk $0xffff, v36  }
0x3fa: {  	v60 =	vmul.f32 $3.225806360e-02, v57;
	v40 =	vld [tilespmem:s21+$0x4810]  }
0x3fb: {  	v30 =	vadd.s32 v3, v30;
	v62 =	vpop (erf)  }
0x3fc: {  	v36 =	vsub.f32 v38, v60;
	[tilespmem:v58+s13+$0x0] =	vst.idx.add.f32.msk $0xffff, v62;
	v38 =	vmul.f32 v62, v34;
	v63 =	vpop (erf)  }
0x3fd: {  	[tilespmem:v59+s13+$0x0] =	vst.idx.add.f32.msk $0xffff, v63  }
0x3fe: {  	s22 =	sshra.s32 s23, $0x2;
	v44 =	vadd.f32 $-3.225806360e-02, v36;
	v45 =	vmul.f32 v63, v34;
	[tilespmem:v61+s13+$0x0] =	vst.idx.add.f32.msk $0xffff, v38  }
0x3ff: {  	v36 =	vmul.f32 v36, v36;
	v46 =	vmul.f32 $3.100000000e+01, v40;
	v38 =	vld [tilespmem:s22+$0x4800]  }
0x400: {  	(erf) = vpow2.f32 v26;
	v47 =	vmul.f32 v44, v44;
	[tilespmem:v30+s13+$0x0] =	vst.idx.add.f32.msk $0xffff, v45  }
0x401: {  	v48 =	vmul.f32 $-5.000000000e+03, v36;
	v30 =	vld [tilespmem:s19+$0x4840];
	v49 =	vtrunc.f32 v46  }
0x402: {  	v50 =	vmul.f32 $-5.000000000e+03, v47;
	v37 =	vcvt.f32.s32 v49  }
0x403: {  	(erf) = vpow2.f32 v29;
	v26 =	vmul.f32 $1.442695020e+00, v48  }
0x404: {  	v51 =	vmul.f32 $1.442695020e+00, v50;
	v52 =	vcvt.s32.f32 v37  }
0x405: {  	(erf) = vpow2.f32 v26;
	v55 =	vmul.f32 $3.100000000e+01, v38  }
0x406: {  	(erf) = vpow2.f32 v51;
	v53 =	vmul.f32 $3.100000000e+01, v30  }
0x407: {  	v54 =	vmul.f32 $3.225806360e-02, v52;
	v56 =	vtrunc.f32 v55  }
0x408: {  	v41 =	vcvt.f32.s32 v56;
	v26 =	vtrunc.f32 v53  }
0x409: {  	v28 =	vsub.f32 v40, v54;
	v36 =	vcvt.f32.s32 v26  }
0x40a: {  	v60 =	vcvt.s32.f32 v41  }
0x40b: {  	v29 =	vld [tilespmem:s20+$0xD820];
	v57 =	vadd.f32 $-3.225806360e-02, v28;
	v58 =	vcvt.s32.f32 v36  }
0x40c: {  	v59 =	vmul.f32 v28, v28;
	v62 =	vmul.f32 $3.225806360e-02, v60  }
0x40d: {  	v27 =	vshll.u32 v27, $0x4;
	v26 =	vpop (erf);
	v39 =	vmul.f32 v57, v57;
	v40 =	vmul.f32 $3.225806360e-02, v58  }
0x40e: {  	v63 =	vadd.s32 v1, v27;
	v28 =	vpop (erf);
	v42 =	vmul.f32 $-5.000000000e+03, v59;
	v38 =	vsub.f32 v38, v62  }
0x40f: {  	v61 =	vor.u32 v0, v27;
	v45 =	vpop (erf);
	v39 =	vmul.f32 $-5.000000000e+03, v39;
	v30 =	vsub.f32 v30, v40  }
0x410: {  	v46 =	vmul.f32 v45, v29;
	v42 =	vmul.f32 $1.442695020e+00, v42;
	v47 =	vpop (erf);
	v52 =	vadd.f32 $-3.225806360e-02, v38  }
0x411: {  	v38 =	vmul.f32 v38, v38;
	v48 =	vmul.f32 v47, v29;
	v49 =	vadd.f32 $-3.225806360e-02, v30  }
0x412: {  	v50 =	vadd.s32 v2, v27;
	v39 =	vmul.f32 $1.442695020e+00, v39;
	v30 =	vmul.f32 v30, v30  }
0x413: {  	(erf) = vpow2.f32 v42;
	v51 =	vmul.f32 v49, v49  }
0x414: {  	v27 =	vadd.s32 v3, v27;
	(erf) = vpow2.f32 v39;
	v30 =	vmul.f32 $-5.000000000e+03, v30  }
0x415: {  	[tilespmem:v61+s13+$0x0] =	vst.idx.add.f32.msk $0xffff, v45;
	v42 =	vmul.f32 v52, v52;
	v39 =	vmul.f32 $-5.000000000e+03, v51  }
0x416: {  	[tilespmem:v63+s13+$0x0] =	vst.idx.add.f32.msk $0xffff, v47;
	v38 =	vmul.f32 $-5.000000000e+03, v38;
	v53 =	vmul.f32 $1.442695020e+00, v30  }
0x417: {  	v37 =	vshll.u32 v37, $0x4;
	[tilespmem:v50+s13+$0x0] =	vst.idx.add.f32.msk $0xffff, v46;
	v42 =	vmul.f32 $-5.000000000e+03, v42;
	v39 =	vmul.f32 $1.442695020e+00, v39  }
0x418: {  	v54 =	vor.u32 v0, v37;
	v38 =	vmul.f32 $1.442695020e+00, v38;
	v30 =	vld [tilespmem:s21+$0xD810];
	(erf) = vpow2.f32 v53  }
0x419: {  	v55 =	vadd.s32 v1, v37;
	[tilespmem:v27+s13+$0x0] =	vst.idx.add.f32.msk $0xffff, v48;
	v57 =	vmul.f32 $1.442695020e+00, v42;
	(erf) = vpow2.f32 v39  }
0x41a: {  	v56 =	vadd.s32 v2, v37;
	v43 =	vld [tilespmem:s20+$0x4830];
	(erf) = vpow2.f32 v38  }
0x41b: {  	v37 =	vadd.s32 v3, v37;
	(erf) = vpow2.f32 v57  }
0x41c: {  	v58 =	vmul.f32 $3.100000000e+01, v35;
	v27 =	vld [tilespmem:s22+$0xD800];
	v59 =	vpop (erf)  }
0x41d: {  	[tilespmem:v54+s13+$0x0] =	vst.idx.add.f32.msk $0xffff, v59;
	v38 =	vmul.f32 v59, v30;
	v61 =	vpop (erf)  }
0x41e: {  	v60 =	vtrunc.f32 v58;
	v63 =	vshll.u32 v41, $0x4;
	[tilespmem:v55+s13+$0x0] =	vst.idx.add.f32.msk $0xffff, v61;
	v62 =	vmul.f32 v61, v30  }
0x41f: {  	v53 =	vmul.f32 $3.100000000e+01, v43;
	v39 =	vcvt.f32.s32 v60;
	v54 =	vor.u32 v0, v63;
	[tilespmem:v56+s13+$0x0] =	vst.idx.add.f32.msk $0xffff, v38  }
0x420: {  	v55 =	vadd.s32 v1, v63;
	[tilespmem:v37+s13+$0x0] =	vst.idx.add.f32.msk $0xffff, v62  }
0x421: {  	v58 =	vadd.s32 v2, v63;
	v52 =	vcvt.s32.f32 v39;
	v57 =	vtrunc.f32 v53;
	v42 =	vld [tilespmem:s21+$0x4820];
	v45 =	vpop (erf)  }
0x422: {  	v47 =	vcvt.f32.s32 v57;
	v38 =	vadd.s32 v3, v63;
	v48 =	vpop (erf)  }
0x423: {  	v56 =	vmul.f32 $3.225806360e-02, v52;
	v60 =	vpop (erf)  }
0x424: {  	v41 =	vcvt.s32.f32 v47;
	v61 =	vpop (erf);
	[tilespmem:v54+s13+$0x0] =	vst.idx.add.f32.msk $0xffff, v60;
	v40 =	vmul.f32 v60, v27  }
0x425: {  	v59 =	vsub.f32 v35, v56;
	[tilespmem:v55+s13+$0x0] =	vst.idx.add.f32.msk $0xffff, v61;
	v63 =	vmul.f32 v61, v27  }
0x426: {  	v41 =	vmul.f32 $3.225806360e-02, v41;
	v52 =	vmul.f32 $3.100000000e+01, v42;
	[tilespmem:v58+s13+$0x0] =	vst.idx.add.f32.msk $0xffff, v40  }
0x427: {  	v35 =	vmul.f32 v59, v59;
	[tilespmem:v38+s13+$0x0] =	vst.idx.add.f32.msk $0xffff, v63  }
0x428: {  	v62 =	vadd.f32 $-3.225806360e-02, v59;
	v54 =	vsub.f32 v43, v41;
	v55 =	vtrunc.f32 v52;
	v43 =	vld [tilespmem:s22+$0x4810]  }
0x429: {  	v35 =	vmul.f32 $-5.000000000e+03, v35;
	v38 =	vcvt.f32.s32 v55  }
0x42a: {  	v53 =	vmul.f32 v62, v62;
	v56 =	vadd.f32 $-3.225806360e-02, v54;
	v37 =	vmul.f32 v54, v54  }
0x42b: {  	v35 =	vmul.f32 $1.442695020e+00, v35;
	v57 =	vcvt.s32.f32 v38  }
0x42c: {  	v37 =	vmul.f32 $-5.000000000e+03, v37;
	v44 =	vmul.f32 v56, v56  }
0x42d: {  	v46 =	vmul.f32 $3.225806360e-02, v57;
	v58 =	vmul.f32 $3.100000000e+01, v43  }
0x42e: {  	v36 =	vshll.u32 v36, $0x4;
	v40 =	vmul.f32 $-5.000000000e+03, v53;
	v37 =	vmul.f32 $1.442695020e+00, v37  }
0x42f: {  	v44 =	vmul.f32 $-5.000000000e+03, v44;
	v42 =	vsub.f32 v42, v46;
	v59 =	vtrunc.f32 v58  }
0x430: {  	v41 =	vld [tilespmem:s19+$0xD840];
	v60 =	vor.u32 v0, v36;
	v40 =	vmul.f32 $1.442695020e+00, v40;
	v46 =	vcvt.f32.s32 v59  }
0x431: {  	v44 =	vmul.f32 $1.442695020e+00, v44;
	(erf) = vpow2.f32 v37;
	v61 =	vadd.f32 $-3.225806360e-02, v42  }
0x432: {  	v51 =	vadd.s32 v1, v36;
	v42 =	vmul.f32 v42, v42;
	v52 =	vcvt.s32.f32 v46  }
0x433: {  	v47 =	vshll.u32 v47, $0x4;
	(erf) = vpow2.f32 v44;
	v37 =	vmul.f32 v61, v61  }
0x434: {  	v53 =	vadd.s32 v2, v36;
	v42 =	vmul.f32 $-5.000000000e+03, v42;
	v62 =	vmul.f32 $3.225806360e-02, v52  }
0x435: {  	v36 =	vadd.s32 v3, v36;
	v50 =	vmul.f32 v45, v41;
	(erf) = vpow2.f32 v40  }
0x436: {  	[tilespmem:v60+s13+$0x0] =	vst.idx.add.f32.msk $0xffff, v45;
	v37 =	vmul.f32 $-5.000000000e+03, v37;
	v42 =	vmul.f32 $1.442695020e+00, v42;
	v43 =	vsub.f32 v43, v62  }
0x437: {  	v63 =	vmul.f32 v48, v41;
	[tilespmem:v51+s13+$0x0] =	vst.idx.add.f32.msk $0xffff, v48;
	v51 =	vor.u32 v0, v47;
	(erf) = vpow2.f32 v35  }
0x438: {  	v40 =	vld [tilespmem:s20+$0xD830];
	v54 =	vmul.f32 $1.442695020e+00, v37;
	(erf) = vpow2.f32 v42;
	v56 =	vadd.f32 $-3.225806360e-02, v43  }
0x439: {  	v55 =	vadd.s32 v1, v47;
	[tilespmem:v53+s13+$0x0] =	vst.idx.add.f32.msk $0xffff, v50;
	v57 =	vmul.f32 v43, v43  }
0x43a: {  	[tilespmem:v36+s13+$0x0] =	vst.idx.add.f32.msk $0xffff, v63;
	v58 =	vadd.s32 v2, v47;
	(erf) = vpow2.f32 v54;
	v42 =	vmul.f32 v56, v56  }
0x43b: {  	v45 =	vld [tilespmem:s19+$0x4850];
	v59 =	vadd.s32 v3, v47;
	v60 =	vpop (erf);
	v35 =	vmul.f32 $-5.000000000e+03, v57  }
0x43c: {  	[tilespmem:v51+s13+$0x0] =	vst.idx.add.f32.msk $0xffff, v60;
	v62 =	vshll.u32 v38, $0x4;
	v42 =	vmul.f32 $-5.000000000e+03, v42  }
0x43d: {  	v47 =	vmul.f32 v60, v40;
	v38 =	vld [tilespmem:s21+$0xD820];
	v61 =	vpop (erf);
	v63 =	vor.u32 v0, v62;
	v35 =	vmul.f32 $1.442695020e+00, v35  }
0x43e: {  	[tilespmem:v55+s13+$0x0] =	vst.idx.add.f32.msk $0xffff, v61;
	v52 =	vmul.f32 v61, v40;
	v42 =	vmul.f32 $1.442695020e+00, v42  }
0x43f: {  	v53 =	vadd.s32 v1, v62;
	v36 =	vpop (erf);
	[tilespmem:v58+s13+$0x0] =	vst.idx.add.f32.msk $0xffff, v47;
	(erf) = vpow2.f32 v35  }
0x440: {  	v54 =	vadd.s32 v2, v62;
	v37 =	vpop (erf);
	[tilespmem:v59+s13+$0x0] =	vst.idx.add.f32.msk $0xffff, v52;
	(erf) = vpow2.f32 v42  }
0x441: {  	v55 =	vadd.s32 v3, v62;
	v58 =	vpop (erf);
	v35 =	vld [tilespmem:s22+$0xD810]  }
0x442: {  	[tilespmem:v63+s13+$0x0] =	vst.idx.add.f32.msk $0xffff, v58  }
0x443: {  	v61 =	vshll.u32 v46, $0x4;
	v60 =	vmul.f32 v58, v38;
	v42 =	vld [tilespmem:s20+$0x4840];
	v59 =	vpop (erf)  }
0x444: {  	v63 =	vor.u32 v0, v61;
	[tilespmem:v53+s13+$0x0] =	vst.idx.add.f32.msk $0xffff, v59;
	v48 =	vmul.f32 v59, v38  }
0x445: {  	v62 =	vmul.f32 $3.100000000e+01, v45;
	v56 =	vadd.s32 v1, v61;
	[tilespmem:v54+s13+$0x0] =	vst.idx.add.f32.msk $0xffff, v60  }
0x446: {  	v58 =	vadd.s32 v2, v61;
	[tilespmem:v55+s13+$0x0] =	vst.idx.add.f32.msk $0xffff, v48  }
0x447: {  	v44 =	vadd.s32 v3, v61;
	v57 =	vtrunc.f32 v62;
	v47 =	vld [tilespmem:s21+$0x4830]  }
0x448: {  	v43 =	vcvt.f32.s32 v57;
	v60 =	vpop (erf)  }
0x449: {  	v59 =	vmul.f32 $3.100000000e+01, v42;
	[tilespmem:v63+s13+$0x0] =	vst.idx.add.f32.msk $0xffff, v60;
	v51 =	vmul.f32 v60, v35;
	v62 =	vpop (erf)  }
0x44a: {  	[tilespmem:v56+s13+$0x0] =	vst.idx.add.f32.msk $0xffff, v62;
	v63 =	vmul.f32 v62, v35  }
0x44b: {  	v61 =	vcvt.s32.f32 v43;
	v48 =	vtrunc.f32 v59;
	[tilespmem:v58+s13+$0x0] =	vst.idx.add.f32.msk $0xffff, v51  }
0x44c: {  	v48 =	vcvt.f32.s32 v48;
	v54 =	vmul.f32 $3.100000000e+01, v47;
	[tilespmem:v44+s13+$0x0] =	vst.idx.add.f32.msk $0xffff, v63  }
0x44d: {  	v53 =	vmul.f32 $3.225806360e-02, v61;
	v49 =	vld [tilespmem:s22+$0x4820]  }
0x44e: {  	v55 =	vcvt.s32.f32 v48;
	v56 =	vtrunc.f32 v54  }
0x44f: {  	v45 =	vsub.f32 v45, v53;
	v46 =	vcvt.f32.s32 v56  }
0x450: {  	v44 =	vmul.f32 $3.225806360e-02, v55  }
0x451: {  	v57 =	vadd.f32 $-3.225806360e-02, v45;
	v58 =	vcvt.s32.f32 v46  }
0x452: {  	v45 =	vmul.f32 v45, v45;
	v42 =	vsub.f32 v42, v44;
	v59 =	vmul.f32 $3.100000000e+01, v49  }
0x453: {  	v50 =	vmul.f32 v57, v57;
	v44 =	vmul.f32 $3.225806360e-02, v58  }
0x454: {  	v45 =	vmul.f32 $-5.000000000e+03, v45;
	v60 =	vadd.f32 $-3.225806360e-02, v42;
	v51 =	vtrunc.f32 v59  }
0x455: {  	v50 =	vmul.f32 $-5.000000000e+03, v50;
	v44 =	vsub.f32 v47, v44;
	v47 =	vcvt.f32.s32 v51  }
0x456: {  	v42 =	vmul.f32 v42, v42;
	v52 =	vmul.f32 v60, v60  }
0x457: {  	v58 =	vmul.f32 $1.442695020e+00, v50;
	v63 =	vcvt.s32.f32 v47  }
0x458: {  	v42 =	vmul.f32 $-5.000000000e+03, v42;
	v61 =	vmul.f32 $-5.000000000e+03, v52;
	v62 =	vadd.f32 $-3.225806360e-02, v44  }
0x459: {  	v44 =	vmul.f32 v44, v44;
	v53 =	vmul.f32 $3.225806360e-02, v63  }
0x45a: {  	v42 =	vmul.f32 $1.442695020e+00, v42;
	v52 =	vmul.f32 v62, v62  }
0x45b: {  	v44 =	vmul.f32 $-5.000000000e+03, v44;
	v51 =	vmul.f32 $1.442695020e+00, v61;
	v49 =	vsub.f32 v49, v53  }
0x45c: {  	(erf) = vpow2.f32 v42;
	v52 =	vmul.f32 $-5.000000000e+03, v52  }
0x45d: {  	v54 =	vmul.f32 $1.442695020e+00, v44;
	(erf) = vpow2.f32 v51;
	v56 =	vadd.f32 $-3.225806360e-02, v49  }
0x45e: {  	v55 =	vmul.f32 $1.442695020e+00, v52;
	v57 =	vmul.f32 v49, v49  }
0x45f: {  	(erf) = vpow2.f32 v54;
	v59 =	vmul.f32 v56, v56  }
0x460: {  	(erf) = vpow2.f32 v55;
	v42 =	vmul.f32 $-5.000000000e+03, v57  }
0x461: {  	v60 =	vmul.f32 $1.442695020e+00, v45;
	v61 =	vmul.f32 $-5.000000000e+03, v59  }
0x462: {  	(erf) = vpow2.f32 v58;
	v42 =	vmul.f32 $1.442695020e+00, v42  }
0x463: {  	v46 =	vshll.u32 v46, $0x4;
	(erf) = vpow2.f32 v60;
	v45 =	vmul.f32 $1.442695020e+00, v61  }
0x464: {  	v62 =	vor.u32 v0, v46;
	v44 =	vld [tilespmem:s21+$0xD830];
	(erf) = vpow2.f32 v42  }
0x465: {  	v63 =	vadd.s32 v1, v46;
	v50 =	vpop (erf);
	(erf) = vpow2.f32 v45  }
0x466: {  	v57 =	vadd.s32 v2, v46  }
0x467: {  	v46 =	vadd.s32 v3, v46;
	v52 =	vpop (erf)  }
0x468: {  	v47 =	vshll.u32 v47, $0x4;
	v58 =	vpop (erf);
	v42 =	vld [tilespmem:s22+$0xD820]  }
0x469: {  	v54 =	vor.u32 v0, v47;
	[tilespmem:v62+s13+$0x0] =	vst.idx.add.f32.msk $0xffff, v58;
	v60 =	vmul.f32 v58, v44;
	v59 =	vpop (erf)  }
0x46a: {  	v61 =	vadd.s32 v1, v47;
	[tilespmem:v63+s13+$0x0] =	vst.idx.add.f32.msk $0xffff, v59;
	v49 =	vmul.f32 v59, v44  }
0x46b: {  	v62 =	vadd.s32 v2, v47;
	[tilespmem:v57+s13+$0x0] =	vst.idx.add.f32.msk $0xffff, v60;
	v45 =	vpop (erf)  }
0x46c: {  	v47 =	vadd.s32 v3, v47;
	[tilespmem:v46+s13+$0x0] =	vst.idx.add.f32.msk $0xffff, v49;
	v46 =	vpop (erf)  }
0x46d: {  	v49 =	vld [tilespmem:s21+$0x4840];
	v55 =	vpop (erf)  }
0x46e: {  	[tilespmem:v54+s13+$0x0] =	vst.idx.add.f32.msk $0xffff, v55;
	v63 =	vmul.f32 v55, v42;
	v57 =	vpop (erf)  }
0x46f: {  	[tilespmem:v61+s13+$0x0] =	vst.idx.add.f32.msk $0xffff, v57;
	v58 =	vmul.f32 v57, v42  }
0x470: {  	[tilespmem:v62+s13+$0x0] =	vst.idx.add.f32.msk $0xffff, v63  }
0x471: {  	[tilespmem:v47+s13+$0x0] =	vst.idx.add.f32.msk $0xffff, v58  }
0x472: {  	v47 =	vld [tilespmem:s22+$0x4830];
	_ =	sdelay $0x2  }
0x473: {  	v59 =	vmul.f32 $3.100000000e+01, v49;
	_ =	sdelay $0x1  }
0x474: {  	v51 =	vtrunc.f32 v59;
	v60 =	vmul.f32 $3.100000000e+01, v47  }
0x475: {  	v51 =	vcvt.f32.s32 v51  }
0x476: {  	v53 =	vtrunc.f32 v60  }
0x477: {  	v61 =	vcvt.s32.f32 v51;
	v53 =	vcvt.f32.s32 v53;
	_ =	sdelay $0x1  }
0x478: {  	v54 =	vmul.f32 $3.225806360e-02, v61;
	v62 =	vcvt.s32.f32 v53;
	_ =	sdelay $0x1  }
0x479: {  	v49 =	vsub.f32 v49, v54;
	v63 =	vmul.f32 $3.225806360e-02, v62;
	_ =	sdelay $0x1  }
0x47a: {  	v57 =	vadd.f32 $-3.225806360e-02, v49;
	v47 =	vsub.f32 v47, v63  }
0x47b: {  	v49 =	vmul.f32 v49, v49  }
0x47c: {  	v58 =	vmul.f32 v57, v57;
	v59 =	vadd.f32 $-3.225806360e-02, v47  }
0x47d: {  	v49 =	vmul.f32 $-5.000000000e+03, v49;
	v47 =	vmul.f32 v47, v47  }
0x47e: {  	v54 =	vmul.f32 $-5.000000000e+03, v58;
	v55 =	vmul.f32 v59, v59  }
0x47f: {  	v49 =	vmul.f32 $1.442695020e+00, v49;
	v47 =	vmul.f32 $-5.000000000e+03, v47  }
0x480: {  	v56 =	vshll.u32 v48, $0x4;
	v54 =	vmul.f32 $1.442695020e+00, v54;
	v55 =	vmul.f32 $-5.000000000e+03, v55  }
0x481: {  	v48 =	vld [tilespmem:s20+$0xD840];
	v60 =	vor.u32 v0, v56;
	(erf) = vpow2.f32 v49;
	v47 =	vmul.f32 $1.442695020e+00, v47  }
0x482: {  	v62 =	vadd.s32 v1, v56;
	(erf) = vpow2.f32 v54;
	v61 =	vmul.f32 $1.442695020e+00, v55  }
0x483: {  	(erf) = vpow2.f32 v47  }
0x484: {  	(erf) = vpow2.f32 v61  }
0x485: {  	v63 =	vadd.s32 v2, v56  }
0x486: {  	[tilespmem:v60+s13+$0x0] =	vst.idx.add.f32.msk $0xffff, v50;
	v50 =	vmul.f32 v50, v48;
	v56 =	vadd.s32 v3, v56  }
0x487: {  	[tilespmem:v62+s13+$0x0] =	vst.idx.add.f32.msk $0xffff, v52;
	v52 =	vmul.f32 v52, v48;
	v59 =	vshll.u32 v53, $0x4  }
0x488: {  	v53 =	vor.u32 v0, v59;
	v47 =	vld [tilespmem:s22+$0xD830]  }
0x489: {  	v60 =	vadd.s32 v1, v59  }
0x48a: {  	[tilespmem:v63+s13+$0x0] =	vst.idx.add.f32.msk $0xffff, v50;
	v50 =	vpop (erf);
	v61 =	vadd.s32 v2, v59  }
0x48b: {  	v49 =	vadd.s32 v3, v59;
	[tilespmem:v56+s13+$0x0] =	vst.idx.add.f32.msk $0xffff, v52;
	v52 =	vpop (erf)  }
0x48c: {  	v56 =	vld [tilespmem:s20+$0x4850];
	v57 =	vpop (erf)  }
0x48d: {  	[tilespmem:v53+s13+$0x0] =	vst.idx.add.f32.msk $0xffff, v57;
	v62 =	vmul.f32 v57, v47;
	v63 =	vpop (erf)  }
0x48e: {  	[tilespmem:v60+s13+$0x0] =	vst.idx.add.f32.msk $0xffff, v63;
	v58 =	vmul.f32 v63, v47  }
0x48f: {  	[tilespmem:v61+s13+$0x0] =	vst.idx.add.f32.msk $0xffff, v62  }
0x490: {  	[tilespmem:v49+s13+$0x0] =	vst.idx.add.f32.msk $0xffff, v58  }
0x491: {  	v49 =	vld [tilespmem:s22+$0x4840];
	_ =	sdelay $0x1  }
0x492: {  	v59 =	vmul.f32 $3.100000000e+01, v56;
	_ =	sdelay $0x1  }
0x493: {  	v53 =	vtrunc.f32 v59  }
0x494: {  	v53 =	vcvt.f32.s32 v53;
	v60 =	vmul.f32 $3.100000000e+01, v49;
	_ =	sdelay $0x1  }
0x495: {  	v61 =	vcvt.s32.f32 v53;
	v54 =	vtrunc.f32 v60  }
0x496: {  	v54 =	vcvt.f32.s32 v54  }
0x497: {  	v55 =	vmul.f32 $3.225806360e-02, v61  }
0x498: {  	v62 =	vcvt.s32.f32 v54  }
0x499: {  	v4 =	vmul.f32 v4, v22;
	v31 =	vadd.f32 v33, v31;
	v63 =	vsub.f32 v56, v55  }
0x49a: {  	v9 =	vmul.f32 v9, v21;
	v32 =	vadd.f32 v24, v32;
	v56 =	vmul.f32 $3.225806360e-02, v62  }
0x49b: {  	v18 =	vmul.f32 v18, v20;
	v4 =	vadd.f32 v4, v31;
	v57 =	vadd.f32 $-3.225806360e-02, v63  }
0x49c: {  	v16 =	vmul.f32 v16, v5;
	v55 =	vadd.f32 v22, v32;
	v32 =	vsub.f32 v49, v56  }
0x49d: {  	v10 =	vmul.f32 v10, v19;
	v4 =	vadd.f32 v9, v4;
	v59 =	vmul.f32 v57, v57  }
0x49e: {  	v22 =	vmul.f32 v34, v34;
	v60 =	vmul.f32 v63, v63;
	v61 =	vadd.f32 $-3.225806360e-02, v32  }
0x49f: {  	v4 =	vadd.f32 v18, v4;
	v9 =	vmul.f32 $-5.000000000e+03, v59;
	v63 =	vmul.f32 v32, v32  }
0x4a0: {  	v58 =	vadd.f32 v21, v55;
	v49 =	vmul.f32 $-5.000000000e+03, v60;
	v55 =	vmul.f32 v61, v61  }
0x4a1: {  	v4 =	vadd.f32 v22, v4;
	v56 =	vmul.f32 $1.442695020e+00, v9;
	v21 =	vmul.f32 $-5.000000000e+03, v63  }
0x4a2: {  	v62 =	vadd.f32 v20, v58;
	v9 =	vld [tilespmem:s19+$0xD850];
	v18 =	vmul.f32 $1.442695020e+00, v49;
	v31 =	vmul.f32 $-5.000000000e+03, v55  }
0x4a3: {  	v57 =	vshll.u32 v51, $0x4;
	(erf) = vpow2.f32 v56;
	v21 =	vmul.f32 $1.442695020e+00, v21  }
0x4a4: {  	[tilespmem:v7+s13+$0x0] =	vst.idx.add.f32.msk $0xffff, v16;
	v20 =	vadd.f32 v34, v62;
	(erf) = vpow2.f32 v18;
	v59 =	vmul.f32 $1.442695020e+00, v31  }
0x4a5: {  	v58 =	vor.u32 v0, v57;
	v60 =	vmul.f32 v41, v41;
	v31 =	vld [tilespmem:s21+$0xD840];
	(erf) = vpow2.f32 v21  }
0x4a6: {  	[tilespmem:v15+s13+$0x0] =	vst.idx.add.f32.msk $0xffff, v28;
	v20 =	vadd.f32 v41, v20;
	v61 =	vadd.s32 v1, v57;
	(erf) = vpow2.f32 v59  }
0x4a7: {  	v4 =	vadd.f32 v60, v4;
	v63 =	vadd.s32 v2, v57;
	v62 =	vmul.f32 v9, v9  }
0x4a8: {  	v23 =	vmul.f32 v23, v17;
	v5 =	vld [tilespmem:s20+$0xD850];
	v34 =	vadd.s32 v3, v57;
	v20 =	vadd.f32 v9, v20  }
0x4a9: {  	v16 =	vmul.f32 v37, v24;
	v54 =	vshll.u32 v54, $0x4;
	v18 =	vadd.f32 v62, v4;
	v4 =	vld [tilespmem:s22+$0xD840]  }
0x4aa: {  	v56 =	vor.u32 v0, v54;
	[tilespmem:v58+s13+$0x0] =	vst.idx.add.f32.msk $0xffff, v50;
	v55 =	vmul.f32 v50, v31  }
0x4ab: {  	v58 =	vadd.s32 v1, v54;
	[tilespmem:v61+s13+$0x0] =	vst.idx.add.f32.msk $0xffff, v52;
	v57 =	vmul.f32 v52, v31  }
0x4ac: {  	v60 =	vadd.s32 v2, v54;
	v59 =	vadd.f32 v19, v20;
	v20 =	vpop (erf);
	[tilespmem:v63+s13+$0x0] =	vst.idx.add.f32.msk $0xffff, v55  }
0x4ad: {  	v51 =	vmul.f32 v30, v30;
	v33 =	vadd.s32 v3, v54;
	v32 =	vshll.u32 v39, $0x4;
	v21 =	vpop (erf);
	[tilespmem:v34+s13+$0x0] =	vst.idx.add.f32.msk $0xffff, v57  }
0x4ae: {  	v39 =	vor.u32 v0, v32;
	v41 =	vadd.s32 v1, v32;
	v10 =	vadd.f32 v10, v18;
	v18 =	vld [tilespmem:s21+$0x4850];
	v62 =	vpop (erf)  }
0x4af: {  	v54 =	vmul.f32 v29, v29;
	[tilespmem:v56+s13+$0x0] =	vst.idx.add.f32.msk $0xffff, v62;
	v19 =	vmul.f32 v62, v4;
	v63 =	vpop (erf)  }
0x4b0: {  	v10 =	vadd.f32 v23, v10;
	[tilespmem:v58+s13+$0x0] =	vst.idx.add.f32.msk $0xffff, v63;
	v49 =	vmul.f32 v63, v4  }
0x4b1: {  	v61 =	vadd.f32 v17, v59;
	v59 =	vmul.f32 v5, v5;
	[tilespmem:v60+s13+$0x0] =	vst.idx.add.f32.msk $0xffff, v19  }
0x4b2: {  	v50 =	vmul.f32 v26, v8;
	v8 =	vmul.f32 v28, v8;
	v52 =	vshll.u32 v43, $0x4;
	[tilespmem:v33+s13+$0x0] =	vst.idx.add.f32.msk $0xffff, v49  }
0x4b3: {  	v10 =	vadd.f32 v54, v10;
	v43 =	vmul.f32 v36, v24;
	v17 =	vadd.f32 v29, v61;
	v29 =	vld [tilespmem:s22+$0x4850]  }
0x4b4: {  	[tilespmem:v13+s13+$0x0] =	vst.idx.add.f32.msk $0xffff, v26;
	v28 =	vshll.u32 v53, $0x4;
	v23 =	vor.u32 v0, v52;
	v56 =	vmul.f32 $3.100000000e+01, v18  }
0x4b5: {  	v13 =	vadd.s32 v3, v28;
	v55 =	vmul.f32 v40, v40;
	v34 =	vadd.s32 v2, v32  }
0x4b6: {  	[tilespmem:v12+s13+$0x0] =	vst.idx.add.f32.msk $0xffff, v8;
	v32 =	vadd.s32 v3, v32;
	v57 =	vmul.f32 v48, v48;
	v58 =	vtrunc.f32 v56  }
0x4b7: {  	v17 =	vadd.f32 v40, v17;
	[tilespmem:v14+s13+$0x0] =	vst.idx.add.f32.msk $0xffff, v50;
	v50 =	vmul.f32 v21, v5;
	v40 =	vcvt.f32.s32 v58  }
0x4b8: {  	v10 =	vadd.f32 v55, v10;
	v55 =	vadd.s32 v1, v28;
	v60 =	vmul.f32 $3.100000000e+01, v29  }
0x4b9: {  	v17 =	vadd.f32 v48, v17;
	v48 =	vor.u32 v0, v28;
	v62 =	vcvt.s32.f32 v40  }
0x4ba: {  	v10 =	vadd.f32 v57, v10;
	v63 =	vmul.f32 v25, v25;
	v24 =	vtrunc.f32 v60  }
0x4bb: {  	v61 =	vadd.f32 v5, v17;
	v17 =	vmul.f32 $3.225806360e-02, v62;
	v22 =	vcvt.f32.s32 v24  }
0x4bc: {  	v5 =	vmul.f32 v20, v5;
	v19 =	vadd.s32 v3, v52;
	v10 =	vadd.f32 v59, v10  }
0x4bd: {  	[tilespmem:v23+s13+$0x0] =	vst.idx.add.f32.msk $0xffff, v46;
	v59 =	vmul.f32 v45, v9;
	v53 =	vsub.f32 v18, v17;
	v54 =	vcvt.s32.f32 v22  }
0x4be: {  	v9 =	vmul.f32 v46, v9;
	v46 =	vmul.f32 v35, v35;
	v33 =	vadd.s32 v1, v52  }
0x4bf: {  	[tilespmem:v6+s13+$0x0] =	vst.idx.add.f32.msk $0xffff, v11;
	v49 =	vadd.s32 v2, v52;
	v57 =	vadd.f32 $-3.225806360e-02, v53;
	v11 =	vmul.f32 $3.225806360e-02, v54  }
0x4c0: {  	v7 =	vadd.f32 v25, v61;
	v61 =	vmul.f32 v31, v31;
	v52 =	vadd.f32 v63, v10  }
0x4c1: {  	v56 =	vadd.s32 v2, v28;
	v25 =	vmul.f32 v57, v57;
	v11 =	vsub.f32 v29, v11  }
0x4c2: {  	v7 =	vadd.f32 v30, v7;
	v6 =	vadd.f32 v51, v52;
	v10 =	vmul.f32 v53, v53  }
0x4c3: {  	v58 =	vmul.f32 v38, v38;
	v62 =	vmul.f32 $-5.000000000e+03, v25;
	v63 =	vadd.f32 $-3.225806360e-02, v11  }
0x4c4: {  	[tilespmem:v39+s13+$0x0] =	vst.idx.add.f32.msk $0xffff, v37;
	v7 =	vadd.f32 v38, v7;
	v60 =	vmul.f32 v44, v44;
	v10 =	vmul.f32 $-5.000000000e+03, v10  }
0x4c5: {  	[tilespmem:v41+s13+$0x0] =	vst.idx.add.f32.msk $0xffff, v36;
	v6 =	vadd.f32 v58, v6;
	v12 =	vmul.f32 $1.442695020e+00, v62;
	v25 =	vmul.f32 v63, v63  }
0x4c6: {  	v40 =	vshll.u32 v40, $0x4;
	v18 =	vld [tilespmem:s21+$0xD850];
	v10 =	vmul.f32 $1.442695020e+00, v10;
	v11 =	vmul.f32 v11, v11  }
0x4c7: {  	[tilespmem:v34+s13+$0x0] =	vst.idx.add.f32.msk $0xffff, v16;
	v7 =	vadd.f32 v44, v7;
	(erf) = vpow2.f32 v12;
	v38 =	vmul.f32 $-5.000000000e+03, v25  }
0x4c8: {  	[tilespmem:v32+s13+$0x0] =	vst.idx.add.f32.msk $0xffff, v43;
	v41 =	vor.u32 v0, v40;
	v39 =	vmul.f32 $-5.000000000e+03, v11;
	(erf) = vpow2.f32 v10  }
0x4c9: {  	[tilespmem:v48+s13+$0x0] =	vst.idx.add.f32.msk $0xffff, v21;
	v43 =	vadd.s32 v1, v40;
	v6 =	vadd.f32 v60, v6;
	v8 =	vmul.f32 $1.442695020e+00, v38  }
0x4ca: {  	[tilespmem:v33+s13+$0x0] =	vst.idx.add.f32.msk $0xffff, v45;
	v45 =	vadd.s32 v2, v40;
	v7 =	vadd.f32 v31, v7;
	v10 =	vmul.f32 $1.442695020e+00, v39  }
0x4cb: {  	[tilespmem:v55+s13+$0x0] =	vst.idx.add.f32.msk $0xffff, v20;
	v6 =	vadd.f32 v61, v6;
	v37 =	vmul.f32 v18, v18;
	(erf) = vpow2.f32 v8  }
0x4cc: {  	[tilespmem:v49+s13+$0x0] =	vst.idx.add.f32.msk $0xffff, v9;
	v48 =	vadd.s32 v3, v40;
	v7 =	vadd.f32 v18, v7;
	(erf) = vpow2.f32 v10  }
0x4cd: {  	v51 =	vld [tilespmem:s22+$0xD850];
	v49 =	vmul.f32 v42, v42;
	v44 =	vmul.f32 v27, v27;
	v6 =	vadd.f32 v37, v6  }
0x4ce: {  	[tilespmem:v56+s13+$0x0] =	vst.idx.add.f32.msk $0xffff, v50;
	v56 =	vmul.f32 v47, v47;
	v7 =	vadd.f32 v27, v7  }
0x4cf: {  	[tilespmem:v19+s13+$0x0] =	vst.idx.add.f32.msk $0xffff, v59;
	v59 =	vmul.f32 v4, v4;
	v52 =	vshll.u32 v22, $0x4;
	v6 =	vadd.f32 v44, v6  }
0x4d0: {  	[tilespmem:v13+s13+$0x0] =	vst.idx.add.f32.msk $0xffff, v5;
	v58 =	vadd.s32 v2, v52;
	v7 =	vadd.f32 v35, v7;
	v53 =	vpop (erf)  }
0x4d1: {  	v54 =	vor.u32 v0, v52;
	v57 =	vadd.s32 v1, v52;
	v6 =	vadd.f32 v46, v6;
	v55 =	vpop (erf)  }
0x4d2: {  	v7 =	vadd.f32 v42, v7;
	[tilespmem:v41+s13+$0x0] =	vst.idx.add.f32.msk $0xffff, v55;
	v10 =	vmul.f32 v55, v18  }
0x4d3: {  	v6 =	vadd.f32 v49, v6;
	v62 =	vmul.f32 v53, v18;
	[tilespmem:v43+s13+$0x0] =	vst.idx.add.f32.msk $0xffff, v53  }
0x4d4: {  	v60 =	vadd.s32 v3, v52;
	v7 =	vadd.f32 v47, v7;
	[tilespmem:v45+s13+$0x0] =	vst.idx.add.f32.msk $0xffff, v10;
	v5 =	vpop (erf)  }
0x4d5: {  	v63 =	vmul.f32 v51, v51;
	v6 =	vadd.f32 v56, v6;
	[tilespmem:v48+s13+$0x0] =	vst.idx.add.f32.msk $0xffff, v62;
	v61 =	vpop (erf)  }
0x4d6: {  	v4 =	vadd.f32 v4, v7;
	[tilespmem:v54+s13+$0x0] =	vst.idx.add.f32.msk $0xffff, v61;
	v8 =	vmul.f32 v61, v51  }
0x4d7: {  	v6 =	vadd.f32 v59, v6;
	[tilespmem:v57+s13+$0x0] =	vst.idx.add.f32.msk $0xffff, v5;
	v5 =	vmul.f32 v5, v51  }
0x4d8: {  	v4 =	vadd.f32 v51, v4;
	[tilespmem:v58+s13+$0x0] =	vst.idx.add.f32.msk $0xffff, v8  }
0x4d9: {  	s18 =	sadd.s32 $0x1, s18;
	v6 =	vadd.f32 v63, v6;
	[tilespmem:v60+s13+$0x0] =	vst.idx.add.f32.msk $0xffff, v5  }
0x4da: {  	p0 =	sne.s32 s18, s8;
	[tilespmem:$0x12440] =	vst v4  }
.Ltmp2:
0x4db: {  	[tilespmem:$0x12450] =	vst v6;
	(pc) =	sbr.rel @p0 .LBB2_1-.Ltmp2, $4  }
0x4dc: {  	[hbm4b:s7+s15] =	stream.strided.scatter [tilespmem:s13], [sflag:$0x3], $0x480, s16, s15, $0x38;
	[tilespmem:$0x12480] =	vst v63  }
0x4dd: {  	_ =	swait.ge [sflag:s17], $0x480  }
0x4de: {  	[sflag:s17] =	ssyncset.done $0x0  }
0x4df: {  	[sflag:s17] =	ssyncadd.s32 $0xFFFFFB80  }
0x4e0: {  	_ =	sfence.sel $0x180000  }
0x4e1: {  	[bflag:$0x0] =	sbarrier.arrive $0xFFFF  }
0x4e2: {  	p0 =	sne.s32 s1, $0x0;
	_ =	strace $0x90000047  }
0x4e3: {  	s0 =	sadd.s32 @!p0 $0x100000, s0;
	[bflag:$0x2] =	sbarrier.arrive $0xFFFF  }
0x4e4: {  	[sflag:s0] =	ssyncadd.tile.s32 @!p0 $0x1;
	_ =	shalt  }
.Lfunc_end2:
_tile_overlayer_lowered:
.L_overlay_start_2:
0x4e5: {  	(tag) =	ssettag $0x2  }
0x4e6: {  	s0 =	rddreg [dreg:$0x0];
	s2 =	stileid.u32  }
0x4e7: {  	s1 =	rddreg [dreg:$0x1];
	p0 =	sne.s32 s2, $0x0  }
0x4e8: {  	s3 =	rddreg [dreg:$0x2];
	[bflag:$0x3] =	sbarrier.arrive $0xFFFF;
	s2 =	simm.s32 @!p0 $0x1C03  }
0x4e9: {  	[timem:s3], [sflag:s2] =	dma.local @!p0 [hbm:s0], s1  }
0x4ea: {  	s0 =	simm.s32 @!p0 $0x3  }
0x4eb: {  	_ =	swait.ge @!p0 [sflag:s0], s1  }
0x4ec: {  	s1 =	ssub.s32 @!p0 $0x0, s1;
	[sflag:s0] =	ssyncset.done @!p0 $0x0  }
0x4ed: {  	[sflag:s0] =	ssyncadd.s32 @!p0 s1  }
0x4ee: {  	[bflag:$0x3] =	sbarrier.arrive $0xFFFF  }
0x4ef: {  	_ =	shalt  }

</sc_bundles>
